<compile_context>
chip_gen: v7x
topology: tpu7x:2x2x1
jax: 0.10.2.dev20260603
libtpu: 0.0.44.dev20260713+nightly
codegen_flags: <defaults>
</compile_context>

<pallas_src>
import functools
import numpy as np
import jax
import jax.numpy as jnp
from jax import lax
from jax.experimental import pallas as pl
from jax.experimental.pallas import tpu as pltpu
from jax.experimental.pallas import tpu_sc as plsc

_V = 8192
_K = 1024
_NC = 8192

_F = jnp.float32
_I = jnp.int32


def _build_cand_indices():
    ci = np.zeros(_NC, np.int32)
    cj = np.zeros(_NC, np.int32)
    valid = np.zeros(_NC, np.int32)
    t = 0
    for a in range(_K):
        nb = _K // (a + 1)
        if nb == 0:
            break
        ci[t:t + nb] = a
        cj[t:t + nb] = np.arange(nb, dtype=np.int32)
        valid[t:t + nb] = 1
        t += nb
    assert _K <= t <= _NC, t
    return ci, cj, valid


_CI_NP, _CJ_NP, _CVALID_NP = _build_cand_indices()
_MASK_SC_NP = (_CVALID_NP != 0).astype(np.float32)
_PK_SC_NP = np.where(_CVALID_NP != 0, 0.0,
                     _V * _K + np.arange(_NC)).astype(np.float32)


def _t128(row_chunk):
    return lax.dot_general(row_chunk, jnp.ones((1, 1), _F),
                           (((0,), (0,)), ((), ())),
                           precision=lax.Precision.HIGHEST,
                           preferred_element_type=_F)


def _topk_rank_scan(xr_get, kr_get, ki_col_fn, n):
    nch = n // 128
    rk_iota = lax.broadcasted_iota(_I, (1, _K), 1)

    def c_step(c, accs):
        va, ka = accs
        xi = _t128(xr_get(c))
        ki = ki_col_fn(c)

        def d_step(d, acc):
            xj = xr_get(d)
            kj = kr_get(d)
            beats = (xj > xi) | ((xj == xi) & (kj < ki))
            return acc + beats.astype(_I)

        acc = lax.fori_loop(0, nch, d_step, jnp.zeros((128, 128), _I),
                            unroll=8)
        rank = jnp.sum(acc, axis=1, keepdims=True)
        hit = rank == rk_iota
        va = va + jnp.sum(jnp.where(hit, xi, 0.0), axis=0, keepdims=True)
        ka = ka + jnp.sum(jnp.where(hit, ki, 0.0), axis=0, keepdims=True)
        return va, ka

    return lax.fori_loop(0, nch, c_step,
                         (jnp.zeros((1, _K), _F), jnp.zeros((1, _K), _F)))


def _topk_iota_body(xr_ref, vals_ref, idx_ref):
    def xr_get(d):
        return xr_ref[:, pl.ds(d * 128, 128)]

    def kr_get(d):
        return (lax.broadcasted_iota(_I, (1, 128), 1) + d * 128).astype(_F)

    def ki_col(c):
        return (lax.broadcasted_iota(_I, (128, 1), 0) + c * 128).astype(_F)

    va, ka = _topk_rank_scan(xr_get, kr_get, ki_col, _V)
    vals_ref[...] = va
    idx_ref[...] = ka.astype(_I)


def _topk_keyed_body(xr_ref, kr_ref, vals_ref, key_ref):
    def xr_get(d):
        return xr_ref[:, pl.ds(d * 128, 128)]

    def kr_get(d):
        return kr_ref[:, pl.ds(d * 128, 128)]

    def ki_col(c):
        return _t128(kr_ref[:, pl.ds(c * 128, 128)])

    va, ka = _topk_rank_scan(xr_get, kr_get, ki_col, _NC)
    vals_ref[...] = va
    key_ref[...] = ka.astype(_I)


_NW = 32
_CPW = _NC // _NW


def _cand_sc_body(v_hbm, u_hbm, jf_hbm, ci_hbm, cj_hbm, pk_hbm, mk_hbm,
                  cv_hbm, ck_hbm,
                  civ, cjv, pkv, mkv, vg, ug, jg, cvv, ckv, sem):
    wid = lax.axis_index("s") * 2 + lax.axis_index("c")
    base = wid * _CPW
    pltpu.sync_copy(ci_hbm.at[pl.ds(base, _CPW)], civ)
    pltpu.sync_copy(cj_hbm.at[pl.ds(base, _CPW)], cjv)
    pltpu.sync_copy(pk_hbm.at[pl.ds(base, _CPW)], pkv)
    pltpu.sync_copy(mk_hbm.at[pl.ds(base, _CPW)], mkv)
    pltpu.async_copy(v_hbm.at[civ], vg, sem).wait()
    pltpu.async_copy(u_hbm.at[cjv], ug, sem).wait()
    pltpu.async_copy(jf_hbm.at[cjv], jg, sem).wait()
    for t in range(_CPW // 16):
        sl = pl.ds(t * 16, 16)
        m = mkv[sl]
        cvv[sl] = vg[sl] * ug[sl] * m + (m - 1.0)
        ckv[sl] = (civ[sl].astype(_F) * _V + jg[sl]) * m + pkv[sl]
    pltpu.sync_copy(cvv, cv_hbm.at[pl.ds(base, _CPW)])
    pltpu.sync_copy(ckv, ck_hbm.at[pl.ds(base, _CPW)])


def _make_cand_sc():
    mesh = plsc.VectorSubcoreMesh(core_axis_name="c", subcore_axis_name="s")
    return functools.partial(
        pl.kernel, mesh=mesh,
        out_type=[jax.ShapeDtypeStruct((_NC,), _F),
                  jax.ShapeDtypeStruct((_NC,), _F)],
        scratch_types=[
            pltpu.VMEM((_CPW,), _I), pltpu.VMEM((_CPW,), _I),
            pltpu.VMEM((_CPW,), _F), pltpu.VMEM((_CPW,), _F),
            pltpu.VMEM((_CPW,), _F), pltpu.VMEM((_CPW,), _F),
            pltpu.VMEM((_CPW,), _F),
            pltpu.VMEM((_CPW,), _F), pltpu.VMEM((_CPW,), _F),
            pltpu.SemaphoreType.DMA,
        ],
    )(_cand_sc_body)


def _resolve_body(i1r_ref, sk2r_ref, sk3r_ref, s0_ref, s1_ref, s2_ref):
    sk3 = sk3r_ref[...]
    r3 = jnp.floor(sk3 * (1.0 / _V))
    c3 = sk3 - r3 * _V

    def step(kb, acc):
        e, s1 = acc
        kc = (lax.broadcasted_iota(_I, (128, 1), 0) + kb * 128).astype(_F)
        sk2c = _t128(sk2r_ref[:, pl.ds(kb * 128, 128)])
        a2c = jnp.floor(sk2c * (1.0 / _V))
        b2c = sk2c - a2c * _V
        m = kc == r3
        e = e + jnp.sum(jnp.where(m, a2c, 0.0), axis=0, keepdims=True)
        s1 = s1 + jnp.sum(jnp.where(m, b2c, 0.0), axis=0, keepdims=True)
        return e, s1

    e, s1 = lax.fori_loop(0, _K // 128, step,
                          (jnp.zeros((1, _K), _F), jnp.zeros((1, _K), _F)))

    def step2(kb, s0):
        kc = (lax.broadcasted_iota(_I, (128, 1), 0) + kb * 128).astype(_F)
        i1c = _t128(i1r_ref[:, pl.ds(kb * 128, 128)])
        m2 = kc == e
        return s0 + jnp.sum(jnp.where(m2, i1c, 0.0), axis=0, keepdims=True)

    s0 = lax.fori_loop(0, _K // 128, step2, jnp.zeros((1, _K), _F))
    s0_ref[...] = s0.astype(_I)
    s1_ref[...] = s1.astype(_I)
    s2_ref[...] = c3.astype(_I)


_RPB = 8


def _mat_body(v3_ref, s0_ref, s1_ref, s2_ref, p3_ref, probs_ref, syms_ref):
    p3v = p3_ref[...]
    G = _V // 128
    jpat = (lax.broadcasted_iota(_I, (G, 4, 128), 0) * 128
            + lax.broadcasted_iota(_I, (G, 4, 128), 2))
    cidx = lax.broadcasted_iota(_I, (G, 4, 128), 1)
    for rr in range(_RPB):
        v3 = v3_ref[0, 0, rr]
        probs_ref[pl.ds(rr * _V, _V)] = (v3 * p3v).reshape(_V)
        s0 = s0_ref[0, 0, rr]
        s1 = s1_ref[0, 0, rr]
        s2 = s2_ref[0, 0, rr]
        out = jnp.where(cidx == 0, s0,
                        jnp.where(cidx == 1, s1,
                                  jnp.where(cidx == 2, s2, jpat)))
        syms_ref[pl.ds(rr * G, G), :, :] = out


def kernel(p0, p1, p2, p3, k):
    del k

    topk_iota = pl.pallas_call(
        _topk_iota_body,
        out_shape=[jax.ShapeDtypeStruct((1, _K), _F),
                   jax.ShapeDtypeStruct((1, _K), _I)],
    )
    topk_keyed = pl.pallas_call(
        _topk_keyed_body,
        out_shape=[jax.ShapeDtypeStruct((1, _K), _F),
                   jax.ShapeDtypeStruct((1, _K), _I)],
    )
    resolve = pl.pallas_call(
        _resolve_body,
        out_shape=[jax.ShapeDtypeStruct((1, _K), _I)] * 3,
    )
    mat = pl.pallas_call(
        _mat_body,
        grid=(_K // _RPB,),
        in_specs=[
            pl.BlockSpec((1, 1, _RPB), lambda i: (i, 0, 0)),
            pl.BlockSpec((1, 1, _RPB), lambda i: (i, 0, 0)),
            pl.BlockSpec((1, 1, _RPB), lambda i: (i, 0, 0)),
            pl.BlockSpec((1, 1, _RPB), lambda i: (i, 0, 0)),
            pl.BlockSpec((1, _V), lambda i: (0, 0)),
        ],
        out_specs=[
            pl.BlockSpec((_V * _RPB,), lambda i: (i,)),
            pl.BlockSpec((_V // 128 * _RPB, 4, 128), lambda i: (i, 0, 0)),
        ],
        out_shape=[jax.ShapeDtypeStruct((_K * _V,), _F),
                   jax.ShapeDtypeStruct((_K * _V // 128, 4, 128), _I)],
    )

    cand_sc = _make_cand_sc()
    ci_sc = jnp.asarray(_CI_NP)
    cj_sc = jnp.asarray(_CJ_NP)
    pk_sc = jnp.asarray(_PK_SC_NP)
    mk_sc = jnp.asarray(_MASK_SC_NP)

    def row(a):
        return a.reshape(1, a.size)

    v1, i1 = topk_iota(row(p0))
    u1, j1 = topk_iota(row(p1))
    u2, j2 = topk_iota(row(p2))

    cv2, ck2 = cand_sc(v1.reshape(_K), u1.reshape(_K),
                       j1.astype(_F).reshape(_K), ci_sc, cj_sc, pk_sc, mk_sc)
    v2, sk2 = topk_keyed(row(cv2), row(ck2))

    cv3, ck3 = cand_sc(v2.reshape(_K), u2.reshape(_K),
                       j2.astype(_F).reshape(_K), ci_sc, cj_sc, pk_sc, mk_sc)
    v3, sk3 = topk_keyed(row(cv3), row(ck3))

    s0, s1, s2 = resolve(i1.astype(_F), sk2.astype(_F), sk3.astype(_F))

    def grp(a):
        return a.reshape(_K // _RPB, 1, _RPB)

    probs1d, syms3d = mat(grp(v3), grp(s0), grp(s1), grp(s2),
                          p3.reshape(1, _V))
    return probs1d, syms3d.transpose(0, 2, 1).reshape(_K * _V, 4)

# --- scband reference (transcript-rebuilt; emitter-appended) ---
"""Pipeline reference for scband-collate-33973191311903 (READ-ONLY COPY).

The authoritative reference and input builder live on the scoring server;
editing this copy changes nothing except your own understanding.
"""

import jax, jax.numpy as jnp
import numpy as np

V = 8192
NUM_DISTRS = 4
K = 1024


def setup_inputs(seed: int = 0) -> dict:
    key = jax.random.key(seed)
    ks = jax.random.split(key, NUM_DISTRS)
    inp = {}
    for i in range(NUM_DISTRS):
        p = jax.random.uniform(ks[i], (V,), dtype=jnp.float32) + 1e-6
        inp[f"p{i}"] = p / jnp.sum(p)
    inp["k"] = K  # scalar python int (top-k kept between collate steps)
    return inp


def reference(p0, p1, p2, p3, k):
    # Faithful translation of Collate.forward:
    #   res = distrs[0].map(lambda x: (x,))
    #   for d in distrs[1:]:
    #       res = res.sample_top_k(k)          # keep k most probable joint symbols
    #       res = res.apply(d, lambda x,y: x+(y,))  # outer product of probs, tuple-concat symbols
    k = jnp.asarray(k)
    probs = p0 * (k // k).astype(p0.dtype)
    syms = jnp.arange(p0.shape[0], dtype=jnp.int32)[:, None]  # symbol tuples, [N, t]
    for p in (p1, p2, p3):
        # sample_top_k: keep the k highest-probability joint symbols
        vals, idx = jax.lax.top_k(probs, K)
        probs = vals
        syms = syms[idx]
        # apply: joint distribution via outer product of probabilities
        N = probs.shape[0]
        M = p.shape[0]
        probs = (probs[:, None] * p[None, :]).reshape(-1)  # [N*M]
        left = jnp.repeat(syms, M, axis=0)                  # [N*M, t]
        right = jnp.tile(jnp.arange(M, dtype=jnp.int32), N)[:, None]  # [N*M, 1]
        syms = jnp.concatenate([left, right], axis=1)       # [N*M, t+1]
    return probs, syms

if __name__ == "__main__":
    import jax
    _d = setup_inputs()
    print(jax.jit(kernel)(*tuple(_d.values())))

</pallas_src>

<mosaic_0001>
#map = affine_map<(d0, d1) -> (0)>
module attributes {stable_mosaic.version = 14 : i64} {
  func.func @_cand_sc_body(%arg0: i32, %arg1: i32, %arg2: memref<1024xf32, #tpu.memory_space<hbm>>, %arg3: memref<1024xf32, #tpu.memory_space<hbm>>, %arg4: memref<1024xf32, #tpu.memory_space<hbm>>, %arg5: memref<8192xi32, #tpu.memory_space<hbm>>, %arg6: memref<8192xi32, #tpu.memory_space<hbm>>, %arg7: memref<8192xf32, #tpu.memory_space<hbm>>, %arg8: memref<8192xf32, #tpu.memory_space<hbm>>, %arg9: memref<8192xf32, #tpu.memory_space<hbm>>, %arg10: memref<8192xf32, #tpu.memory_space<hbm>>, %arg11: memref<256xi32, #tpu.memory_space<vmem>>, %arg12: memref<256xi32, #tpu.memory_space<vmem>>, %arg13: memref<256xf32, #tpu.memory_space<vmem>>, %arg14: memref<256xf32, #tpu.memory_space<vmem>>, %arg15: memref<256xf32, #tpu.memory_space<vmem>>, %arg16: memref<256xf32, #tpu.memory_space<vmem>>, %arg17: memref<256xf32, #tpu.memory_space<vmem>>, %arg18: memref<256xf32, #tpu.memory_space<vmem>>, %arg19: memref<256xf32, #tpu.memory_space<vmem>>, %arg20: memref<!tpu.dma_semaphore, #tpu.memory_space<semaphore_mem>>) attributes {dimension_semantics = [#tpu.dimension_semantics<core_parallel>, #tpu.dimension_semantics<subcore_parallel>], iteration_bounds = array<i64: 2, 16>, scalar_prefetch = 0 : i64, scratch_operands = 10 : i64, tpu.core_type = #tpu.core_type<sc_vector_subcore>, window_params = [{transform_indices = #map}, {transform_indices = #map}, {transform_indices = #map}, {transform_indices = #map}, {transform_indices = #map}, {transform_indices = #map}, {transform_indices = #map}, {transform_indices = #map}, {transform_indices = #map}]} {
    %mul3A = arith.constant 2 : i32
    %mul3A_0 = arith.muli %arg1, %mul3A : i32
    %add3A = arith.addi %mul3A_0, %arg0 : i32
    %mul3A_1 = arith.constant 256 : i32
    %mul3A_2 = arith.muli %add3A, %mul3A_1 : i32
    "tpu.region"() ({
      %run_scoped3A = tpu.sem_alloc : memref<!tpu.dma_semaphore, #tpu.memory_space<semaphore_mem>>
      %dma_start3A_633 = tpu.memref_slice %arg5[%mul3A_2] : memref<8192xi32, #tpu.memory_space<hbm>> -> memref<256xi32, #tpu.memory_space<hbm>>
      %dma_start3A_634 = tpu.memref_slice %arg5[%mul3A_2] : memref<8192xi32, #tpu.memory_space<hbm>> -> memref<256xi32, #tpu.memory_space<hbm>>
      tpu.enqueue_dma source(%dma_start3A_634 : memref<256xi32, #tpu.memory_space<hbm>>) target(%arg11 : memref<256xi32, #tpu.memory_space<vmem>>) target_semaphore(%run_scoped3A : memref<!tpu.dma_semaphore, #tpu.memory_space<semaphore_mem>>)
      %dma_wait3A_635 = tpu.memref_slice %arg5[%mul3A_2] : memref<8192xi32, #tpu.memory_space<hbm>> -> memref<256xi32, #tpu.memory_space<hbm>>
      %dma_wait3A_636 = tpu.memref_slice %arg5[%mul3A_2] : memref<8192xi32, #tpu.memory_space<hbm>> -> memref<256xi32, #tpu.memory_space<hbm>>
      tpu.wait_dma2 semaphore(%run_scoped3A : memref<!tpu.dma_semaphore, #tpu.memory_space<semaphore_mem>>) src(%dma_wait3A_636 : memref<256xi32, #tpu.memory_space<hbm>>) dst(%arg11 : memref<256xi32, #tpu.memory_space<vmem>>)
      tpu.yield
    }) : () -> ()
    "tpu.region"() ({
      %run_scoped3A = tpu.sem_alloc : memref<!tpu.dma_semaphore, #tpu.memory_space<semaphore_mem>>
      %dma_start3A_633 = tpu.memref_slice %arg6[%mul3A_2] : memref<8192xi32, #tpu.memory_space<hbm>> -> memref<256xi32, #tpu.memory_space<hbm>>
      %dma_start3A_634 = tpu.memref_slice %arg6[%mul3A_2] : memref<8192xi32, #tpu.memory_space<hbm>> -> memref<256xi32, #tpu.memory_space<hbm>>
      tpu.enqueue_dma source(%dma_start3A_634 : memref<256xi32, #tpu.memory_space<hbm>>) target(%arg12 : memref<256xi32, #tpu.memory_space<vmem>>) target_semaphore(%run_scoped3A : memref<!tpu.dma_semaphore, #tpu.memory_space<semaphore_mem>>)
      %dma_wait3A_635 = tpu.memref_slice %arg6[%mul3A_2] : memref<8192xi32, #tpu.memory_space<hbm>> -> memref<256xi32, #tpu.memory_space<hbm>>
      %dma_wait3A_636 = tpu.memref_slice %arg6[%mul3A_2] : memref<8192xi32, #tpu.memory_space<hbm>> -> memref<256xi32, #tpu.memory_space<hbm>>
      tpu.wait_dma2 semaphore(%run_scoped3A : memref<!tpu.dma_semaphore, #tpu.memory_space<semaphore_mem>>) src(%dma_wait3A_636 : memref<256xi32, #tpu.memory_space<hbm>>) dst(%arg12 : memref<256xi32, #tpu.memory_space<vmem>>)
      tpu.yield
    }) : () -> ()
    "tpu.region"() ({
      %run_scoped3A = tpu.sem_alloc : memref<!tpu.dma_semaphore, #tpu.memory_space<semaphore_mem>>
      %dma_start3A_633 = tpu.memref_slice %arg7[%mul3A_2] : memref<8192xf32, #tpu.memory_space<hbm>> -> memref<256xf32, #tpu.memory_space<hbm>>
      %dma_start3A_634 = tpu.memref_slice %arg7[%mul3A_2] : memref<8192xf32, #tpu.memory_space<hbm>> -> memref<256xf32, #tpu.memory_space<hbm>>
      tpu.enqueue_dma source(%dma_start3A_634 : memref<256xf32, #tpu.memory_space<hbm>>) target(%arg13 : memref<256xf32, #tpu.memory_space<vmem>>) target_semaphore(%run_scoped3A : memref<!tpu.dma_semaphore, #tpu.memory_space<semaphore_mem>>)
      %dma_wait3A_635 = tpu.memref_slice %arg7[%mul3A_2] : memref<8192xf32, #tpu.memory_space<hbm>> -> memref<256xf32, #tpu.memory_space<hbm>>
      %dma_wait3A_636 = tpu.memref_slice %arg7[%mul3A_2] : memref<8192xf32, #tpu.memory_space<hbm>> -> memref<256xf32, #tpu.memory_space<hbm>>
      tpu.wait_dma2 semaphore(%run_scoped3A : memref<!tpu.dma_semaphore, #tpu.memory_space<semaphore_mem>>) src(%dma_wait3A_636 : memref<256xf32, #tpu.memory_space<hbm>>) dst(%arg13 : memref<256xf32, #tpu.memory_space<vmem>>)
      tpu.yield
    }) : () -> ()
    "tpu.region"() ({
      %run_scoped3A = tpu.sem_alloc : memref<!tpu.dma_semaphore, #tpu.memory_space<semaphore_mem>>
      %dma_start3A_633 = tpu.memref_slice %arg8[%mul3A_2] : memref<8192xf32, #tpu.memory_space<hbm>> -> memref<256xf32, #tpu.memory_space<hbm>>
      %dma_start3A_634 = tpu.memref_slice %arg8[%mul3A_2] : memref<8192xf32, #tpu.memory_space<hbm>> -> memref<256xf32, #tpu.memory_space<hbm>>
      tpu.enqueue_dma source(%dma_start3A_634 : memref<256xf32, #tpu.memory_space<hbm>>) target(%arg14 : memref<256xf32, #tpu.memory_space<vmem>>) target_semaphore(%run_scoped3A : memref<!tpu.dma_semaphore, #tpu.memory_space<semaphore_mem>>)
      %dma_wait3A_635 = tpu.memref_slice %arg8[%mul3A_2] : memref<8192xf32, #tpu.memory_space<hbm>> -> memref<256xf32, #tpu.memory_space<hbm>>
      %dma_wait3A_636 = tpu.memref_slice %arg8[%mul3A_2] : memref<8192xf32, #tpu.memory_space<hbm>> -> memref<256xf32, #tpu.memory_space<hbm>>
      tpu.wait_dma2 semaphore(%run_scoped3A : memref<!tpu.dma_semaphore, #tpu.memory_space<semaphore_mem>>) src(%dma_wait3A_636 : memref<256xf32, #tpu.memory_space<hbm>>) dst(%arg14 : memref<256xf32, #tpu.memory_space<vmem>>)
      tpu.yield
    }) : () -> ()
    %dma_start3A = arith.constant 0 : i32
    %dma_start3A_3 = tpu.memref_slice %arg2[%dma_start3A] : memref<1024xf32, #tpu.memory_space<hbm>> -> memref<1024xf32, #tpu.memory_space<hbm>>
    tpu.enqueue_indirect_dma source(%dma_start3A_3 : memref<1024xf32, #tpu.memory_space<hbm>>) target(%arg15 : memref<256xf32, #tpu.memory_space<vmem>>) offsets(%arg11 : memref<256xi32, #tpu.memory_space<vmem>>) semaphore(%arg20 : memref<!tpu.dma_semaphore, #tpu.memory_space<semaphore_mem>>)
    %dma_wait3A = arith.constant 0 : i32
    %dma_wait3A_4 = tpu.memref_slice %arg2[%dma_wait3A] : memref<1024xf32, #tpu.memory_space<hbm>> -> memref<1024xf32, #tpu.memory_space<hbm>>
    tpu.wait_indirect_dma semaphore(%arg20 : memref<!tpu.dma_semaphore, #tpu.memory_space<semaphore_mem>>) src(%dma_wait3A_4 : memref<1024xf32, #tpu.memory_space<hbm>>) dst(%arg15 : memref<256xf32, #tpu.memory_space<vmem>>)
    %dma_start3A_5 = arith.constant 0 : i32
    %dma_start3A_6 = tpu.memref_slice %arg3[%dma_start3A_5] : memref<1024xf32, #tpu.memory_space<hbm>> -> memref<1024xf32, #tpu.memory_space<hbm>>
    tpu.enqueue_indirect_dma source(%dma_start3A_6 : memref<1024xf32, #tpu.memory_space<hbm>>) target(%arg16 : memref<256xf32, #tpu.memory_space<vmem>>) offsets(%arg12 : memref<256xi32, #tpu.memory_space<vmem>>) semaphore(%arg20 : memref<!tpu.dma_semaphore, #tpu.memory_space<semaphore_mem>>)
    %dma_wait3A_7 = arith.constant 0 : i32
    %dma_wait3A_8 = tpu.memref_slice %arg3[%dma_wait3A_7] : memref<1024xf32, #tpu.memory_space<hbm>> -> memref<1024xf32, #tpu.memory_space<hbm>>
    tpu.wait_indirect_dma semaphore(%arg20 : memref<!tpu.dma_semaphore, #tpu.memory_space<semaphore_mem>>) src(%dma_wait3A_8 : memref<1024xf32, #tpu.memory_space<hbm>>) dst(%arg16 : memref<256xf32, #tpu.memory_space<vmem>>)
    %dma_start3A_9 = arith.constant 0 : i32
    %dma_start3A_10 = tpu.memref_slice %arg4[%dma_start3A_9] : memref<1024xf32, #tpu.memory_space<hbm>> -> memref<1024xf32, #tpu.memory_space<hbm>>
    tpu.enqueue_indirect_dma source(%dma_start3A_10 : memref<1024xf32, #tpu.memory_space<hbm>>) target(%arg17 : memref<256xf32, #tpu.memory_space<vmem>>) offsets(%arg12 : memref<256xi32, #tpu.memory_space<vmem>>) semaphore(%arg20 : memref<!tpu.dma_semaphore, #tpu.memory_space<semaphore_mem>>)
    %dma_wait3A_11 = arith.constant 0 : i32
    %dma_wait3A_12 = tpu.memref_slice %arg4[%dma_wait3A_11] : memref<1024xf32, #tpu.memory_space<hbm>> -> memref<1024xf32, #tpu.memory_space<hbm>>
    tpu.wait_indirect_dma semaphore(%arg20 : memref<!tpu.dma_semaphore, #tpu.memory_space<semaphore_mem>>) src(%dma_wait3A_12 : memref<1024xf32, #tpu.memory_space<hbm>>) dst(%arg17 : memref<256xf32, #tpu.memory_space<vmem>>)
    %get3A = arith.constant 0 : index
    %get3A_13 = tpu.vector_load %arg14[%get3A] {strides = array<i32>} : memref<256xf32, #tpu.memory_space<vmem>>, vector<16xf32>,
    %get3A_14 = vector.shape_cast %get3A_13 : vector<16xf32> to vector<16xf32>
    %get3A_15 = arith.constant 0 : index
    %get3A_16 = tpu.vector_load %arg15[%get3A_15] {strides = array<i32>} : memref<256xf32, #tpu.memory_space<vmem>>, vector<16xf32>,
    %get3A_17 = vector.shape_cast %get3A_16 : vector<16xf32> to vector<16xf32>
    %get3A_18 = arith.constant 0 : index
    %get3A_19 = tpu.vector_load %arg16[%get3A_18] {strides = array<i32>} : memref<256xf32, #tpu.memory_space<vmem>>, vector<16xf32>,
    %get3A_20 = vector.shape_cast %get3A_19 : vector<16xf32> to vector<16xf32>
    %mul3A_21 = arith.mulf %get3A_17, %get3A_20 : vector<16xf32>
    %mul3A_22 = arith.mulf %mul3A_21, %get3A_14 : vector<16xf32>
    %sub3A = arith.constant 1.000000e+00 : f32
    %sub3A_23 = vector.broadcast %sub3A : f32 to vector<16xf32>
    %sub3A_24 = arith.subf %get3A_14, %sub3A_23 : vector<16xf32>
    %add3A_25 = arith.addf %mul3A_22, %sub3A_24 : vector<16xf32>
    %swap3A = arith.constant 0 : index
    %swap3A_26 = tpu.vector_load %arg18[%swap3A] {strides = array<i32>} : memref<256xf32, #tpu.memory_space<vmem>>, vector<16xf32>,
    %swap3A_27 = vector.shape_cast %swap3A_26 : vector<16xf32> to vector<16xf32>
    %swap3A_28 = vector.shape_cast %add3A_25 : vector<16xf32> to vector<16xf32>
    tpu.vector_store %arg18[%swap3A], %swap3A_28 {strides = array<i32>} : memref<256xf32, #tpu.memory_space<vmem>>, vector<16xf32>,
    %get3A_29 = arith.constant 0 : index
    %get3A_30 = tpu.vector_load %arg11[%get3A_29] {strides = array<i32>} : memref<256xi32, #tpu.memory_space<vmem>>, vector<16xi32>,
    %get3A_31 = vector.shape_cast %get3A_30 : vector<16xi32> to vector<16xi32>
    %convert_element_type3A = arith.sitofp %get3A_31 : vector<16xi32> to vector<16xf32>
    %mul3A_32 = arith.constant 8.192000e+03 : f32
    %mul3A_33 = vector.broadcast %mul3A_32 : f32 to vector<16xf32>
    %mul3A_34 = arith.mulf %convert_element_type3A, %mul3A_33 : vector<16xf32>
    %get3A_35 = arith.constant 0 : index
    %get3A_36 = tpu.vector_load %arg17[%get3A_35] {strides = array<i32>} : memref<256xf32, #tpu.memory_space<vmem>>, vector<16xf32>,
    %get3A_37 = vector.shape_cast %get3A_36 : vector<16xf32> to vector<16xf32>
    %add3A_38 = arith.addf %mul3A_34, %get3A_37 : vector<16xf32>
    %mul3A_39 = arith.mulf %add3A_38, %get3A_14 : vector<16xf32>
    %get3A_40 = arith.constant 0 : index
    %get3A_41 = tpu.vector_load %arg13[%get3A_40] {strides = array<i32>} : memref<256xf32, #tpu.memory_space<vmem>>, vector<16xf32>,
    %get3A_42 = vector.shape_cast %get3A_41 : vector<16xf32> to vector<16xf32>
    %add3A_43 = arith.addf %mul3A_39, %get3A_42 : vector<16xf32>
    %swap3A_44 = arith.constant 0 : index
    %swap3A_45 = tpu.vector_load %arg19[%swap3A_44] {strides = array<i32>} : memref<256xf32, #tpu.memory_space<vmem>>, vector<16xf32>,
    %swap3A_46 = vector.shape_cast %swap3A_45 : vector<16xf32> to vector<16xf32>
    %swap3A_47 = vector.shape_cast %add3A_43 : vector<16xf32> to vector<16xf32>
    tpu.vector_store %arg19[%swap3A_44], %swap3A_47 {strides = array<i32>} : memref<256xf32, #tpu.memory_space<vmem>>, vector<16xf32>,
    %get3A_48 = arith.constant 16 : index
    %get3A_49 = tpu.vector_load %arg14[%get3A_48] {strides = array<i32>} : memref<256xf32, #tpu.memory_space<vmem>>, vector<16xf32>,
    %get3A_50 = vector.shape_cast %get3A_49 : vector<16xf32> to vector<16xf32>
    %get3A_51 = arith.constant 16 : index
    %get3A_52 = tpu.vector_load %arg15[%get3A_51] {strides = array<i32>} : memref<256xf32, #tpu.memory_space<vmem>>, vector<16xf32>,
    %get3A_53 = vector.shape_cast %get3A_52 : vector<16xf32> to vector<16xf32>
    %get3A_54 = arith.constant 16 : index
    %get3A_55 = tpu.vector_load %arg16[%get3A_54] {strides = array<i32>} : memref<256xf32, #tpu.memory_space<vmem>>, vector<16xf32>,
    %get3A_56 = vector.shape_cast %get3A_55 : vector<16xf32> to vector<16xf32>
    %mul3A_57 = arith.mulf %get3A_53, %get3A_56 : vector<16xf32>
    %mul3A_58 = arith.mulf %mul3A_57, %get3A_50 : vector<16xf32>
    %sub3A_59 = arith.constant 1.000000e+00 : f32
    %sub3A_60 = vector.broadcast %sub3A_59 : f32 to vector<16xf32>
    %sub3A_61 = arith.subf %get3A_50, %sub3A_60 : vector<16xf32>
    %add3A_62 = arith.addf %mul3A_58, %sub3A_61 : vector<16xf32>
    %swap3A_63 = arith.constant 16 : index
    %swap3A_64 = tpu.vector_load %arg18[%swap3A_63] {strides = array<i32>} : memref<256xf32, #tpu.memory_space<vmem>>, vector<16xf32>,
    %swap3A_65 = vector.shape_cast %swap3A_64 : vector<16xf32> to vector<16xf32>
    %swap3A_66 = vector.shape_cast %add3A_62 : vector<16xf32> to vector<16xf32>
    tpu.vector_store %arg18[%swap3A_63], %swap3A_66 {strides = array<i32>} : memref<256xf32, #tpu.memory_space<vmem>>, vector<16xf32>,
    %get3A_67 = arith.constant 16 : index
    %get3A_68 = tpu.vector_load %arg11[%get3A_67] {strides = array<i32>} : memref<256xi32, #tpu.memory_space<vmem>>, vector<16xi32>,
    %get3A_69 = vector.shape_cast %get3A_68 : vector<16xi32> to vector<16xi32>
    %convert_element_type3A_70 = arith.sitofp %get3A_69 : vector<16xi32> to vector<16xf32>
    %mul3A_71 = arith.constant 8.192000e+03 : f32
    %mul3A_72 = vector.broadcast %mul3A_71 : f32 to vector<16xf32>
    %mul3A_73 = arith.mulf %convert_element_type3A_70, %mul3A_72 : vector<16xf32>
    %get3A_74 = arith.constant 16 : index
    %get3A_75 = tpu.vector_load %arg17[%get3A_74] {strides = array<i32>} : memref<256xf32, #tpu.memory_space<vmem>>, vector<16xf32>,
    %get3A_76 = vector.shape_cast %get3A_75 : vector<16xf32> to vector<16xf32>
    %add3A_77 = arith.addf %mul3A_73, %get3A_76 : vector<16xf32>
    %mul3A_78 = arith.mulf %add3A_77, %get3A_50 : vector<16xf32>
    %get3A_79 = arith.constant 16 : index
    %get3A_80 = tpu.vector_load %arg13[%get3A_79] {strides = array<i32>} : memref<256xf32, #tpu.memory_space<vmem>>, vector<16xf32>,
    %get3A_81 = vector.shape_cast %get3A_80 : vector<16xf32> to vector<16xf32>
    %add3A_82 = arith.addf %mul3A_78, %get3A_81 : vector<16xf32>
    %swap3A_83 = arith.constant 16 : index
    %swap3A_84 = tpu.vector_load %arg19[%swap3A_83] {strides = array<i32>} : memref<256xf32, #tpu.memory_space<vmem>>, vector<16xf32>,
    %swap3A_85 = vector.shape_cast %swap3A_84 : vector<16xf32> to vector<16xf32>
    %swap3A_86 = vector.shape_cast %add3A_82 : vector<16xf32> to vector<16xf32>
    tpu.vector_store %arg19[%swap3A_83], %swap3A_86 {strides = array<i32>} : memref<256xf32, #tpu.memory_space<vmem>>, vector<16xf32>,
    %get3A_87 = arith.constant 32 : index
    %get3A_88 = tpu.vector_load %arg14[%get3A_87] {strides = array<i32>} : memref<256xf32, #tpu.memory_space<vmem>>, vector<16xf32>,
    %get3A_89 = vector.shape_cast %get3A_88 : vector<16xf32> to vector<16xf32>
    %get3A_90 = arith.constant 32 : index
    %get3A_91 = tpu.vector_load %arg15[%get3A_90] {strides = array<i32>} : memref<256xf32, #tpu.memory_space<vmem>>, vector<16xf32>,
    %get3A_92 = vector.shape_cast %get3A_91 : vector<16xf32> to vector<16xf32>
    %get3A_93 = arith.constant 32 : index
    %get3A_94 = tpu.vector_load %arg16[%get3A_93] {strides = array<i32>} : memref<256xf32, #tpu.memory_space<vmem>>, vector<16xf32>,
    %get3A_95 = vector.shape_cast %get3A_94 : vector<16xf32> to vector<16xf32>
    %mul3A_96 = arith.mulf %get3A_92, %get3A_95 : vector<16xf32>
    %mul3A_97 = arith.mulf %mul3A_96, %get3A_89 : vector<16xf32>
    %sub3A_98 = arith.constant 1.000000e+00 : f32
    %sub3A_99 = vector.broadcast %sub3A_98 : f32 to vector<16xf32>
    %sub3A_100 = arith.subf %get3A_89, %sub3A_99 : vector<16xf32>
    %add3A_101 = arith.addf %mul3A_97, %sub3A_100 : vector<16xf32>
    %swap3A_102 = arith.constant 32 : index
    %swap3A_103 = tpu.vector_load %arg18[%swap3A_102] {strides = array<i32>} : memref<256xf32, #tpu.memory_space<vmem>>, vector<16xf32>,
    %swap3A_104 = vector.shape_cast %swap3A_103 : vector<16xf32> to vector<16xf32>
    %swap3A_105 = vector.shape_cast %add3A_101 : vector<16xf32> to vector<16xf32>
    tpu.vector_store %arg18[%swap3A_102], %swap3A_105 {strides = array<i32>} : memref<256xf32, #tpu.memory_space<vmem>>, vector<16xf32>,
    %get3A_106 = arith.constant 32 : index
    %get3A_107 = tpu.vector_load %arg11[%get3A_106] {strides = array<i32>} : memref<256xi32, #tpu.memory_space<vmem>>, vector<16xi32>,
    %get3A_108 = vector.shape_cast %get3A_107 : vector<16xi32> to vector<16xi32>
    %convert_element_type3A_109 = arith.sitofp %get3A_108 : vector<16xi32> to vector<16xf32>
    %mul3A_110 = arith.constant 8.192000e+03 : f32
    %mul3A_111 = vector.broadcast %mul3A_110 : f32 to vector<16xf32>
    %mul3A_112 = arith.mulf %convert_element_type3A_109, %mul3A_111 : vector<16xf32>
    %get3A_113 = arith.constant 32 : index
    %get3A_114 = tpu.vector_load %arg17[%get3A_113] {strides = array<i32>} : memref<256xf32, #tpu.memory_space<vmem>>, vector<16xf32>,
    %get3A_115 = vector.shape_cast %get3A_114 : vector<16xf32> to vector<16xf32>
    %add3A_116 = arith.addf %mul3A_112, %get3A_115 : vector<16xf32>
    %mul3A_117 = arith.mulf %add3A_116, %get3A_89 : vector<16xf32>
    %get3A_118 = arith.constant 32 : index
    %get3A_119 = tpu.vector_load %arg13[%get3A_118] {strides = array<i32>} : memref<256xf32, #tpu.memory_space<vmem>>, vector<16xf32>,
    %get3A_120 = vector.shape_cast %get3A_119 : vector<16xf32> to vector<16xf32>
    %add3A_121 = arith.addf %mul3A_117, %get3A_120 : vector<16xf32>
    %swap3A_122 = arith.constant 32 : index
    %swap3A_123 = tpu.vector_load %arg19[%swap3A_122] {strides = array<i32>} : memref<256xf32, #tpu.memory_space<vmem>>, vector<16xf32>,
    %swap3A_124 = vector.shape_cast %swap3A_123 : vector<16xf32> to vector<16xf32>
    %swap3A_125 = vector.shape_cast %add3A_121 : vector<16xf32> to vector<16xf32>
    tpu.vector_store %arg19[%swap3A_122], %swap3A_125 {strides = array<i32>} : memref<256xf32, #tpu.memory_space<vmem>>, vector<16xf32>,
    %get3A_126 = arith.constant 48 : index
    %get3A_127 = tpu.vector_load %arg14[%get3A_126] {strides = array<i32>} : memref<256xf32, #tpu.memory_space<vmem>>, vector<16xf32>,
    %get3A_128 = vector.shape_cast %get3A_127 : vector<16xf32> to vector<16xf32>
    %get3A_129 = arith.constant 48 : index
    %get3A_130 = tpu.vector_load %arg15[%get3A_129] {strides = array<i32>} : memref<256xf32, #tpu.memory_space<vmem>>, vector<16xf32>,
    %get3A_131 = vector.shape_cast %get3A_130 : vector<16xf32> to vector<16xf32>
    %get3A_132 = arith.constant 48 : index
    %get3A_133 = tpu.vector_load %arg16[%get3A_132] {strides = array<i32>} : memref<256xf32, #tpu.memory_space<vmem>>, vector<16xf32>,
    %get3A_134 = vector.shape_cast %get3A_133 : vector<16xf32> to vector<16xf32>
    %mul3A_135 = arith.mulf %get3A_131, %get3A_134 : vector<16xf32>
    %mul3A_136 = arith.mulf %mul3A_135, %get3A_128 : vector<16xf32>
    %sub3A_137 = arith.constant 1.000000e+00 : f32
    %sub3A_138 = vector.broadcast %sub3A_137 : f32 to vector<16xf32>
    %sub3A_139 = arith.subf %get3A_128, %sub3A_138 : vector<16xf32>
    %add3A_140 = arith.addf %mul3A_136, %sub3A_139 : vector<16xf32>
    %swap3A_141 = arith.constant 48 : index
    %swap3A_142 = tpu.vector_load %arg18[%swap3A_141] {strides = array<i32>} : memref<256xf32, #tpu.memory_space<vmem>>, vector<16xf32>,
    %swap3A_143 = vector.shape_cast %swap3A_142 : vector<16xf32> to vector<16xf32>
    %swap3A_144 = vector.shape_cast %add3A_140 : vector<16xf32> to vector<16xf32>
    tpu.vector_store %arg18[%swap3A_141], %swap3A_144 {strides = array<i32>} : memref<256xf32, #tpu.memory_space<vmem>>, vector<16xf32>,
    %get3A_145 = arith.constant 48 : index
    %get3A_146 = tpu.vector_load %arg11[%get3A_145] {strides = array<i32>} : memref<256xi32, #tpu.memory_space<vmem>>, vector<16xi32>,
    %get3A_147 = vector.shape_cast %get3A_146 : vector<16xi32> to vector<16xi32>
    %convert_element_type3A_148 = arith.sitofp %get3A_147 : vector<16xi32> to vector<16xf32>
    %mul3A_149 = arith.constant 8.192000e+03 : f32
    %mul3A_150 = vector.broadcast %mul3A_149 : f32 to vector<16xf32>
    %mul3A_151 = arith.mulf %convert_element_type3A_148, %mul3A_150 : vector<16xf32>
    %get3A_152 = arith.constant 48 : index
    %get3A_153 = tpu.vector_load %arg17[%get3A_152] {strides = array<i32>} : memref<256xf32, #tpu.memory_space<vmem>>, vector<16xf32>,
    %get3A_154 = vector.shape_cast %get3A_153 : vector<16xf32> to vector<16xf32>
    %add3A_155 = arith.addf %mul3A_151, %get3A_154 : vector<16xf32>
    %mul3A_156 = arith.mulf %add3A_155, %get3A_128 : vector<16xf32>
    %get3A_157 = arith.constant 48 : index
    %get3A_158 = tpu.vector_load %arg13[%get3A_157] {strides = array<i32>} : memref<256xf32, #tpu.memory_space<vmem>>, vector<16xf32>,
    %get3A_159 = vector.shape_cast %get3A_158 : vector<16xf32> to vector<16xf32>
    %add3A_160 = arith.addf %mul3A_156, %get3A_159 : vector<16xf32>
    %swap3A_161 = arith.constant 48 : index
    %swap3A_162 = tpu.vector_load %arg19[%swap3A_161] {strides = array<i32>} : memref<256xf32, #tpu.memory_space<vmem>>, vector<16xf32>,
    %swap3A_163 = vector.shape_cast %swap3A_162 : vector<16xf32> to vector<16xf32>
    %swap3A_164 = vector.shape_cast %add3A_160 : vector<16xf32> to vector<16xf32>
    tpu.vector_store %arg19[%swap3A_161], %swap3A_164 {strides = array<i32>} : memref<256xf32, #tpu.memory_space<vmem>>, vector<16xf32>,
    %get3A_165 = arith.constant 64 : index
    %get3A_166 = tpu.vector_load %arg14[%get3A_165] {strides = array<i32>} : memref<256xf32, #tpu.memory_space<vmem>>, vector<16xf32>,
    %get3A_167 = vector.shape_cast %get3A_166 : vector<16xf32> to vector<16xf32>
    %get3A_168 = arith.constant 64 : index
    %get3A_169 = tpu.vector_load %arg15[%get3A_168] {strides = array<i32>} : memref<256xf32, #tpu.memory_space<vmem>>, vector<16xf32>,
    %get3A_170 = vector.shape_cast %get3A_169 : vector<16xf32> to vector<16xf32>
    %get3A_171 = arith.constant 64 : index
    %get3A_172 = tpu.vector_load %arg16[%get3A_171] {strides = array<i32>} : memref<256xf32, #tpu.memory_space<vmem>>, vector<16xf32>,
    %get3A_173 = vector.shape_cast %get3A_172 : vector<16xf32> to vector<16xf32>
    %mul3A_174 = arith.mulf %get3A_170, %get3A_173 : vector<16xf32>
    %mul3A_175 = arith.mulf %mul3A_174, %get3A_167 : vector<16xf32>
    %sub3A_176 = arith.constant 1.000000e+00 : f32
    %sub3A_177 = vector.broadcast %sub3A_176 : f32 to vector<16xf32>
    %sub3A_178 = arith.subf %get3A_167, %sub3A_177 : vector<16xf32>
    %add3A_179 = arith.addf %mul3A_175, %sub3A_178 : vector<16xf32>
    %swap3A_180 = arith.constant 64 : index
    %swap3A_181 = tpu.vector_load %arg18[%swap3A_180] {strides = array<i32>} : memref<256xf32, #tpu.memory_space<vmem>>, vector<16xf32>,
    %swap3A_182 = vector.shape_cast %swap3A_181 : vector<16xf32> to vector<16xf32>
    %swap3A_183 = vector.shape_cast %add3A_179 : vector<16xf32> to vector<16xf32>
    tpu.vector_store %arg18[%swap3A_180], %swap3A_183 {strides = array<i32>} : memref<256xf32, #tpu.memory_space<vmem>>, vector<16xf32>,
    %get3A_184 = arith.constant 64 : index
    %get3A_185 = tpu.vector_load %arg11[%get3A_184] {strides = array<i32>} : memref<256xi32, #tpu.memory_space<vmem>>, vector<16xi32>,
    %get3A_186 = vector.shape_cast %get3A_185 : vector<16xi32> to vector<16xi32>
    %convert_element_type3A_187 = arith.sitofp %get3A_186 : vector<16xi32> to vector<16xf32>
    %mul3A_188 = arith.constant 8.192000e+03 : f32
    %mul3A_189 = vector.broadcast %mul3A_188 : f32 to vector<16xf32>
    %mul3A_190 = arith.mulf %convert_element_type3A_187, %mul3A_189 : vector<16xf32>
    %get3A_191 = arith.constant 64 : index
    %get3A_192 = tpu.vector_load %arg17[%get3A_191] {strides = array<i32>} : memref<256xf32, #tpu.memory_space<vmem>>, vector<16xf32>,
    %get3A_193 = vector.shape_cast %get3A_192 : vector<16xf32> to vector<16xf32>
    %add3A_194 = arith.addf %mul3A_190, %get3A_193 : vector<16xf32>
    %mul3A_195 = arith.mulf %add3A_194, %get3A_167 : vector<16xf32>
    %get3A_196 = arith.constant 64 : index
    %get3A_197 = tpu.vector_load %arg13[%get3A_196] {strides = array<i32>} : memref<256xf32, #tpu.memory_space<vmem>>, vector<16xf32>,
    %get3A_198 = vector.shape_cast %get3A_197 : vector<16xf32> to vector<16xf32>
    %add3A_199 = arith.addf %mul3A_195, %get3A_198 : vector<16xf32>
    %swap3A_200 = arith.constant 64 : index
    %swap3A_201 = tpu.vector_load %arg19[%swap3A_200] {strides = array<i32>} : memref<256xf32, #tpu.memory_space<vmem>>, vector<16xf32>,
    %swap3A_202 = vector.shape_cast %swap3A_201 : vector<16xf32> to vector<16xf32>
    %swap3A_203 = vector.shape_cast %add3A_199 : vector<16xf32> to vector<16xf32>
    tpu.vector_store %arg19[%swap3A_200], %swap3A_203 {strides = array<i32>} : memref<256xf32, #tpu.memory_space<vmem>>, vector<16xf32>,
    %get3A_204 = arith.constant 80 : index
    %get3A_205 = tpu.vector_load %arg14[%get3A_204] {strides = array<i32>} : memref<256xf32, #tpu.memory_space<vmem>>, vector<16xf32>,
    %get3A_206 = vector.shape_cast %get3A_205 : vector<16xf32> to vector<16xf32>
    %get3A_207 = arith.constant 80 : index
    %get3A_208 = tpu.vector_load %arg15[%get3A_207] {strides = array<i32>} : memref<256xf32, #tpu.memory_space<vmem>>, vector<16xf32>,
    %get3A_209 = vector.shape_cast %get3A_208 : vector<16xf32> to vector<16xf32>
    %get3A_210 = arith.constant 80 : index
    %get3A_211 = tpu.vector_load %arg16[%get3A_210] {strides = array<i32>} : memref<256xf32, #tpu.memory_space<vmem>>, vector<16xf32>,
    %get3A_212 = vector.shape_cast %get3A_211 : vector<16xf32> to vector<16xf32>
    %mul3A_213 = arith.mulf %get3A_209, %get3A_212 : vector<16xf32>
    %mul3A_214 = arith.mulf %mul3A_213, %get3A_206 : vector<16xf32>
    %sub3A_215 = arith.constant 1.000000e+00 : f32
    %sub3A_216 = vector.broadcast %sub3A_215 : f32 to vector<16xf32>
    %sub3A_217 = arith.subf %get3A_206, %sub3A_216 : vector<16xf32>
    %add3A_218 = arith.addf %mul3A_214, %sub3A_217 : vector<16xf32>
    %swap3A_219 = arith.constant 80 : index
    %swap3A_220 = tpu.vector_load %arg18[%swap3A_219] {strides = array<i32>} : memref<256xf32, #tpu.memory_space<vmem>>, vector<16xf32>,
    %swap3A_221 = vector.shape_cast %swap3A_220 : vector<16xf32> to vector<16xf32>
    %swap3A_222 = vector.shape_cast %add3A_218 : vector<16xf32> to vector<16xf32>
    tpu.vector_store %arg18[%swap3A_219], %swap3A_222 {strides = array<i32>} : memref<256xf32, #tpu.memory_space<vmem>>, vector<16xf32>,
    %get3A_223 = arith.constant 80 : index
    %get3A_224 = tpu.vector_load %arg11[%get3A_223] {strides = array<i32>} : memref<256xi32, #tpu.memory_space<vmem>>, vector<16xi32>,
    %get3A_225 = vector.shape_cast %get3A_224 : vector<16xi32> to vector<16xi32>
    %convert_element_type3A_226 = arith.sitofp %get3A_225 : vector<16xi32> to vector<16xf32>
    %mul3A_227 = arith.constant 8.192000e+03 : f32
    %mul3A_228 = vector.broadcast %mul3A_227 : f32 to vector<16xf32>
    %mul3A_229 = arith.mulf %convert_element_type3A_226, %mul3A_228 : vector<16xf32>
    %get3A_230 = arith.constant 80 : index
    %get3A_231 = tpu.vector_load %arg17[%get3A_230] {strides = array<i32>} : memref<256xf32, #tpu.memory_space<vmem>>, vector<16xf32>,
    %get3A_232 = vector.shape_cast %get3A_231 : vector<16xf32> to vector<16xf32>
    %add3A_233 = arith.addf %mul3A_229, %get3A_232 : vector<16xf32>
    %mul3A_234 = arith.mulf %add3A_233, %get3A_206 : vector<16xf32>
    %get3A_235 = arith.constant 80 : index
    %get3A_236 = tpu.vector_load %arg13[%get3A_235] {strides = array<i32>} : memref<256xf32, #tpu.memory_space<vmem>>, vector<16xf32>,
    %get3A_237 = vector.shape_cast %get3A_236 : vector<16xf32> to vector<16xf32>
    %add3A_238 = arith.addf %mul3A_234, %get3A_237 : vector<16xf32>
    %swap3A_239 = arith.constant 80 : index
    %swap3A_240 = tpu.vector_load %arg19[%swap3A_239] {strides = array<i32>} : memref<256xf32, #tpu.memory_space<vmem>>, vector<16xf32>,
    %swap3A_241 = vector.shape_cast %swap3A_240 : vector<16xf32> to vector<16xf32>
    %swap3A_242 = vector.shape_cast %add3A_238 : vector<16xf32> to vector<16xf32>
    tpu.vector_store %arg19[%swap3A_239], %swap3A_242 {strides = array<i32>} : memref<256xf32, #tpu.memory_space<vmem>>, vector<16xf32>,
    %get3A_243 = arith.constant 96 : index
    %get3A_244 = tpu.vector_load %arg14[%get3A_243] {strides = array<i32>} : memref<256xf32, #tpu.memory_space<vmem>>, vector<16xf32>,
    %get3A_245 = vector.shape_cast %get3A_244 : vector<16xf32> to vector<16xf32>
    %get3A_246 = arith.constant 96 : index
    %get3A_247 = tpu.vector_load %arg15[%get3A_246] {strides = array<i32>} : memref<256xf32, #tpu.memory_space<vmem>>, vector<16xf32>,
    %get3A_248 = vector.shape_cast %get3A_247 : vector<16xf32> to vector<16xf32>
    %get3A_249 = arith.constant 96 : index
    %get3A_250 = tpu.vector_load %arg16[%get3A_249] {strides = array<i32>} : memref<256xf32, #tpu.memory_space<vmem>>, vector<16xf32>,
    %get3A_251 = vector.shape_cast %get3A_250 : vector<16xf32> to vector<16xf32>
    %mul3A_252 = arith.mulf %get3A_248, %get3A_251 : vector<16xf32>
    %mul3A_253 = arith.mulf %mul3A_252, %get3A_245 : vector<16xf32>
    %sub3A_254 = arith.constant 1.000000e+00 : f32
    %sub3A_255 = vector.broadcast %sub3A_254 : f32 to vector<16xf32>
    %sub3A_256 = arith.subf %get3A_245, %sub3A_255 : vector<16xf32>
    %add3A_257 = arith.addf %mul3A_253, %sub3A_256 : vector<16xf32>
    %swap3A_258 = arith.constant 96 : index
    %swap3A_259 = tpu.vector_load %arg18[%swap3A_258] {strides = array<i32>} : memref<256xf32, #tpu.memory_space<vmem>>, vector<16xf32>,
    %swap3A_260 = vector.shape_cast %swap3A_259 : vector<16xf32> to vector<16xf32>
    %swap3A_261 = vector.shape_cast %add3A_257 : vector<16xf32> to vector<16xf32>
    tpu.vector_store %arg18[%swap3A_258], %swap3A_261 {strides = array<i32>} : memref<256xf32, #tpu.memory_space<vmem>>, vector<16xf32>,
    %get3A_262 = arith.constant 96 : index
    %get3A_263 = tpu.vector_load %arg11[%get3A_262] {strides = array<i32>} : memref<256xi32, #tpu.memory_space<vmem>>, vector<16xi32>,
    %get3A_264 = vector.shape_cast %get3A_263 : vector<16xi32> to vector<16xi32>
    %convert_element_type3A_265 = arith.sitofp %get3A_264 : vector<16xi32> to vector<16xf32>
    %mul3A_266 = arith.constant 8.192000e+03 : f32
    %mul3A_267 = vector.broadcast %mul3A_266 : f32 to vector<16xf32>
    %mul3A_268 = arith.mulf %convert_element_type3A_265, %mul3A_267 : vector<16xf32>
    %get3A_269 = arith.constant 96 : index
    %get3A_270 = tpu.vector_load %arg17[%get3A_269] {strides = array<i32>} : memref<256xf32, #tpu.memory_space<vmem>>, vector<16xf32>,
    %get3A_271 = vector.shape_cast %get3A_270 : vector<16xf32> to vector<16xf32>
    %add3A_272 = arith.addf %mul3A_268, %get3A_271 : vector<16xf32>
    %mul3A_273 = arith.mulf %add3A_272, %get3A_245 : vector<16xf32>
    %get3A_274 = arith.constant 96 : index
    %get3A_275 = tpu.vector_load %arg13[%get3A_274] {strides = array<i32>} : memref<256xf32, #tpu.memory_space<vmem>>, vector<16xf32>,
    %get3A_276 = vector.shape_cast %get3A_275 : vector<16xf32> to vector<16xf32>
    %add3A_277 = arith.addf %mul3A_273, %get3A_276 : vector<16xf32>
    %swap3A_278 = arith.constant 96 : index
    %swap3A_279 = tpu.vector_load %arg19[%swap3A_278] {strides = array<i32>} : memref<256xf32, #tpu.memory_space<vmem>>, vector<16xf32>,
    %swap3A_280 = vector.shape_cast %swap3A_279 : vector<16xf32> to vector<16xf32>
    %swap3A_281 = vector.shape_cast %add3A_277 : vector<16xf32> to vector<16xf32>
    tpu.vector_store %arg19[%swap3A_278], %swap3A_281 {strides = array<i32>} : memref<256xf32, #tpu.memory_space<vmem>>, vector<16xf32>,
    %get3A_282 = arith.constant 112 : index
    %get3A_283 = tpu.vector_load %arg14[%get3A_282] {strides = array<i32>} : memref<256xf32, #tpu.memory_space<vmem>>, vector<16xf32>,
    %get3A_284 = vector.shape_cast %get3A_283 : vector<16xf32> to vector<16xf32>
    %get3A_285 = arith.constant 112 : index
    %get3A_286 = tpu.vector_load %arg15[%get3A_285] {strides = array<i32>} : memref<256xf32, #tpu.memory_space<vmem>>, vector<16xf32>,
    %get3A_287 = vector.shape_cast %get3A_286 : vector<16xf32> to vector<16xf32>
    %get3A_288 = arith.constant 112 : index
    %get3A_289 = tpu.vector_load %arg16[%get3A_288] {strides = array<i32>} : memref<256xf32, #tpu.memory_space<vmem>>, vector<16xf32>,
    %get3A_290 = vector.shape_cast %get3A_289 : vector<16xf32> to vector<16xf32>
    %mul3A_291 = arith.mulf %get3A_287, %get3A_290 : vector<16xf32>
    %mul3A_292 = arith.mulf %mul3A_291, %get3A_284 : vector<16xf32>
    %sub3A_293 = arith.constant 1.000000e+00 : f32
    %sub3A_294 = vector.broadcast %sub3A_293 : f32 to vector<16xf32>
    %sub3A_295 = arith.subf %get3A_284, %sub3A_294 : vector<16xf32>
    %add3A_296 = arith.addf %mul3A_292, %sub3A_295 : vector<16xf32>
    %swap3A_297 = arith.constant 112 : index
    %swap3A_298 = tpu.vector_load %arg18[%swap3A_297] {strides = array<i32>} : memref<256xf32, #tpu.memory_space<vmem>>, vector<16xf32>,
    %swap3A_299 = vector.shape_cast %swap3A_298 : vector<16xf32> to vector<16xf32>
    %swap3A_300 = vector.shape_cast %add3A_296 : vector<16xf32> to vector<16xf32>
    tpu.vector_store %arg18[%swap3A_297], %swap3A_300 {strides = array<i32>} : memref<256xf32, #tpu.memory_space<vmem>>, vector<16xf32>,
    %get3A_301 = arith.constant 112 : index
    %get3A_302 = tpu.vector_load %arg11[%get3A_301] {strides = array<i32>} : memref<256xi32, #tpu.memory_space<vmem>>, vector<16xi32>,
    %get3A_303 = vector.shape_cast %get3A_302 : vector<16xi32> to vector<16xi32>
    %convert_element_type3A_304 = arith.sitofp %get3A_303 : vector<16xi32> to vector<16xf32>
    %mul3A_305 = arith.constant 8.192000e+03 : f32
    %mul3A_306 = vector.broadcast %mul3A_305 : f32 to vector<16xf32>
    %mul3A_307 = arith.mulf %convert_element_type3A_304, %mul3A_306 : vector<16xf32>
    %get3A_308 = arith.constant 112 : index
    %get3A_309 = tpu.vector_load %arg17[%get3A_308] {strides = array<i32>} : memref<256xf32, #tpu.memory_space<vmem>>, vector<16xf32>,
    %get3A_310 = vector.shape_cast %get3A_309 : vector<16xf32> to vector<16xf32>
    %add3A_311 = arith.addf %mul3A_307, %get3A_310 : vector<16xf32>
    %mul3A_312 = arith.mulf %add3A_311, %get3A_284 : vector<16xf32>
    %get3A_313 = arith.constant 112 : index
    %get3A_314 = tpu.vector_load %arg13[%get3A_313] {strides = array<i32>} : memref<256xf32, #tpu.memory_space<vmem>>, vector<16xf32>,
    %get3A_315 = vector.shape_cast %get3A_314 : vector<16xf32> to vector<16xf32>
    %add3A_316 = arith.addf %mul3A_312, %get3A_315 : vector<16xf32>
    %swap3A_317 = arith.constant 112 : index
    %swap3A_318 = tpu.vector_load %arg19[%swap3A_317] {strides = array<i32>} : memref<256xf32, #tpu.memory_space<vmem>>, vector<16xf32>,
    %swap3A_319 = vector.shape_cast %swap3A_318 : vector<16xf32> to vector<16xf32>
    %swap3A_320 = vector.shape_cast %add3A_316 : vector<16xf32> to vector<16xf32>
    tpu.vector_store %arg19[%swap3A_317], %swap3A_320 {strides = array<i32>} : memref<256xf32, #tpu.memory_space<vmem>>, vector<16xf32>,
    %get3A_321 = arith.constant 128 : index
    %get3A_322 = tpu.vector_load %arg14[%get3A_321] {strides = array<i32>} : memref<256xf32, #tpu.memory_space<vmem>>, vector<16xf32>,
    %get3A_323 = vector.shape_cast %get3A_322 : vector<16xf32> to vector<16xf32>
    %get3A_324 = arith.constant 128 : index
    %get3A_325 = tpu.vector_load %arg15[%get3A_324] {strides = array<i32>} : memref<256xf32, #tpu.memory_space<vmem>>, vector<16xf32>,
    %get3A_326 = vector.shape_cast %get3A_325 : vector<16xf32> to vector<16xf32>
    %get3A_327 = arith.constant 128 : index
    %get3A_328 = tpu.vector_load %arg16[%get3A_327] {strides = array<i32>} : memref<256xf32, #tpu.memory_space<vmem>>, vector<16xf32>,
    %get3A_329 = vector.shape_cast %get3A_328 : vector<16xf32> to vector<16xf32>
    %mul3A_330 = arith.mulf %get3A_326, %get3A_329 : vector<16xf32>
    %mul3A_331 = arith.mulf %mul3A_330, %get3A_323 : vector<16xf32>
    %sub3A_332 = arith.constant 1.000000e+00 : f32
    %sub3A_333 = vector.broadcast %sub3A_332 : f32 to vector<16xf32>
    %sub3A_334 = arith.subf %get3A_323, %sub3A_333 : vector<16xf32>
    %add3A_335 = arith.addf %mul3A_331, %sub3A_334 : vector<16xf32>
    %swap3A_336 = arith.constant 128 : index
    %swap3A_337 = tpu.vector_load %arg18[%swap3A_336] {strides = array<i32>} : memref<256xf32, #tpu.memory_space<vmem>>, vector<16xf32>,
    %swap3A_338 = vector.shape_cast %swap3A_337 : vector<16xf32> to vector<16xf32>
    %swap3A_339 = vector.shape_cast %add3A_335 : vector<16xf32> to vector<16xf32>
    tpu.vector_store %arg18[%swap3A_336], %swap3A_339 {strides = array<i32>} : memref<256xf32, #tpu.memory_space<vmem>>, vector<16xf32>,
    %get3A_340 = arith.constant 128 : index
    %get3A_341 = tpu.vector_load %arg11[%get3A_340] {strides = array<i32>} : memref<256xi32, #tpu.memory_space<vmem>>, vector<16xi32>,
    %get3A_342 = vector.shape_cast %get3A_341 : vector<16xi32> to vector<16xi32>
    %convert_element_type3A_343 = arith.sitofp %get3A_342 : vector<16xi32> to vector<16xf32>
    %mul3A_344 = arith.constant 8.192000e+03 : f32
    %mul3A_345 = vector.broadcast %mul3A_344 : f32 to vector<16xf32>
    %mul3A_346 = arith.mulf %convert_element_type3A_343, %mul3A_345 : vector<16xf32>
    %get3A_347 = arith.constant 128 : index
    %get3A_348 = tpu.vector_load %arg17[%get3A_347] {strides = array<i32>} : memref<256xf32, #tpu.memory_space<vmem>>, vector<16xf32>,
    %get3A_349 = vector.shape_cast %get3A_348 : vector<16xf32> to vector<16xf32>
    %add3A_350 = arith.addf %mul3A_346, %get3A_349 : vector<16xf32>
    %mul3A_351 = arith.mulf %add3A_350, %get3A_323 : vector<16xf32>
    %get3A_352 = arith.constant 128 : index
    %get3A_353 = tpu.vector_load %arg13[%get3A_352] {strides = array<i32>} : memref<256xf32, #tpu.memory_space<vmem>>, vector<16xf32>,
    %get3A_354 = vector.shape_cast %get3A_353 : vector<16xf32> to vector<16xf32>
    %add3A_355 = arith.addf %mul3A_351, %get3A_354 : vector<16xf32>
    %swap3A_356 = arith.constant 128 : index
    %swap3A_357 = tpu.vector_load %arg19[%swap3A_356] {strides = array<i32>} : memref<256xf32, #tpu.memory_space<vmem>>, vector<16xf32>,
    %swap3A_358 = vector.shape_cast %swap3A_357 : vector<16xf32> to vector<16xf32>
    %swap3A_359 = vector.shape_cast %add3A_355 : vector<16xf32> to vector<16xf32>
    tpu.vector_store %arg19[%swap3A_356], %swap3A_359 {strides = array<i32>} : memref<256xf32, #tpu.memory_space<vmem>>, vector<16xf32>,
    %get3A_360 = arith.constant 144 : index
    %get3A_361 = tpu.vector_load %arg14[%get3A_360] {strides = array<i32>} : memref<256xf32, #tpu.memory_space<vmem>>, vector<16xf32>,
    %get3A_362 = vector.shape_cast %get3A_361 : vector<16xf32> to vector<16xf32>
    %get3A_363 = arith.constant 144 : index
    %get3A_364 = tpu.vector_load %arg15[%get3A_363] {strides = array<i32>} : memref<256xf32, #tpu.memory_space<vmem>>, vector<16xf32>,
    %get3A_365 = vector.shape_cast %get3A_364 : vector<16xf32> to vector<16xf32>
    %get3A_366 = arith.constant 144 : index
    %get3A_367 = tpu.vector_load %arg16[%get3A_366] {strides = array<i32>} : memref<256xf32, #tpu.memory_space<vmem>>, vector<16xf32>,
    %get3A_368 = vector.shape_cast %get3A_367 : vector<16xf32> to vector<16xf32>
    %mul3A_369 = arith.mulf %get3A_365, %get3A_368 : vector<16xf32>
    %mul3A_370 = arith.mulf %mul3A_369, %get3A_362 : vector<16xf32>
    %sub3A_371 = arith.constant 1.000000e+00 : f32
    %sub3A_372 = vector.broadcast %sub3A_371 : f32 to vector<16xf32>
    %sub3A_373 = arith.subf %get3A_362, %sub3A_372 : vector<16xf32>
    %add3A_374 = arith.addf %mul3A_370, %sub3A_373 : vector<16xf32>
    %swap3A_375 = arith.constant 144 : index
    %swap3A_376 = tpu.vector_load %arg18[%swap3A_375] {strides = array<i32>} : memref<256xf32, #tpu.memory_space<vmem>>, vector<16xf32>,
    %swap3A_377 = vector.shape_cast %swap3A_376 : vector<16xf32> to vector<16xf32>
    %swap3A_378 = vector.shape_cast %add3A_374 : vector<16xf32> to vector<16xf32>
    tpu.vector_store %arg18[%swap3A_375], %swap3A_378 {strides = array<i32>} : memref<256xf32, #tpu.memory_space<vmem>>, vector<16xf32>,
    %get3A_379 = arith.constant 144 : index
    %get3A_380 = tpu.vector_load %arg11[%get3A_379] {strides = array<i32>} : memref<256xi32, #tpu.memory_space<vmem>>, vector<16xi32>,
    %get3A_381 = vector.shape_cast %get3A_380 : vector<16xi32> to vector<16xi32>
    %convert_element_type3A_382 = arith.sitofp %get3A_381 : vector<16xi32> to vector<16xf32>
    %mul3A_383 = arith.constant 8.192000e+03 : f32
    %mul3A_384 = vector.broadcast %mul3A_383 : f32 to vector<16xf32>
    %mul3A_385 = arith.mulf %convert_element_type3A_382, %mul3A_384 : vector<16xf32>
    %get3A_386 = arith.constant 144 : index
    %get3A_387 = tpu.vector_load %arg17[%get3A_386] {strides = array<i32>} : memref<256xf32, #tpu.memory_space<vmem>>, vector<16xf32>,
    %get3A_388 = vector.shape_cast %get3A_387 : vector<16xf32> to vector<16xf32>
    %add3A_389 = arith.addf %mul3A_385, %get3A_388 : vector<16xf32>
    %mul3A_390 = arith.mulf %add3A_389, %get3A_362 : vector<16xf32>
    %get3A_391 = arith.constant 144 : index
    %get3A_392 = tpu.vector_load %arg13[%get3A_391] {strides = array<i32>} : memref<256xf32, #tpu.memory_space<vmem>>, vector<16xf32>,
    %get3A_393 = vector.shape_cast %get3A_392 : vector<16xf32> to vector<16xf32>
    %add3A_394 = arith.addf %mul3A_390, %get3A_393 : vector<16xf32>
    %swap3A_395 = arith.constant 144 : index
    %swap3A_396 = tpu.vector_load %arg19[%swap3A_395] {strides = array<i32>} : memref<256xf32, #tpu.memory_space<vmem>>, vector<16xf32>,
    %swap3A_397 = vector.shape_cast %swap3A_396 : vector<16xf32> to vector<16xf32>
    %swap3A_398 = vector.shape_cast %add3A_394 : vector<16xf32> to vector<16xf32>
    tpu.vector_store %arg19[%swap3A_395], %swap3A_398 {strides = array<i32>} : memref<256xf32, #tpu.memory_space<vmem>>, vector<16xf32>,
    %get3A_399 = arith.constant 160 : index
    %get3A_400 = tpu.vector_load %arg14[%get3A_399] {strides = array<i32>} : memref<256xf32, #tpu.memory_space<vmem>>, vector<16xf32>,
    %get3A_401 = vector.shape_cast %get3A_400 : vector<16xf32> to vector<16xf32>
    %get3A_402 = arith.constant 160 : index
    %get3A_403 = tpu.vector_load %arg15[%get3A_402] {strides = array<i32>} : memref<256xf32, #tpu.memory_space<vmem>>, vector<16xf32>,
    %get3A_404 = vector.shape_cast %get3A_403 : vector<16xf32> to vector<16xf32>
    %get3A_405 = arith.constant 160 : index
    %get3A_406 = tpu.vector_load %arg16[%get3A_405] {strides = array<i32>} : memref<256xf32, #tpu.memory_space<vmem>>, vector<16xf32>,
    %get3A_407 = vector.shape_cast %get3A_406 : vector<16xf32> to vector<16xf32>
    %mul3A_408 = arith.mulf %get3A_404, %get3A_407 : vector<16xf32>
    %mul3A_409 = arith.mulf %mul3A_408, %get3A_401 : vector<16xf32>
    %sub3A_410 = arith.constant 1.000000e+00 : f32
    %sub3A_411 = vector.broadcast %sub3A_410 : f32 to vector<16xf32>
    %sub3A_412 = arith.subf %get3A_401, %sub3A_411 : vector<16xf32>
    %add3A_413 = arith.addf %mul3A_409, %sub3A_412 : vector<16xf32>
    %swap3A_414 = arith.constant 160 : index
    %swap3A_415 = tpu.vector_load %arg18[%swap3A_414] {strides = array<i32>} : memref<256xf32, #tpu.memory_space<vmem>>, vector<16xf32>,
    %swap3A_416 = vector.shape_cast %swap3A_415 : vector<16xf32> to vector<16xf32>
    %swap3A_417 = vector.shape_cast %add3A_413 : vector<16xf32> to vector<16xf32>
    tpu.vector_store %arg18[%swap3A_414], %swap3A_417 {strides = array<i32>} : memref<256xf32, #tpu.memory_space<vmem>>, vector<16xf32>,
    %get3A_418 = arith.constant 160 : index
    %get3A_419 = tpu.vector_load %arg11[%get3A_418] {strides = array<i32>} : memref<256xi32, #tpu.memory_space<vmem>>, vector<16xi32>,
    %get3A_420 = vector.shape_cast %get3A_419 : vector<16xi32> to vector<16xi32>
    %convert_element_type3A_421 = arith.sitofp %get3A_420 : vector<16xi32> to vector<16xf32>
    %mul3A_422 = arith.constant 8.192000e+03 : f32
    %mul3A_423 = vector.broadcast %mul3A_422 : f32 to vector<16xf32>
    %mul3A_424 = arith.mulf %convert_element_type3A_421, %mul3A_423 : vector<16xf32>
    %get3A_425 = arith.constant 160 : index
    %get3A_426 = tpu.vector_load %arg17[%get3A_425] {strides = array<i32>} : memref<256xf32, #tpu.memory_space<vmem>>, vector<16xf32>,
    %get3A_427 = vector.shape_cast %get3A_426 : vector<16xf32> to vector<16xf32>
    %add3A_428 = arith.addf %mul3A_424, %get3A_427 : vector<16xf32>
    %mul3A_429 = arith.mulf %add3A_428, %get3A_401 : vector<16xf32>
    %get3A_430 = arith.constant 160 : index
    %get3A_431 = tpu.vector_load %arg13[%get3A_430] {strides = array<i32>} : memref<256xf32, #tpu.memory_space<vmem>>, vector<16xf32>,
    %get3A_432 = vector.shape_cast %get3A_431 : vector<16xf32> to vector<16xf32>
    %add3A_433 = arith.addf %mul3A_429, %get3A_432 : vector<16xf32>
    %swap3A_434 = arith.constant 160 : index
    %swap3A_435 = tpu.vector_load %arg19[%swap3A_434] {strides = array<i32>} : memref<256xf32, #tpu.memory_space<vmem>>, vector<16xf32>,
    %swap3A_436 = vector.shape_cast %swap3A_435 : vector<16xf32> to vector<16xf32>
    %swap3A_437 = vector.shape_cast %add3A_433 : vector<16xf32> to vector<16xf32>
    tpu.vector_store %arg19[%swap3A_434], %swap3A_437 {strides = array<i32>} : memref<256xf32, #tpu.memory_space<vmem>>, vector<16xf32>,
    %get3A_438 = arith.constant 176 : index
    %get3A_439 = tpu.vector_load %arg14[%get3A_438] {strides = array<i32>} : memref<256xf32, #tpu.memory_space<vmem>>, vector<16xf32>,
    %get3A_440 = vector.shape_cast %get3A_439 : vector<16xf32> to vector<16xf32>
    %get3A_441 = arith.constant 176 : index
    %get3A_442 = tpu.vector_load %arg15[%get3A_441] {strides = array<i32>} : memref<256xf32, #tpu.memory_space<vmem>>, vector<16xf32>,
    %get3A_443 = vector.shape_cast %get3A_442 : vector<16xf32> to vector<16xf32>
    %get3A_444 = arith.constant 176 : index
    %get3A_445 = tpu.vector_load %arg16[%get3A_444] {strides = array<i32>} : memref<256xf32, #tpu.memory_space<vmem>>, vector<16xf32>,
    %get3A_446 = vector.shape_cast %get3A_445 : vector<16xf32> to vector<16xf32>
    %mul3A_447 = arith.mulf %get3A_443, %get3A_446 : vector<16xf32>
    %mul3A_448 = arith.mulf %mul3A_447, %get3A_440 : vector<16xf32>
    %sub3A_449 = arith.constant 1.000000e+00 : f32
    %sub3A_450 = vector.broadcast %sub3A_449 : f32 to vector<16xf32>
    %sub3A_451 = arith.subf %get3A_440, %sub3A_450 : vector<16xf32>
    %add3A_452 = arith.addf %mul3A_448, %sub3A_451 : vector<16xf32>
    %swap3A_453 = arith.constant 176 : index
    %swap3A_454 = tpu.vector_load %arg18[%swap3A_453] {strides = array<i32>} : memref<256xf32, #tpu.memory_space<vmem>>, vector<16xf32>,
    %swap3A_455 = vector.shape_cast %swap3A_454 : vector<16xf32> to vector<16xf32>
    %swap3A_456 = vector.shape_cast %add3A_452 : vector<16xf32> to vector<16xf32>
    tpu.vector_store %arg18[%swap3A_453], %swap3A_456 {strides = array<i32>} : memref<256xf32, #tpu.memory_space<vmem>>, vector<16xf32>,
    %get3A_457 = arith.constant 176 : index
    %get3A_458 = tpu.vector_load %arg11[%get3A_457] {strides = array<i32>} : memref<256xi32, #tpu.memory_space<vmem>>, vector<16xi32>,
    %get3A_459 = vector.shape_cast %get3A_458 : vector<16xi32> to vector<16xi32>
    %convert_element_type3A_460 = arith.sitofp %get3A_459 : vector<16xi32> to vector<16xf32>
    %mul3A_461 = arith.constant 8.192000e+03 : f32
    %mul3A_462 = vector.broadcast %mul3A_461 : f32 to vector<16xf32>
    %mul3A_463 = arith.mulf %convert_element_type3A_460, %mul3A_462 : vector<16xf32>
    %get3A_464 = arith.constant 176 : index
    %get3A_465 = tpu.vector_load %arg17[%get3A_464] {strides = array<i32>} : memref<256xf32, #tpu.memory_space<vmem>>, vector<16xf32>,
    %get3A_466 = vector.shape_cast %get3A_465 : vector<16xf32> to vector<16xf32>
    %add3A_467 = arith.addf %mul3A_463, %get3A_466 : vector<16xf32>
    %mul3A_468 = arith.mulf %add3A_467, %get3A_440 : vector<16xf32>
    %get3A_469 = arith.constant 176 : index
    %get3A_470 = tpu.vector_load %arg13[%get3A_469] {strides = array<i32>} : memref<256xf32, #tpu.memory_space<vmem>>, vector<16xf32>,
    %get3A_471 = vector.shape_cast %get3A_470 : vector<16xf32> to vector<16xf32>
    %add3A_472 = arith.addf %mul3A_468, %get3A_471 : vector<16xf32>
    %swap3A_473 = arith.constant 176 : index
    %swap3A_474 = tpu.vector_load %arg19[%swap3A_473] {strides = array<i32>} : memref<256xf32, #tpu.memory_space<vmem>>, vector<16xf32>,
    %swap3A_475 = vector.shape_cast %swap3A_474 : vector<16xf32> to vector<16xf32>
    %swap3A_476 = vector.shape_cast %add3A_472 : vector<16xf32> to vector<16xf32>
    tpu.vector_store %arg19[%swap3A_473], %swap3A_476 {strides = array<i32>} : memref<256xf32, #tpu.memory_space<vmem>>, vector<16xf32>,
    %get3A_477 = arith.constant 192 : index
    %get3A_478 = tpu.vector_load %arg14[%get3A_477] {strides = array<i32>} : memref<256xf32, #tpu.memory_space<vmem>>, vector<16xf32>,
    %get3A_479 = vector.shape_cast %get3A_478 : vector<16xf32> to vector<16xf32>
    %get3A_480 = arith.constant 192 : index
    %get3A_481 = tpu.vector_load %arg15[%get3A_480] {strides = array<i32>} : memref<256xf32, #tpu.memory_space<vmem>>, vector<16xf32>,
    %get3A_482 = vector.shape_cast %get3A_481 : vector<16xf32> to vector<16xf32>
    %get3A_483 = arith.constant 192 : index
    %get3A_484 = tpu.vector_load %arg16[%get3A_483] {strides = array<i32>} : memref<256xf32, #tpu.memory_space<vmem>>, vector<16xf32>,
    %get3A_485 = vector.shape_cast %get3A_484 : vector<16xf32> to vector<16xf32>
    %mul3A_486 = arith.mulf %get3A_482, %get3A_485 : vector<16xf32>
    %mul3A_487 = arith.mulf %mul3A_486, %get3A_479 : vector<16xf32>
    %sub3A_488 = arith.constant 1.000000e+00 : f32
    %sub3A_489 = vector.broadcast %sub3A_488 : f32 to vector<16xf32>
    %sub3A_490 = arith.subf %get3A_479, %sub3A_489 : vector<16xf32>
    %add3A_491 = arith.addf %mul3A_487, %sub3A_490 : vector<16xf32>
    %swap3A_492 = arith.constant 192 : index
    %swap3A_493 = tpu.vector_load %arg18[%swap3A_492] {strides = array<i32>} : memref<256xf32, #tpu.memory_space<vmem>>, vector<16xf32>,
    %swap3A_494 = vector.shape_cast %swap3A_493 : vector<16xf32> to vector<16xf32>
    %swap3A_495 = vector.shape_cast %add3A_491 : vector<16xf32> to vector<16xf32>
    tpu.vector_store %arg18[%swap3A_492], %swap3A_495 {strides = array<i32>} : memref<256xf32, #tpu.memory_space<vmem>>, vector<16xf32>,
    %get3A_496 = arith.constant 192 : index
    %get3A_497 = tpu.vector_load %arg11[%get3A_496] {strides = array<i32>} : memref<256xi32, #tpu.memory_space<vmem>>, vector<16xi32>,
    %get3A_498 = vector.shape_cast %get3A_497 : vector<16xi32> to vector<16xi32>
    %convert_element_type3A_499 = arith.sitofp %get3A_498 : vector<16xi32> to vector<16xf32>
    %mul3A_500 = arith.constant 8.192000e+03 : f32
    %mul3A_501 = vector.broadcast %mul3A_500 : f32 to vector<16xf32>
    %mul3A_502 = arith.mulf %convert_element_type3A_499, %mul3A_501 : vector<16xf32>
    %get3A_503 = arith.constant 192 : index
    %get3A_504 = tpu.vector_load %arg17[%get3A_503] {strides = array<i32>} : memref<256xf32, #tpu.memory_space<vmem>>, vector<16xf32>,
    %get3A_505 = vector.shape_cast %get3A_504 : vector<16xf32> to vector<16xf32>
    %add3A_506 = arith.addf %mul3A_502, %get3A_505 : vector<16xf32>
    %mul3A_507 = arith.mulf %add3A_506, %get3A_479 : vector<16xf32>
    %get3A_508 = arith.constant 192 : index
    %get3A_509 = tpu.vector_load %arg13[%get3A_508] {strides = array<i32>} : memref<256xf32, #tpu.memory_space<vmem>>, vector<16xf32>,
    %get3A_510 = vector.shape_cast %get3A_509 : vector<16xf32> to vector<16xf32>
    %add3A_511 = arith.addf %mul3A_507, %get3A_510 : vector<16xf32>
    %swap3A_512 = arith.constant 192 : index
    %swap3A_513 = tpu.vector_load %arg19[%swap3A_512] {strides = array<i32>} : memref<256xf32, #tpu.memory_space<vmem>>, vector<16xf32>,
    %swap3A_514 = vector.shape_cast %swap3A_513 : vector<16xf32> to vector<16xf32>
    %swap3A_515 = vector.shape_cast %add3A_511 : vector<16xf32> to vector<16xf32>
    tpu.vector_store %arg19[%swap3A_512], %swap3A_515 {strides = array<i32>} : memref<256xf32, #tpu.memory_space<vmem>>, vector<16xf32>,
    %get3A_516 = arith.constant 208 : index
    %get3A_517 = tpu.vector_load %arg14[%get3A_516] {strides = array<i32>} : memref<256xf32, #tpu.memory_space<vmem>>, vector<16xf32>,
    %get3A_518 = vector.shape_cast %get3A_517 : vector<16xf32> to vector<16xf32>
    %get3A_519 = arith.constant 208 : index
    %get3A_520 = tpu.vector_load %arg15[%get3A_519] {strides = array<i32>} : memref<256xf32, #tpu.memory_space<vmem>>, vector<16xf32>,
    %get3A_521 = vector.shape_cast %get3A_520 : vector<16xf32> to vector<16xf32>
    %get3A_522 = arith.constant 208 : index
    %get3A_523 = tpu.vector_load %arg16[%get3A_522] {strides = array<i32>} : memref<256xf32, #tpu.memory_space<vmem>>, vector<16xf32>,
    %get3A_524 = vector.shape_cast %get3A_523 : vector<16xf32> to vector<16xf32>
    %mul3A_525 = arith.mulf %get3A_521, %get3A_524 : vector<16xf32>
    %mul3A_526 = arith.mulf %mul3A_525, %get3A_518 : vector<16xf32>
    %sub3A_527 = arith.constant 1.000000e+00 : f32
    %sub3A_528 = vector.broadcast %sub3A_527 : f32 to vector<16xf32>
    %sub3A_529 = arith.subf %get3A_518, %sub3A_528 : vector<16xf32>
    %add3A_530 = arith.addf %mul3A_526, %sub3A_529 : vector<16xf32>
    %swap3A_531 = arith.constant 208 : index
    %swap3A_532 = tpu.vector_load %arg18[%swap3A_531] {strides = array<i32>} : memref<256xf32, #tpu.memory_space<vmem>>, vector<16xf32>,
    %swap3A_533 = vector.shape_cast %swap3A_532 : vector<16xf32> to vector<16xf32>
    %swap3A_534 = vector.shape_cast %add3A_530 : vector<16xf32> to vector<16xf32>
    tpu.vector_store %arg18[%swap3A_531], %swap3A_534 {strides = array<i32>} : memref<256xf32, #tpu.memory_space<vmem>>, vector<16xf32>,
    %get3A_535 = arith.constant 208 : index
    %get3A_536 = tpu.vector_load %arg11[%get3A_535] {strides = array<i32>} : memref<256xi32, #tpu.memory_space<vmem>>, vector<16xi32>,
    %get3A_537 = vector.shape_cast %get3A_536 : vector<16xi32> to vector<16xi32>
    %convert_element_type3A_538 = arith.sitofp %get3A_537 : vector<16xi32> to vector<16xf32>
    %mul3A_539 = arith.constant 8.192000e+03 : f32
    %mul3A_540 = vector.broadcast %mul3A_539 : f32 to vector<16xf32>
    %mul3A_541 = arith.mulf %convert_element_type3A_538, %mul3A_540 : vector<16xf32>
    %get3A_542 = arith.constant 208 : index
    %get3A_543 = tpu.vector_load %arg17[%get3A_542] {strides = array<i32>} : memref<256xf32, #tpu.memory_space<vmem>>, vector<16xf32>,
    %get3A_544 = vector.shape_cast %get3A_543 : vector<16xf32> to vector<16xf32>
    %add3A_545 = arith.addf %mul3A_541, %get3A_544 : vector<16xf32>
    %mul3A_546 = arith.mulf %add3A_545, %get3A_518 : vector<16xf32>
    %get3A_547 = arith.constant 208 : index
    %get3A_548 = tpu.vector_load %arg13[%get3A_547] {strides = array<i32>} : memref<256xf32, #tpu.memory_space<vmem>>, vector<16xf32>,
    %get3A_549 = vector.shape_cast %get3A_548 : vector<16xf32> to vector<16xf32>
    %add3A_550 = arith.addf %mul3A_546, %get3A_549 : vector<16xf32>
    %swap3A_551 = arith.constant 208 : index
    %swap3A_552 = tpu.vector_load %arg19[%swap3A_551] {strides = array<i32>} : memref<256xf32, #tpu.memory_space<vmem>>, vector<16xf32>,
    %swap3A_553 = vector.shape_cast %swap3A_552 : vector<16xf32> to vector<16xf32>
    %swap3A_554 = vector.shape_cast %add3A_550 : vector<16xf32> to vector<16xf32>
    tpu.vector_store %arg19[%swap3A_551], %swap3A_554 {strides = array<i32>} : memref<256xf32, #tpu.memory_space<vmem>>, vector<16xf32>,
    %get3A_555 = arith.constant 224 : index
    %get3A_556 = tpu.vector_load %arg14[%get3A_555] {strides = array<i32>} : memref<256xf32, #tpu.memory_space<vmem>>, vector<16xf32>,
    %get3A_557 = vector.shape_cast %get3A_556 : vector<16xf32> to vector<16xf32>
    %get3A_558 = arith.constant 224 : index
    %get3A_559 = tpu.vector_load %arg15[%get3A_558] {strides = array<i32>} : memref<256xf32, #tpu.memory_space<vmem>>, vector<16xf32>,
    %get3A_560 = vector.shape_cast %get3A_559 : vector<16xf32> to vector<16xf32>
    %get3A_561 = arith.constant 224 : index
    %get3A_562 = tpu.vector_load %arg16[%get3A_561] {strides = array<i32>} : memref<256xf32, #tpu.memory_space<vmem>>, vector<16xf32>,
    %get3A_563 = vector.shape_cast %get3A_562 : vector<16xf32> to vector<16xf32>
    %mul3A_564 = arith.mulf %get3A_560, %get3A_563 : vector<16xf32>
    %mul3A_565 = arith.mulf %mul3A_564, %get3A_557 : vector<16xf32>
    %sub3A_566 = arith.constant 1.000000e+00 : f32
    %sub3A_567 = vector.broadcast %sub3A_566 : f32 to vector<16xf32>
    %sub3A_568 = arith.subf %get3A_557, %sub3A_567 : vector<16xf32>
    %add3A_569 = arith.addf %mul3A_565, %sub3A_568 : vector<16xf32>
    %swap3A_570 = arith.constant 224 : index
    %swap3A_571 = tpu.vector_load %arg18[%swap3A_570] {strides = array<i32>} : memref<256xf32, #tpu.memory_space<vmem>>, vector<16xf32>,
    %swap3A_572 = vector.shape_cast %swap3A_571 : vector<16xf32> to vector<16xf32>
    %swap3A_573 = vector.shape_cast %add3A_569 : vector<16xf32> to vector<16xf32>
    tpu.vector_store %arg18[%swap3A_570], %swap3A_573 {strides = array<i32>} : memref<256xf32, #tpu.memory_space<vmem>>, vector<16xf32>,
    %get3A_574 = arith.constant 224 : index
    %get3A_575 = tpu.vector_load %arg11[%get3A_574] {strides = array<i32>} : memref<256xi32, #tpu.memory_space<vmem>>, vector<16xi32>,
    %get3A_576 = vector.shape_cast %get3A_575 : vector<16xi32> to vector<16xi32>
    %convert_element_type3A_577 = arith.sitofp %get3A_576 : vector<16xi32> to vector<16xf32>
    %mul3A_578 = arith.constant 8.192000e+03 : f32
    %mul3A_579 = vector.broadcast %mul3A_578 : f32 to vector<16xf32>
    %mul3A_580 = arith.mulf %convert_element_type3A_577, %mul3A_579 : vector<16xf32>
    %get3A_581 = arith.constant 224 : index
    %get3A_582 = tpu.vector_load %arg17[%get3A_581] {strides = array<i32>} : memref<256xf32, #tpu.memory_space<vmem>>, vector<16xf32>,
    %get3A_583 = vector.shape_cast %get3A_582 : vector<16xf32> to vector<16xf32>
    %add3A_584 = arith.addf %mul3A_580, %get3A_583 : vector<16xf32>
    %mul3A_585 = arith.mulf %add3A_584, %get3A_557 : vector<16xf32>
    %get3A_586 = arith.constant 224 : index
    %get3A_587 = tpu.vector_load %arg13[%get3A_586] {strides = array<i32>} : memref<256xf32, #tpu.memory_space<vmem>>, vector<16xf32>,
    %get3A_588 = vector.shape_cast %get3A_587 : vector<16xf32> to vector<16xf32>
    %add3A_589 = arith.addf %mul3A_585, %get3A_588 : vector<16xf32>
    %swap3A_590 = arith.constant 224 : index
    %swap3A_591 = tpu.vector_load %arg19[%swap3A_590] {strides = array<i32>} : memref<256xf32, #tpu.memory_space<vmem>>, vector<16xf32>,
    %swap3A_592 = vector.shape_cast %swap3A_591 : vector<16xf32> to vector<16xf32>
    %swap3A_593 = vector.shape_cast %add3A_589 : vector<16xf32> to vector<16xf32>
    tpu.vector_store %arg19[%swap3A_590], %swap3A_593 {strides = array<i32>} : memref<256xf32, #tpu.memory_space<vmem>>, vector<16xf32>,
    %get3A_594 = arith.constant 240 : index
    %get3A_595 = tpu.vector_load %arg14[%get3A_594] {strides = array<i32>} : memref<256xf32, #tpu.memory_space<vmem>>, vector<16xf32>,
    %get3A_596 = vector.shape_cast %get3A_595 : vector<16xf32> to vector<16xf32>
    %get3A_597 = arith.constant 240 : index
    %get3A_598 = tpu.vector_load %arg15[%get3A_597] {strides = array<i32>} : memref<256xf32, #tpu.memory_space<vmem>>, vector<16xf32>,
    %get3A_599 = vector.shape_cast %get3A_598 : vector<16xf32> to vector<16xf32>
    %get3A_600 = arith.constant 240 : index
    %get3A_601 = tpu.vector_load %arg16[%get3A_600] {strides = array<i32>} : memref<256xf32, #tpu.memory_space<vmem>>, vector<16xf32>,
    %get3A_602 = vector.shape_cast %get3A_601 : vector<16xf32> to vector<16xf32>
    %mul3A_603 = arith.mulf %get3A_599, %get3A_602 : vector<16xf32>
    %mul3A_604 = arith.mulf %mul3A_603, %get3A_596 : vector<16xf32>
    %sub3A_605 = arith.constant 1.000000e+00 : f32
    %sub3A_606 = vector.broadcast %sub3A_605 : f32 to vector<16xf32>
    %sub3A_607 = arith.subf %get3A_596, %sub3A_606 : vector<16xf32>
    %add3A_608 = arith.addf %mul3A_604, %sub3A_607 : vector<16xf32>
    %swap3A_609 = arith.constant 240 : index
    %swap3A_610 = tpu.vector_load %arg18[%swap3A_609] {strides = array<i32>} : memref<256xf32, #tpu.memory_space<vmem>>, vector<16xf32>,
    %swap3A_611 = vector.shape_cast %swap3A_610 : vector<16xf32> to vector<16xf32>
    %swap3A_612 = vector.shape_cast %add3A_608 : vector<16xf32> to vector<16xf32>
    tpu.vector_store %arg18[%swap3A_609], %swap3A_612 {strides = array<i32>} : memref<256xf32, #tpu.memory_space<vmem>>, vector<16xf32>,
    %get3A_613 = arith.constant 240 : index
    %get3A_614 = tpu.vector_load %arg11[%get3A_613] {strides = array<i32>} : memref<256xi32, #tpu.memory_space<vmem>>, vector<16xi32>,
    %get3A_615 = vector.shape_cast %get3A_614 : vector<16xi32> to vector<16xi32>
    %convert_element_type3A_616 = arith.sitofp %get3A_615 : vector<16xi32> to vector<16xf32>
    %mul3A_617 = arith.constant 8.192000e+03 : f32
    %mul3A_618 = vector.broadcast %mul3A_617 : f32 to vector<16xf32>
    %mul3A_619 = arith.mulf %convert_element_type3A_616, %mul3A_618 : vector<16xf32>
    %get3A_620 = arith.constant 240 : index
    %get3A_621 = tpu.vector_load %arg17[%get3A_620] {strides = array<i32>} : memref<256xf32, #tpu.memory_space<vmem>>, vector<16xf32>,
    %get3A_622 = vector.shape_cast %get3A_621 : vector<16xf32> to vector<16xf32>
    %add3A_623 = arith.addf %mul3A_619, %get3A_622 : vector<16xf32>
    %mul3A_624 = arith.mulf %add3A_623, %get3A_596 : vector<16xf32>
    %get3A_625 = arith.constant 240 : index
    %get3A_626 = tpu.vector_load %arg13[%get3A_625] {strides = array<i32>} : memref<256xf32, #tpu.memory_space<vmem>>, vector<16xf32>,
    %get3A_627 = vector.shape_cast %get3A_626 : vector<16xf32> to vector<16xf32>
    %add3A_628 = arith.addf %mul3A_624, %get3A_627 : vector<16xf32>
    %swap3A_629 = arith.constant 240 : index
    %swap3A_630 = tpu.vector_load %arg19[%swap3A_629] {strides = array<i32>} : memref<256xf32, #tpu.memory_space<vmem>>, vector<16xf32>,
    %swap3A_631 = vector.shape_cast %swap3A_630 : vector<16xf32> to vector<16xf32>
    %swap3A_632 = vector.shape_cast %add3A_628 : vector<16xf32> to vector<16xf32>
    tpu.vector_store %arg19[%swap3A_629], %swap3A_632 {strides = array<i32>} : memref<256xf32, #tpu.memory_space<vmem>>, vector<16xf32>,
    "tpu.region"() ({
      %run_scoped3A = tpu.sem_alloc : memref<!tpu.dma_semaphore, #tpu.memory_space<semaphore_mem>>
      %dma_start3A_633 = tpu.memref_slice %arg9[%mul3A_2] : memref<8192xf32, #tpu.memory_space<hbm>> -> memref<256xf32, #tpu.memory_space<hbm>>
      %dma_start3A_634 = tpu.memref_slice %arg9[%mul3A_2] : memref<8192xf32, #tpu.memory_space<hbm>> -> memref<256xf32, #tpu.memory_space<hbm>>
      tpu.enqueue_dma source(%arg18 : memref<256xf32, #tpu.memory_space<vmem>>) target(%dma_start3A_634 : memref<256xf32, #tpu.memory_space<hbm>>) target_semaphore(%run_scoped3A : memref<!tpu.dma_semaphore, #tpu.memory_space<semaphore_mem>>)
      %dma_wait3A_635 = tpu.memref_slice %arg9[%mul3A_2] : memref<8192xf32, #tpu.memory_space<hbm>> -> memref<256xf32, #tpu.memory_space<hbm>>
      %dma_wait3A_636 = tpu.memref_slice %arg9[%mul3A_2] : memref<8192xf32, #tpu.memory_space<hbm>> -> memref<256xf32, #tpu.memory_space<hbm>>
      tpu.wait_dma2 semaphore(%run_scoped3A : memref<!tpu.dma_semaphore, #tpu.memory_space<semaphore_mem>>) src(%arg18 : memref<256xf32, #tpu.memory_space<vmem>>) dst(%dma_wait3A_636 : memref<256xf32, #tpu.memory_space<hbm>>)
      tpu.yield
    }) : () -> ()
    "tpu.region"() ({
      %run_scoped3A = tpu.sem_alloc : memref<!tpu.dma_semaphore, #tpu.memory_space<semaphore_mem>>
      %dma_start3A_633 = tpu.memref_slice %arg10[%mul3A_2] : memref<8192xf32, #tpu.memory_space<hbm>> -> memref<256xf32, #tpu.memory_space<hbm>>
      %dma_start3A_634 = tpu.memref_slice %arg10[%mul3A_2] : memref<8192xf32, #tpu.memory_space<hbm>> -> memref<256xf32, #tpu.memory_space<hbm>>
      tpu.enqueue_dma source(%arg19 : memref<256xf32, #tpu.memory_space<vmem>>) target(%dma_start3A_634 : memref<256xf32, #tpu.memory_space<hbm>>) target_semaphore(%run_scoped3A : memref<!tpu.dma_semaphore, #tpu.memory_space<semaphore_mem>>)
      %dma_wait3A_635 = tpu.memref_slice %arg10[%mul3A_2] : memref<8192xf32, #tpu.memory_space<hbm>> -> memref<256xf32, #tpu.memory_space<hbm>>
      %dma_wait3A_636 = tpu.memref_slice %arg10[%mul3A_2] : memref<8192xf32, #tpu.memory_space<hbm>> -> memref<256xf32, #tpu.memory_space<hbm>>
      tpu.wait_dma2 semaphore(%run_scoped3A : memref<!tpu.dma_semaphore, #tpu.memory_space<semaphore_mem>>) src(%arg19 : memref<256xf32, #tpu.memory_space<vmem>>) dst(%dma_wait3A_636 : memref<256xf32, #tpu.memory_space<hbm>>)
      tpu.yield
    }) : () -> ()
    return
  }
}

#map = affine_map<(d0, d1) -> (0)>
module attributes {stable_mosaic.version = 14 : i64} {
  func.func @_cand_sc_body(%arg0: i32, %arg1: i32, %arg2: memref<1024xf32, #tpu.memory_space<hbm>>, %arg3: memref<1024xf32, #tpu.memory_space<hbm>>, %arg4: memref<1024xf32, #tpu.memory_space<hbm>>, %arg5: memref<8192xi32, #tpu.memory_space<hbm>>, %arg6: memref<8192xi32, #tpu.memory_space<hbm>>, %arg7: memref<8192xf32, #tpu.memory_space<hbm>>, %arg8: memref<8192xf32, #tpu.memory_space<hbm>>, %arg9: memref<8192xf32, #tpu.memory_space<hbm>>, %arg10: memref<8192xf32, #tpu.memory_space<hbm>>, %arg11: memref<256xi32, #tpu.memory_space<vmem>>, %arg12: memref<256xi32, #tpu.memory_space<vmem>>, %arg13: memref<256xf32, #tpu.memory_space<vmem>>, %arg14: memref<256xf32, #tpu.memory_space<vmem>>, %arg15: memref<256xf32, #tpu.memory_space<vmem>>, %arg16: memref<256xf32, #tpu.memory_space<vmem>>, %arg17: memref<256xf32, #tpu.memory_space<vmem>>, %arg18: memref<256xf32, #tpu.memory_space<vmem>>, %arg19: memref<256xf32, #tpu.memory_space<vmem>>, %arg20: memref<!tpu.dma_semaphore, #tpu.memory_space<semaphore_mem>>) attributes {dimension_semantics = [#tpu.dimension_semantics<core_parallel>, #tpu.dimension_semantics<subcore_parallel>], iteration_bounds = array<i64: 2, 16>, scalar_prefetch = 0 : i64, scratch_operands = 10 : i64, tpu.core_type = #tpu.core_type<sc_vector_subcore>, window_params = [{transform_indices = #map}, {transform_indices = #map}, {transform_indices = #map}, {transform_indices = #map}, {transform_indices = #map}, {transform_indices = #map}, {transform_indices = #map}, {transform_indices = #map}, {transform_indices = #map}]} {
    %mul3A = arith.constant 2 : i32
    %mul3A_0 = arith.muli %arg1, %mul3A : i32
    %add3A = arith.addi %mul3A_0, %arg0 : i32
    %mul3A_1 = arith.constant 256 : i32
    %mul3A_2 = arith.muli %add3A, %mul3A_1 : i32
    "tpu.region"() ({
      %run_scoped3A = tpu.sem_alloc : memref<!tpu.dma_semaphore, #tpu.memory_space<semaphore_mem>>
      %dma_start3A_633 = tpu.memref_slice %arg5[%mul3A_2] : memref<8192xi32, #tpu.memory_space<hbm>> -> memref<256xi32, #tpu.memory_space<hbm>>
      %dma_start3A_634 = tpu.memref_slice %arg5[%mul3A_2] : memref<8192xi32, #tpu.memory_space<hbm>> -> memref<256xi32, #tpu.memory_space<hbm>>
      tpu.enqueue_dma source(%dma_start3A_634 : memref<256xi32, #tpu.memory_space<hbm>>) target(%arg11 : memref<256xi32, #tpu.memory_space<vmem>>) target_semaphore(%run_scoped3A : memref<!tpu.dma_semaphore, #tpu.memory_space<semaphore_mem>>)
      %dma_wait3A_635 = tpu.memref_slice %arg5[%mul3A_2] : memref<8192xi32, #tpu.memory_space<hbm>> -> memref<256xi32, #tpu.memory_space<hbm>>
      %dma_wait3A_636 = tpu.memref_slice %arg5[%mul3A_2] : memref<8192xi32, #tpu.memory_space<hbm>> -> memref<256xi32, #tpu.memory_space<hbm>>
      tpu.wait_dma2 semaphore(%run_scoped3A : memref<!tpu.dma_semaphore, #tpu.memory_space<semaphore_mem>>) src(%dma_wait3A_636 : memref<256xi32, #tpu.memory_space<hbm>>) dst(%arg11 : memref<256xi32, #tpu.memory_space<vmem>>)
      tpu.yield
    }) : () -> ()
    "tpu.region"() ({
      %run_scoped3A = tpu.sem_alloc : memref<!tpu.dma_semaphore, #tpu.memory_space<semaphore_mem>>
      %dma_start3A_633 = tpu.memref_slice %arg6[%mul3A_2] : memref<8192xi32, #tpu.memory_space<hbm>> -> memref<256xi32, #tpu.memory_space<hbm>>
      %dma_start3A_634 = tpu.memref_slice %arg6[%mul3A_2] : memref<8192xi32, #tpu.memory_space<hbm>> -> memref<256xi32, #tpu.memory_space<hbm>>
      tpu.enqueue_dma source(%dma_start3A_634 : memref<256xi32, #tpu.memory_space<hbm>>) target(%arg12 : memref<256xi32, #tpu.memory_space<vmem>>) target_semaphore(%run_scoped3A : memref<!tpu.dma_semaphore, #tpu.memory_space<semaphore_mem>>)
      %dma_wait3A_635 = tpu.memref_slice %arg6[%mul3A_2] : memref<8192xi32, #tpu.memory_space<hbm>> -> memref<256xi32, #tpu.memory_space<hbm>>
      %dma_wait3A_636 = tpu.memref_slice %arg6[%mul3A_2] : memref<8192xi32, #tpu.memory_space<hbm>> -> memref<256xi32, #tpu.memory_space<hbm>>
      tpu.wait_dma2 semaphore(%run_scoped3A : memref<!tpu.dma_semaphore, #tpu.memory_space<semaphore_mem>>) src(%dma_wait3A_636 : memref<256xi32, #tpu.memory_space<hbm>>) dst(%arg12 : memref<256xi32, #tpu.memory_space<vmem>>)
      tpu.yield
    }) : () -> ()
    "tpu.region"() ({
      %run_scoped3A = tpu.sem_alloc : memref<!tpu.dma_semaphore, #tpu.memory_space<semaphore_mem>>
      %dma_start3A_633 = tpu.memref_slice %arg7[%mul3A_2] : memref<8192xf32, #tpu.memory_space<hbm>> -> memref<256xf32, #tpu.memory_space<hbm>>
      %dma_start3A_634 = tpu.memref_slice %arg7[%mul3A_2] : memref<8192xf32, #tpu.memory_space<hbm>> -> memref<256xf32, #tpu.memory_space<hbm>>
      tpu.enqueue_dma source(%dma_start3A_634 : memref<256xf32, #tpu.memory_space<hbm>>) target(%arg13 : memref<256xf32, #tpu.memory_space<vmem>>) target_semaphore(%run_scoped3A : memref<!tpu.dma_semaphore, #tpu.memory_space<semaphore_mem>>)
      %dma_wait3A_635 = tpu.memref_slice %arg7[%mul3A_2] : memref<8192xf32, #tpu.memory_space<hbm>> -> memref<256xf32, #tpu.memory_space<hbm>>
      %dma_wait3A_636 = tpu.memref_slice %arg7[%mul3A_2] : memref<8192xf32, #tpu.memory_space<hbm>> -> memref<256xf32, #tpu.memory_space<hbm>>
      tpu.wait_dma2 semaphore(%run_scoped3A : memref<!tpu.dma_semaphore, #tpu.memory_space<semaphore_mem>>) src(%dma_wait3A_636 : memref<256xf32, #tpu.memory_space<hbm>>) dst(%arg13 : memref<256xf32, #tpu.memory_space<vmem>>)
      tpu.yield
    }) : () -> ()
    "tpu.region"() ({
      %run_scoped3A = tpu.sem_alloc : memref<!tpu.dma_semaphore, #tpu.memory_space<semaphore_mem>>
      %dma_start3A_633 = tpu.memref_slice %arg8[%mul3A_2] : memref<8192xf32, #tpu.memory_space<hbm>> -> memref<256xf32, #tpu.memory_space<hbm>>
      %dma_start3A_634 = tpu.memref_slice %arg8[%mul3A_2] : memref<8192xf32, #tpu.memory_space<hbm>> -> memref<256xf32, #tpu.memory_space<hbm>>
      tpu.enqueue_dma source(%dma_start3A_634 : memref<256xf32, #tpu.memory_space<hbm>>) target(%arg14 : memref<256xf32, #tpu.memory_space<vmem>>) target_semaphore(%run_scoped3A : memref<!tpu.dma_semaphore, #tpu.memory_space<semaphore_mem>>)
      %dma_wait3A_635 = tpu.memref_slice %arg8[%mul3A_2] : memref<8192xf32, #tpu.memory_space<hbm>> -> memref<256xf32, #tpu.memory_space<hbm>>
      %dma_wait3A_636 = tpu.memref_slice %arg8[%mul3A_2] : memref<8192xf32, #tpu.memory_space<hbm>> -> memref<256xf32, #tpu.memory_space<hbm>>
      tpu.wait_dma2 semaphore(%run_scoped3A : memref<!tpu.dma_semaphore, #tpu.memory_space<semaphore_mem>>) src(%dma_wait3A_636 : memref<256xf32, #tpu.memory_space<hbm>>) dst(%arg14 : memref<256xf32, #tpu.memory_space<vmem>>)
      tpu.yield
    }) : () -> ()
    %dma_start3A = arith.constant 0 : i32
    %dma_start3A_3 = tpu.memref_slice %arg2[%dma_start3A] : memref<1024xf32, #tpu.memory_space<hbm>> -> memref<1024xf32, #tpu.memory_space<hbm>>
    tpu.enqueue_indirect_dma source(%dma_start3A_3 : memref<1024xf32, #tpu.memory_space<hbm>>) target(%arg15 : memref<256xf32, #tpu.memory_space<vmem>>) offsets(%arg11 : memref<256xi32, #tpu.memory_space<vmem>>) semaphore(%arg20 : memref<!tpu.dma_semaphore, #tpu.memory_space<semaphore_mem>>)
    %dma_wait3A = arith.constant 0 : i32
    %dma_wait3A_4 = tpu.memref_slice %arg2[%dma_wait3A] : memref<1024xf32, #tpu.memory_space<hbm>> -> memref<1024xf32, #tpu.memory_space<hbm>>
    tpu.wait_indirect_dma semaphore(%arg20 : memref<!tpu.dma_semaphore, #tpu.memory_space<semaphore_mem>>) src(%dma_wait3A_4 : memref<1024xf32, #tpu.memory_space<hbm>>) dst(%arg15 : memref<256xf32, #tpu.memory_space<vmem>>)
    %dma_start3A_5 = arith.constant 0 : i32
    %dma_start3A_6 = tpu.memref_slice %arg3[%dma_start3A_5] : memref<1024xf32, #tpu.memory_space<hbm>> -> memref<1024xf32, #tpu.memory_space<hbm>>
    tpu.enqueue_indirect_dma source(%dma_start3A_6 : memref<1024xf32, #tpu.memory_space<hbm>>) target(%arg16 : memref<256xf32, #tpu.memory_space<vmem>>) offsets(%arg12 : memref<256xi32, #tpu.memory_space<vmem>>) semaphore(%arg20 : memref<!tpu.dma_semaphore, #tpu.memory_space<semaphore_mem>>)
    %dma_wait3A_7 = arith.constant 0 : i32
    %dma_wait3A_8 = tpu.memref_slice %arg3[%dma_wait3A_7] : memref<1024xf32, #tpu.memory_space<hbm>> -> memref<1024xf32, #tpu.memory_space<hbm>>
    tpu.wait_indirect_dma semaphore(%arg20 : memref<!tpu.dma_semaphore, #tpu.memory_space<semaphore_mem>>) src(%dma_wait3A_8 : memref<1024xf32, #tpu.memory_space<hbm>>) dst(%arg16 : memref<256xf32, #tpu.memory_space<vmem>>)
    %dma_start3A_9 = arith.constant 0 : i32
    %dma_start3A_10 = tpu.memref_slice %arg4[%dma_start3A_9] : memref<1024xf32, #tpu.memory_space<hbm>> -> memref<1024xf32, #tpu.memory_space<hbm>>
    tpu.enqueue_indirect_dma source(%dma_start3A_10 : memref<1024xf32, #tpu.memory_space<hbm>>) target(%arg17 : memref<256xf32, #tpu.memory_space<vmem>>) offsets(%arg12 : memref<256xi32, #tpu.memory_space<vmem>>) semaphore(%arg20 : memref<!tpu.dma_semaphore, #tpu.memory_space<semaphore_mem>>)
    %dma_wait3A_11 = arith.constant 0 : i32
    %dma_wait3A_12 = tpu.memref_slice %arg4[%dma_wait3A_11] : memref<1024xf32, #tpu.memory_space<hbm>> -> memref<1024xf32, #tpu.memory_space<hbm>>
    tpu.wait_indirect_dma semaphore(%arg20 : memref<!tpu.dma_semaphore, #tpu.memory_space<semaphore_mem>>) src(%dma_wait3A_12 : memref<1024xf32, #tpu.memory_space<hbm>>) dst(%arg17 : memref<256xf32, #tpu.memory_space<vmem>>)
    %get3A = arith.constant 0 : index
    %get3A_13 = tpu.vector_load %arg14[%get3A] {strides = array<i32>} : memref<256xf32, #tpu.memory_space<vmem>>, vector<16xf32>,
    %get3A_14 = vector.shape_cast %get3A_13 : vector<16xf32> to vector<16xf32>
    %get3A_15 = arith.constant 0 : index
    %get3A_16 = tpu.vector_load %arg15[%get3A_15] {strides = array<i32>} : memref<256xf32, #tpu.memory_space<vmem>>, vector<16xf32>,
    %get3A_17 = vector.shape_cast %get3A_16 : vector<16xf32> to vector<16xf32>
    %get3A_18 = arith.constant 0 : index
    %get3A_19 = tpu.vector_load %arg16[%get3A_18] {strides = array<i32>} : memref<256xf32, #tpu.memory_space<vmem>>, vector<16xf32>,
    %get3A_20 = vector.shape_cast %get3A_19 : vector<16xf32> to vector<16xf32>
    %mul3A_21 = arith.mulf %get3A_17, %get3A_20 : vector<16xf32>
    %mul3A_22 = arith.mulf %mul3A_21, %get3A_14 : vector<16xf32>
    %sub3A = arith.constant 1.000000e+00 : f32
    %sub3A_23 = vector.broadcast %sub3A : f32 to vector<16xf32>
    %sub3A_24 = arith.subf %get3A_14, %sub3A_23 : vector<16xf32>
    %add3A_25 = arith.addf %mul3A_22, %sub3A_24 : vector<16xf32>
    %swap3A = arith.constant 0 : index
    %swap3A_26 = tpu.vector_load %arg18[%swap3A] {strides = array<i32>} : memref<256xf32, #tpu.memory_space<vmem>>, vector<16xf32>,
    %swap3A_27 = vector.shape_cast %swap3A_26 : vector<16xf32> to vector<16xf32>
    %swap3A_28 = vector.shape_cast %add3A_25 : vector<16xf32> to vector<16xf32>
    tpu.vector_store %arg18[%swap3A], %swap3A_28 {strides = array<i32>} : memref<256xf32, #tpu.memory_space<vmem>>, vector<16xf32>,
    %get3A_29 = arith.constant 0 : index
    %get3A_30 = tpu.vector_load %arg11[%get3A_29] {strides = array<i32>} : memref<256xi32, #tpu.memory_space<vmem>>, vector<16xi32>,
    %get3A_31 = vector.shape_cast %get3A_30 : vector<16xi32> to vector<16xi32>
    %convert_element_type3A = arith.sitofp %get3A_31 : vector<16xi32> to vector<16xf32>
    %mul3A_32 = arith.constant 8.192000e+03 : f32
    %mul3A_33 = vector.broadcast %mul3A_32 : f32 to vector<16xf32>
    %mul3A_34 = arith.mulf %convert_element_type3A, %mul3A_33 : vector<16xf32>
    %get3A_35 = arith.constant 0 : index
    %get3A_36 = tpu.vector_load %arg17[%get3A_35] {strides = array<i32>} : memref<256xf32, #tpu.memory_space<vmem>>, vector<16xf32>,
    %get3A_37 = vector.shape_cast %get3A_36 : vector<16xf32> to vector<16xf32>
    %add3A_38 = arith.addf %mul3A_34, %get3A_37 : vector<16xf32>
    %mul3A_39 = arith.mulf %add3A_38, %get3A_14 : vector<16xf32>
    %get3A_40 = arith.constant 0 : index
    %get3A_41 = tpu.vector_load %arg13[%get3A_40] {strides = array<i32>} : memref<256xf32, #tpu.memory_space<vmem>>, vector<16xf32>,
    %get3A_42 = vector.shape_cast %get3A_41 : vector<16xf32> to vector<16xf32>
    %add3A_43 = arith.addf %mul3A_39, %get3A_42 : vector<16xf32>
    %swap3A_44 = arith.constant 0 : index
    %swap3A_45 = tpu.vector_load %arg19[%swap3A_44] {strides = array<i32>} : memref<256xf32, #tpu.memory_space<vmem>>, vector<16xf32>,
    %swap3A_46 = vector.shape_cast %swap3A_45 : vector<16xf32> to vector<16xf32>
    %swap3A_47 = vector.shape_cast %add3A_43 : vector<16xf32> to vector<16xf32>
    tpu.vector_store %arg19[%swap3A_44], %swap3A_47 {strides = array<i32>} : memref<256xf32, #tpu.memory_space<vmem>>, vector<16xf32>,
    %get3A_48 = arith.constant 16 : index
    %get3A_49 = tpu.vector_load %arg14[%get3A_48] {strides = array<i32>} : memref<256xf32, #tpu.memory_space<vmem>>, vector<16xf32>,
    %get3A_50 = vector.shape_cast %get3A_49 : vector<16xf32> to vector<16xf32>
    %get3A_51 = arith.constant 16 : index
    %get3A_52 = tpu.vector_load %arg15[%get3A_51] {strides = array<i32>} : memref<256xf32, #tpu.memory_space<vmem>>, vector<16xf32>,
    %get3A_53 = vector.shape_cast %get3A_52 : vector<16xf32> to vector<16xf32>
    %get3A_54 = arith.constant 16 : index
    %get3A_55 = tpu.vector_load %arg16[%get3A_54] {strides = array<i32>} : memref<256xf32, #tpu.memory_space<vmem>>, vector<16xf32>,
    %get3A_56 = vector.shape_cast %get3A_55 : vector<16xf32> to vector<16xf32>
    %mul3A_57 = arith.mulf %get3A_53, %get3A_56 : vector<16xf32>
    %mul3A_58 = arith.mulf %mul3A_57, %get3A_50 : vector<16xf32>
    %sub3A_59 = arith.constant 1.000000e+00 : f32
    %sub3A_60 = vector.broadcast %sub3A_59 : f32 to vector<16xf32>
    %sub3A_61 = arith.subf %get3A_50, %sub3A_60 : vector<16xf32>
    %add3A_62 = arith.addf %mul3A_58, %sub3A_61 : vector<16xf32>
    %swap3A_63 = arith.constant 16 : index
    %swap3A_64 = tpu.vector_load %arg18[%swap3A_63] {strides = array<i32>} : memref<256xf32, #tpu.memory_space<vmem>>, vector<16xf32>,
    %swap3A_65 = vector.shape_cast %swap3A_64 : vector<16xf32> to vector<16xf32>
    %swap3A_66 = vector.shape_cast %add3A_62 : vector<16xf32> to vector<16xf32>
    tpu.vector_store %arg18[%swap3A_63], %swap3A_66 {strides = array<i32>} : memref<256xf32, #tpu.memory_space<vmem>>, vector<16xf32>,
    %get3A_67 = arith.constant 16 : index
    %get3A_68 = tpu.vector_load %arg11[%get3A_67] {strides = array<i32>} : memref<256xi32, #tpu.memory_space<vmem>>, vector<16xi32>,
    %get3A_69 = vector.shape_cast %get3A_68 : vector<16xi32> to vector<16xi32>
    %convert_element_type3A_70 = arith.sitofp %get3A_69 : vector<16xi32> to vector<16xf32>
    %mul3A_71 = arith.constant 8.192000e+03 : f32
    %mul3A_72 = vector.broadcast %mul3A_71 : f32 to vector<16xf32>
    %mul3A_73 = arith.mulf %convert_element_type3A_70, %mul3A_72 : vector<16xf32>
    %get3A_74 = arith.constant 16 : index
    %get3A_75 = tpu.vector_load %arg17[%get3A_74] {strides = array<i32>} : memref<256xf32, #tpu.memory_space<vmem>>, vector<16xf32>,
    %get3A_76 = vector.shape_cast %get3A_75 : vector<16xf32> to vector<16xf32>
    %add3A_77 = arith.addf %mul3A_73, %get3A_76 : vector<16xf32>
    %mul3A_78 = arith.mulf %add3A_77, %get3A_50 : vector<16xf32>
    %get3A_79 = arith.constant 16 : index
    %get3A_80 = tpu.vector_load %arg13[%get3A_79] {strides = array<i32>} : memref<256xf32, #tpu.memory_space<vmem>>, vector<16xf32>,
    %get3A_81 = vector.shape_cast %get3A_80 : vector<16xf32> to vector<16xf32>
    %add3A_82 = arith.addf %mul3A_78, %get3A_81 : vector<16xf32>
    %swap3A_83 = arith.constant 16 : index
    %swap3A_84 = tpu.vector_load %arg19[%swap3A_83] {strides = array<i32>} : memref<256xf32, #tpu.memory_space<vmem>>, vector<16xf32>,
    %swap3A_85 = vector.shape_cast %swap3A_84 : vector<16xf32> to vector<16xf32>
    %swap3A_86 = vector.shape_cast %add3A_82 : vector<16xf32> to vector<16xf32>
    tpu.vector_store %arg19[%swap3A_83], %swap3A_86 {strides = array<i32>} : memref<256xf32, #tpu.memory_space<vmem>>, vector<16xf32>,
    %get3A_87 = arith.constant 32 : index
    %get3A_88 = tpu.vector_load %arg14[%get3A_87] {strides = array<i32>} : memref<256xf32, #tpu.memory_space<vmem>>, vector<16xf32>,
    %get3A_89 = vector.shape_cast %get3A_88 : vector<16xf32> to vector<16xf32>
    %get3A_90 = arith.constant 32 : index
    %get3A_91 = tpu.vector_load %arg15[%get3A_90] {strides = array<i32>} : memref<256xf32, #tpu.memory_space<vmem>>, vector<16xf32>,
    %get3A_92 = vector.shape_cast %get3A_91 : vector<16xf32> to vector<16xf32>
    %get3A_93 = arith.constant 32 : index
    %get3A_94 = tpu.vector_load %arg16[%get3A_93] {strides = array<i32>} : memref<256xf32, #tpu.memory_space<vmem>>, vector<16xf32>,
    %get3A_95 = vector.shape_cast %get3A_94 : vector<16xf32> to vector<16xf32>
    %mul3A_96 = arith.mulf %get3A_92, %get3A_95 : vector<16xf32>
    %mul3A_97 = arith.mulf %mul3A_96, %get3A_89 : vector<16xf32>
    %sub3A_98 = arith.constant 1.000000e+00 : f32
    %sub3A_99 = vector.broadcast %sub3A_98 : f32 to vector<16xf32>
    %sub3A_100 = arith.subf %get3A_89, %sub3A_99 : vector<16xf32>
    %add3A_101 = arith.addf %mul3A_97, %sub3A_100 : vector<16xf32>
    %swap3A_102 = arith.constant 32 : index
    %swap3A_103 = tpu.vector_load %arg18[%swap3A_102] {strides = array<i32>} : memref<256xf32, #tpu.memory_space<vmem>>, vector<16xf32>,
    %swap3A_104 = vector.shape_cast %swap3A_103 : vector<16xf32> to vector<16xf32>
    %swap3A_105 = vector.shape_cast %add3A_101 : vector<16xf32> to vector<16xf32>
    tpu.vector_store %arg18[%swap3A_102], %swap3A_105 {strides = array<i32>} : memref<256xf32, #tpu.memory_space<vmem>>, vector<16xf32>,
    %get3A_106 = arith.constant 32 : index
    %get3A_107 = tpu.vector_load %arg11[%get3A_106] {strides = array<i32>} : memref<256xi32, #tpu.memory_space<vmem>>, vector<16xi32>,
    %get3A_108 = vector.shape_cast %get3A_107 : vector<16xi32> to vector<16xi32>
    %convert_element_type3A_109 = arith.sitofp %get3A_108 : vector<16xi32> to vector<16xf32>
    %mul3A_110 = arith.constant 8.192000e+03 : f32
    %mul3A_111 = vector.broadcast %mul3A_110 : f32 to vector<16xf32>
    %mul3A_112 = arith.mulf %convert_element_type3A_109, %mul3A_111 : vector<16xf32>
    %get3A_113 = arith.constant 32 : index
    %get3A_114 = tpu.vector_load %arg17[%get3A_113] {strides = array<i32>} : memref<256xf32, #tpu.memory_space<vmem>>, vector<16xf32>,
    %get3A_115 = vector.shape_cast %get3A_114 : vector<16xf32> to vector<16xf32>
    %add3A_116 = arith.addf %mul3A_112, %get3A_115 : vector<16xf32>
    %mul3A_117 = arith.mulf %add3A_116, %get3A_89 : vector<16xf32>
    %get3A_118 = arith.constant 32 : index
    %get3A_119 = tpu.vector_load %arg13[%get3A_118] {strides = array<i32>} : memref<256xf32, #tpu.memory_space<vmem>>, vector<16xf32>,
    %get3A_120 = vector.shape_cast %get3A_119 : vector<16xf32> to vector<16xf32>
    %add3A_121 = arith.addf %mul3A_117, %get3A_120 : vector<16xf32>
    %swap3A_122 = arith.constant 32 : index
    %swap3A_123 = tpu.vector_load %arg19[%swap3A_122] {strides = array<i32>} : memref<256xf32, #tpu.memory_space<vmem>>, vector<16xf32>,
    %swap3A_124 = vector.shape_cast %swap3A_123 : vector<16xf32> to vector<16xf32>
    %swap3A_125 = vector.shape_cast %add3A_121 : vector<16xf32> to vector<16xf32>
    tpu.vector_store %arg19[%swap3A_122], %swap3A_125 {strides = array<i32>} : memref<256xf32, #tpu.memory_space<vmem>>, vector<16xf32>,
    %get3A_126 = arith.constant 48 : index
    %get3A_127 = tpu.vector_load %arg14[%get3A_126] {strides = array<i32>} : memref<256xf32, #tpu.memory_space<vmem>>, vector<16xf32>,
    %get3A_128 = vector.shape_cast %get3A_127 : vector<16xf32> to vector<16xf32>
    %get3A_129 = arith.constant 48 : index
    %get3A_130 = tpu.vector_load %arg15[%get3A_129] {strides = array<i32>} : memref<256xf32, #tpu.memory_space<vmem>>, vector<16xf32>,
    %get3A_131 = vector.shape_cast %get3A_130 : vector<16xf32> to vector<16xf32>
    %get3A_132 = arith.constant 48 : index
    %get3A_133 = tpu.vector_load %arg16[%get3A_132] {strides = array<i32>} : memref<256xf32, #tpu.memory_space<vmem>>, vector<16xf32>,
    %get3A_134 = vector.shape_cast %get3A_133 : vector<16xf32> to vector<16xf32>
    %mul3A_135 = arith.mulf %get3A_131, %get3A_134 : vector<16xf32>
    %mul3A_136 = arith.mulf %mul3A_135, %get3A_128 : vector<16xf32>
    %sub3A_137 = arith.constant 1.000000e+00 : f32
    %sub3A_138 = vector.broadcast %sub3A_137 : f32 to vector<16xf32>
    %sub3A_139 = arith.subf %get3A_128, %sub3A_138 : vector<16xf32>
    %add3A_140 = arith.addf %mul3A_136, %sub3A_139 : vector<16xf32>
    %swap3A_141 = arith.constant 48 : index
    %swap3A_142 = tpu.vector_load %arg18[%swap3A_141] {strides = array<i32>} : memref<256xf32, #tpu.memory_space<vmem>>, vector<16xf32>,
    %swap3A_143 = vector.shape_cast %swap3A_142 : vector<16xf32> to vector<16xf32>
    %swap3A_144 = vector.shape_cast %add3A_140 : vector<16xf32> to vector<16xf32>
    tpu.vector_store %arg18[%swap3A_141], %swap3A_144 {strides = array<i32>} : memref<256xf32, #tpu.memory_space<vmem>>, vector<16xf32>,
    %get3A_145 = arith.constant 48 : index
    %get3A_146 = tpu.vector_load %arg11[%get3A_145] {strides = array<i32>} : memref<256xi32, #tpu.memory_space<vmem>>, vector<16xi32>,
    %get3A_147 = vector.shape_cast %get3A_146 : vector<16xi32> to vector<16xi32>
    %convert_element_type3A_148 = arith.sitofp %get3A_147 : vector<16xi32> to vector<16xf32>
    %mul3A_149 = arith.constant 8.192000e+03 : f32
    %mul3A_150 = vector.broadcast %mul3A_149 : f32 to vector<16xf32>
    %mul3A_151 = arith.mulf %convert_element_type3A_148, %mul3A_150 : vector<16xf32>
    %get3A_152 = arith.constant 48 : index
    %get3A_153 = tpu.vector_load %arg17[%get3A_152] {strides = array<i32>} : memref<256xf32, #tpu.memory_space<vmem>>, vector<16xf32>,
    %get3A_154 = vector.shape_cast %get3A_153 : vector<16xf32> to vector<16xf32>
    %add3A_155 = arith.addf %mul3A_151, %get3A_154 : vector<16xf32>
    %mul3A_156 = arith.mulf %add3A_155, %get3A_128 : vector<16xf32>
    %get3A_157 = arith.constant 48 : index
    %get3A_158 = tpu.vector_load %arg13[%get3A_157] {strides = array<i32>} : memref<256xf32, #tpu.memory_space<vmem>>, vector<16xf32>,
    %get3A_159 = vector.shape_cast %get3A_158 : vector<16xf32> to vector<16xf32>
    %add3A_160 = arith.addf %mul3A_156, %get3A_159 : vector<16xf32>
    %swap3A_161 = arith.constant 48 : index
    %swap3A_162 = tpu.vector_load %arg19[%swap3A_161] {strides = array<i32>} : memref<256xf32, #tpu.memory_space<vmem>>, vector<16xf32>,
    %swap3A_163 = vector.shape_cast %swap3A_162 : vector<16xf32> to vector<16xf32>
    %swap3A_164 = vector.shape_cast %add3A_160 : vector<16xf32> to vector<16xf32>
    tpu.vector_store %arg19[%swap3A_161], %swap3A_164 {strides = array<i32>} : memref<256xf32, #tpu.memory_space<vmem>>, vector<16xf32>,
    %get3A_165 = arith.constant 64 : index
    %get3A_166 = tpu.vector_load %arg14[%get3A_165] {strides = array<i32>} : memref<256xf32, #tpu.memory_space<vmem>>, vector<16xf32>,
    %get3A_167 = vector.shape_cast %get3A_166 : vector<16xf32> to vector<16xf32>
    %get3A_168 = arith.constant 64 : index
    %get3A_169 = tpu.vector_load %arg15[%get3A_168] {strides = array<i32>} : memref<256xf32, #tpu.memory_space<vmem>>, vector<16xf32>,
    %get3A_170 = vector.shape_cast %get3A_169 : vector<16xf32> to vector<16xf32>
    %get3A_171 = arith.constant 64 : index
    %get3A_172 = tpu.vector_load %arg16[%get3A_171] {strides = array<i32>} : memref<256xf32, #tpu.memory_space<vmem>>, vector<16xf32>,
    %get3A_173 = vector.shape_cast %get3A_172 : vector<16xf32> to vector<16xf32>
    %mul3A_174 = arith.mulf %get3A_170, %get3A_173 : vector<16xf32>
    %mul3A_175 = arith.mulf %mul3A_174, %get3A_167 : vector<16xf32>
    %sub3A_176 = arith.constant 1.000000e+00 : f32
    %sub3A_177 = vector.broadcast %sub3A_176 : f32 to vector<16xf32>
    %sub3A_178 = arith.subf %get3A_167, %sub3A_177 : vector<16xf32>
    %add3A_179 = arith.addf %mul3A_175, %sub3A_178 : vector<16xf32>
    %swap3A_180 = arith.constant 64 : index
    %swap3A_181 = tpu.vector_load %arg18[%swap3A_180] {strides = array<i32>} : memref<256xf32, #tpu.memory_space<vmem>>, vector<16xf32>,
    %swap3A_182 = vector.shape_cast %swap3A_181 : vector<16xf32> to vector<16xf32>
    %swap3A_183 = vector.shape_cast %add3A_179 : vector<16xf32> to vector<16xf32>
    tpu.vector_store %arg18[%swap3A_180], %swap3A_183 {strides = array<i32>} : memref<256xf32, #tpu.memory_space<vmem>>, vector<16xf32>,
    %get3A_184 = arith.constant 64 : index
    %get3A_185 = tpu.vector_load %arg11[%get3A_184] {strides = array<i32>} : memref<256xi32, #tpu.memory_space<vmem>>, vector<16xi32>,
    %get3A_186 = vector.shape_cast %get3A_185 : vector<16xi32> to vector<16xi32>
    %convert_element_type3A_187 = arith.sitofp %get3A_186 : vector<16xi32> to vector<16xf32>
    %mul3A_188 = arith.constant 8.192000e+03 : f32
    %mul3A_189 = vector.broadcast %mul3A_188 : f32 to vector<16xf32>
    %mul3A_190 = arith.mulf %convert_element_type3A_187, %mul3A_189 : vector<16xf32>
    %get3A_191 = arith.constant 64 : index
    %get3A_192 = tpu.vector_load %arg17[%get3A_191] {strides = array<i32>} : memref<256xf32, #tpu.memory_space<vmem>>, vector<16xf32>,
    %get3A_193 = vector.shape_cast %get3A_192 : vector<16xf32> to vector<16xf32>
    %add3A_194 = arith.addf %mul3A_190, %get3A_193 : vector<16xf32>
    %mul3A_195 = arith.mulf %add3A_194, %get3A_167 : vector<16xf32>
    %get3A_196 = arith.constant 64 : index
    %get3A_197 = tpu.vector_load %arg13[%get3A_196] {strides = array<i32>} : memref<256xf32, #tpu.memory_space<vmem>>, vector<16xf32>,
    %get3A_198 = vector.shape_cast %get3A_197 : vector<16xf32> to vector<16xf32>
    %add3A_199 = arith.addf %mul3A_195, %get3A_198 : vector<16xf32>
    %swap3A_200 = arith.constant 64 : index
    %swap3A_201 = tpu.vector_load %arg19[%swap3A_200] {strides = array<i32>} : memref<256xf32, #tpu.memory_space<vmem>>, vector<16xf32>,
    %swap3A_202 = vector.shape_cast %swap3A_201 : vector<16xf32> to vector<16xf32>
    %swap3A_203 = vector.shape_cast %add3A_199 : vector<16xf32> to vector<16xf32>
    tpu.vector_store %arg19[%swap3A_200], %swap3A_203 {strides = array<i32>} : memref<256xf32, #tpu.memory_space<vmem>>, vector<16xf32>,
    %get3A_204 = arith.constant 80 : index
    %get3A_205 = tpu.vector_load %arg14[%get3A_204] {strides = array<i32>} : memref<256xf32, #tpu.memory_space<vmem>>, vector<16xf32>,
    %get3A_206 = vector.shape_cast %get3A_205 : vector<16xf32> to vector<16xf32>
    %get3A_207 = arith.constant 80 : index
    %get3A_208 = tpu.vector_load %arg15[%get3A_207] {strides = array<i32>} : memref<256xf32, #tpu.memory_space<vmem>>, vector<16xf32>,
    %get3A_209 = vector.shape_cast %get3A_208 : vector<16xf32> to vector<16xf32>
    %get3A_210 = arith.constant 80 : index
    %get3A_211 = tpu.vector_load %arg16[%get3A_210] {strides = array<i32>} : memref<256xf32, #tpu.memory_space<vmem>>, vector<16xf32>,
    %get3A_212 = vector.shape_cast %get3A_211 : vector<16xf32> to vector<16xf32>
    %mul3A_213 = arith.mulf %get3A_209, %get3A_212 : vector<16xf32>
    %mul3A_214 = arith.mulf %mul3A_213, %get3A_206 : vector<16xf32>
    %sub3A_215 = arith.constant 1.000000e+00 : f32
    %sub3A_216 = vector.broadcast %sub3A_215 : f32 to vector<16xf32>
    %sub3A_217 = arith.subf %get3A_206, %sub3A_216 : vector<16xf32>
    %add3A_218 = arith.addf %mul3A_214, %sub3A_217 : vector<16xf32>
    %swap3A_219 = arith.constant 80 : index
    %swap3A_220 = tpu.vector_load %arg18[%swap3A_219] {strides = array<i32>} : memref<256xf32, #tpu.memory_space<vmem>>, vector<16xf32>,
    %swap3A_221 = vector.shape_cast %swap3A_220 : vector<16xf32> to vector<16xf32>
    %swap3A_222 = vector.shape_cast %add3A_218 : vector<16xf32> to vector<16xf32>
    tpu.vector_store %arg18[%swap3A_219], %swap3A_222 {strides = array<i32>} : memref<256xf32, #tpu.memory_space<vmem>>, vector<16xf32>,
    %get3A_223 = arith.constant 80 : index
    %get3A_224 = tpu.vector_load %arg11[%get3A_223] {strides = array<i32>} : memref<256xi32, #tpu.memory_space<vmem>>, vector<16xi32>,
    %get3A_225 = vector.shape_cast %get3A_224 : vector<16xi32> to vector<16xi32>
    %convert_element_type3A_226 = arith.sitofp %get3A_225 : vector<16xi32> to vector<16xf32>
    %mul3A_227 = arith.constant 8.192000e+03 : f32
    %mul3A_228 = vector.broadcast %mul3A_227 : f32 to vector<16xf32>
    %mul3A_229 = arith.mulf %convert_element_type3A_226, %mul3A_228 : vector<16xf32>
    %get3A_230 = arith.constant 80 : index
    %get3A_231 = tpu.vector_load %arg17[%get3A_230] {strides = array<i32>} : memref<256xf32, #tpu.memory_space<vmem>>, vector<16xf32>,
    %get3A_232 = vector.shape_cast %get3A_231 : vector<16xf32> to vector<16xf32>
    %add3A_233 = arith.addf %mul3A_229, %get3A_232 : vector<16xf32>
    %mul3A_234 = arith.mulf %add3A_233, %get3A_206 : vector<16xf32>
    %get3A_235 = arith.constant 80 : index
    %get3A_236 = tpu.vector_load %arg13[%get3A_235] {strides = array<i32>} : memref<256xf32, #tpu.memory_space<vmem>>, vector<16xf32>,
    %get3A_237 = vector.shape_cast %get3A_236 : vector<16xf32> to vector<16xf32>
    %add3A_238 = arith.addf %mul3A_234, %get3A_237 : vector<16xf32>
    %swap3A_239 = arith.constant 80 : index
    %swap3A_240 = tpu.vector_load %arg19[%swap3A_239] {strides = array<i32>} : memref<256xf32, #tpu.memory_space<vmem>>, vector<16xf32>,
    %swap3A_241 = vector.shape_cast %swap3A_240 : vector<16xf32> to vector<16xf32>
    %swap3A_242 = vector.shape_cast %add3A_238 : vector<16xf32> to vector<16xf32>
    tpu.vector_store %arg19[%swap3A_239], %swap3A_242 {strides = array<i32>} : memref<256xf32, #tpu.memory_space<vmem>>, vector<16xf32>,
    %get3A_243 = arith.constant 96 : index
    %get3A_244 = tpu.vector_load %arg14[%get3A_243] {strides = array<i32>} : memref<256xf32, #tpu.memory_space<vmem>>, vector<16xf32>,
    %get3A_245 = vector.shape_cast %get3A_244 : vector<16xf32> to vector<16xf32>
    %get3A_246 = arith.constant 96 : index
    %get3A_247 = tpu.vector_load %arg15[%get3A_246] {strides = array<i32>} : memref<256xf32, #tpu.memory_space<vmem>>, vector<16xf32>,
    %get3A_248 = vector.shape_cast %get3A_247 : vector<16xf32> to vector<16xf32>
    %get3A_249 = arith.constant 96 : index
    %get3A_250 = tpu.vector_load %arg16[%get3A_249] {strides = array<i32>} : memref<256xf32, #tpu.memory_space<vmem>>, vector<16xf32>,
    %get3A_251 = vector.shape_cast %get3A_250 : vector<16xf32> to vector<16xf32>
    %mul3A_252 = arith.mulf %get3A_248, %get3A_251 : vector<16xf32>
    %mul3A_253 = arith.mulf %mul3A_252, %get3A_245 : vector<16xf32>
    %sub3A_254 = arith.constant 1.000000e+00 : f32
    %sub3A_255 = vector.broadcast %sub3A_254 : f32 to vector<16xf32>
    %sub3A_256 = arith.subf %get3A_245, %sub3A_255 : vector<16xf32>
    %add3A_257 = arith.addf %mul3A_253, %sub3A_256 : vector<16xf32>
    %swap3A_258 = arith.constant 96 : index
    %swap3A_259 = tpu.vector_load %arg18[%swap3A_258] {strides = array<i32>} : memref<256xf32, #tpu.memory_space<vmem>>, vector<16xf32>,
    %swap3A_260 = vector.shape_cast %swap3A_259 : vector<16xf32> to vector<16xf32>
    %swap3A_261 = vector.shape_cast %add3A_257 : vector<16xf32> to vector<16xf32>
    tpu.vector_store %arg18[%swap3A_258], %swap3A_261 {strides = array<i32>} : memref<256xf32, #tpu.memory_space<vmem>>, vector<16xf32>,
    %get3A_262 = arith.constant 96 : index
    %get3A_263 = tpu.vector_load %arg11[%get3A_262] {strides = array<i32>} : memref<256xi32, #tpu.memory_space<vmem>>, vector<16xi32>,
    %get3A_264 = vector.shape_cast %get3A_263 : vector<16xi32> to vector<16xi32>
    %convert_element_type3A_265 = arith.sitofp %get3A_264 : vector<16xi32> to vector<16xf32>
    %mul3A_266 = arith.constant 8.192000e+03 : f32
    %mul3A_267 = vector.broadcast %mul3A_266 : f32 to vector<16xf32>
    %mul3A_268 = arith.mulf %convert_element_type3A_265, %mul3A_267 : vector<16xf32>
    %get3A_269 = arith.constant 96 : index
    %get3A_270 = tpu.vector_load %arg17[%get3A_269] {strides = array<i32>} : memref<256xf32, #tpu.memory_space<vmem>>, vector<16xf32>,
    %get3A_271 = vector.shape_cast %get3A_270 : vector<16xf32> to vector<16xf32>
    %add3A_272 = arith.addf %mul3A_268, %get3A_271 : vector<16xf32>
    %mul3A_273 = arith.mulf %add3A_272, %get3A_245 : vector<16xf32>
    %get3A_274 = arith.constant 96 : index
    %get3A_275 = tpu.vector_load %arg13[%get3A_274] {strides = array<i32>} : memref<256xf32, #tpu.memory_space<vmem>>, vector<16xf32>,
    %get3A_276 = vector.shape_cast %get3A_275 : vector<16xf32> to vector<16xf32>
    %add3A_277 = arith.addf %mul3A_273, %get3A_276 : vector<16xf32>
    %swap3A_278 = arith.constant 96 : index
    %swap3A_279 = tpu.vector_load %arg19[%swap3A_278] {strides = array<i32>} : memref<256xf32, #tpu.memory_space<vmem>>, vector<16xf32>,
    %swap3A_280 = vector.shape_cast %swap3A_279 : vector<16xf32> to vector<16xf32>
    %swap3A_281 = vector.shape_cast %add3A_277 : vector<16xf32> to vector<16xf32>
    tpu.vector_store %arg19[%swap3A_278], %swap3A_281 {strides = array<i32>} : memref<256xf32, #tpu.memory_space<vmem>>, vector<16xf32>,
    %get3A_282 = arith.constant 112 : index
    %get3A_283 = tpu.vector_load %arg14[%get3A_282] {strides = array<i32>} : memref<256xf32, #tpu.memory_space<vmem>>, vector<16xf32>,
    %get3A_284 = vector.shape_cast %get3A_283 : vector<16xf32> to vector<16xf32>
    %get3A_285 = arith.constant 112 : index
    %get3A_286 = tpu.vector_load %arg15[%get3A_285] {strides = array<i32>} : memref<256xf32, #tpu.memory_space<vmem>>, vector<16xf32>,
    %get3A_287 = vector.shape_cast %get3A_286 : vector<16xf32> to vector<16xf32>
    %get3A_288 = arith.constant 112 : index
    %get3A_289 = tpu.vector_load %arg16[%get3A_288] {strides = array<i32>} : memref<256xf32, #tpu.memory_space<vmem>>, vector<16xf32>,
    %get3A_290 = vector.shape_cast %get3A_289 : vector<16xf32> to vector<16xf32>
    %mul3A_291 = arith.mulf %get3A_287, %get3A_290 : vector<16xf32>
    %mul3A_292 = arith.mulf %mul3A_291, %get3A_284 : vector<16xf32>
    %sub3A_293 = arith.constant 1.000000e+00 : f32
    %sub3A_294 = vector.broadcast %sub3A_293 : f32 to vector<16xf32>
    %sub3A_295 = arith.subf %get3A_284, %sub3A_294 : vector<16xf32>
    %add3A_296 = arith.addf %mul3A_292, %sub3A_295 : vector<16xf32>
    %swap3A_297 = arith.constant 112 : index
    %swap3A_298 = tpu.vector_load %arg18[%swap3A_297] {strides = array<i32>} : memref<256xf32, #tpu.memory_space<vmem>>, vector<16xf32>,
    %swap3A_299 = vector.shape_cast %swap3A_298 : vector<16xf32> to vector<16xf32>
    %swap3A_300 = vector.shape_cast %add3A_296 : vector<16xf32> to vector<16xf32>
    tpu.vector_store %arg18[%swap3A_297], %swap3A_300 {strides = array<i32>} : memref<256xf32, #tpu.memory_space<vmem>>, vector<16xf32>,
    %get3A_301 = arith.constant 112 : index
    %get3A_302 = tpu.vector_load %arg11[%get3A_301] {strides = array<i32>} : memref<256xi32, #tpu.memory_space<vmem>>, vector<16xi32>,
    %get3A_303 = vector.shape_cast %get3A_302 : vector<16xi32> to vector<16xi32>
    %convert_element_type3A_304 = arith.sitofp %get3A_303 : vector<16xi32> to vector<16xf32>
    %mul3A_305 = arith.constant 8.192000e+03 : f32
    %mul3A_306 = vector.broadcast %mul3A_305 : f32 to vector<16xf32>
    %mul3A_307 = arith.mulf %convert_element_type3A_304, %mul3A_306 : vector<16xf32>
    %get3A_308 = arith.constant 112 : index
    %get3A_309 = tpu.vector_load %arg17[%get3A_308] {strides = array<i32>} : memref<256xf32, #tpu.memory_space<vmem>>, vector<16xf32>,
    %get3A_310 = vector.shape_cast %get3A_309 : vector<16xf32> to vector<16xf32>
    %add3A_311 = arith.addf %mul3A_307, %get3A_310 : vector<16xf32>
    %mul3A_312 = arith.mulf %add3A_311, %get3A_284 : vector<16xf32>
    %get3A_313 = arith.constant 112 : index
    %get3A_314 = tpu.vector_load %arg13[%get3A_313] {strides = array<i32>} : memref<256xf32, #tpu.memory_space<vmem>>, vector<16xf32>,
    %get3A_315 = vector.shape_cast %get3A_314 : vector<16xf32> to vector<16xf32>
    %add3A_316 = arith.addf %mul3A_312, %get3A_315 : vector<16xf32>
    %swap3A_317 = arith.constant 112 : index
    %swap3A_318 = tpu.vector_load %arg19[%swap3A_317] {strides = array<i32>} : memref<256xf32, #tpu.memory_space<vmem>>, vector<16xf32>,
    %swap3A_319 = vector.shape_cast %swap3A_318 : vector<16xf32> to vector<16xf32>
    %swap3A_320 = vector.shape_cast %add3A_316 : vector<16xf32> to vector<16xf32>
    tpu.vector_store %arg19[%swap3A_317], %swap3A_320 {strides = array<i32>} : memref<256xf32, #tpu.memory_space<vmem>>, vector<16xf32>,
    %get3A_321 = arith.constant 128 : index
    %get3A_322 = tpu.vector_load %arg14[%get3A_321] {strides = array<i32>} : memref<256xf32, #tpu.memory_space<vmem>>, vector<16xf32>,
    %get3A_323 = vector.shape_cast %get3A_322 : vector<16xf32> to vector<16xf32>
    %get3A_324 = arith.constant 128 : index
    %get3A_325 = tpu.vector_load %arg15[%get3A_324] {strides = array<i32>} : memref<256xf32, #tpu.memory_space<vmem>>, vector<16xf32>,
    %get3A_326 = vector.shape_cast %get3A_325 : vector<16xf32> to vector<16xf32>
    %get3A_327 = arith.constant 128 : index
    %get3A_328 = tpu.vector_load %arg16[%get3A_327] {strides = array<i32>} : memref<256xf32, #tpu.memory_space<vmem>>, vector<16xf32>,
    %get3A_329 = vector.shape_cast %get3A_328 : vector<16xf32> to vector<16xf32>
    %mul3A_330 = arith.mulf %get3A_326, %get3A_329 : vector<16xf32>
    %mul3A_331 = arith.mulf %mul3A_330, %get3A_323 : vector<16xf32>
    %sub3A_332 = arith.constant 1.000000e+00 : f32
    %sub3A_333 = vector.broadcast %sub3A_332 : f32 to vector<16xf32>
    %sub3A_334 = arith.subf %get3A_323, %sub3A_333 : vector<16xf32>
    %add3A_335 = arith.addf %mul3A_331, %sub3A_334 : vector<16xf32>
    %swap3A_336 = arith.constant 128 : index
    %swap3A_337 = tpu.vector_load %arg18[%swap3A_336] {strides = array<i32>} : memref<256xf32, #tpu.memory_space<vmem>>, vector<16xf32>,
    %swap3A_338 = vector.shape_cast %swap3A_337 : vector<16xf32> to vector<16xf32>
    %swap3A_339 = vector.shape_cast %add3A_335 : vector<16xf32> to vector<16xf32>
    tpu.vector_store %arg18[%swap3A_336], %swap3A_339 {strides = array<i32>} : memref<256xf32, #tpu.memory_space<vmem>>, vector<16xf32>,
    %get3A_340 = arith.constant 128 : index
    %get3A_341 = tpu.vector_load %arg11[%get3A_340] {strides = array<i32>} : memref<256xi32, #tpu.memory_space<vmem>>, vector<16xi32>,
    %get3A_342 = vector.shape_cast %get3A_341 : vector<16xi32> to vector<16xi32>
    %convert_element_type3A_343 = arith.sitofp %get3A_342 : vector<16xi32> to vector<16xf32>
    %mul3A_344 = arith.constant 8.192000e+03 : f32
    %mul3A_345 = vector.broadcast %mul3A_344 : f32 to vector<16xf32>
    %mul3A_346 = arith.mulf %convert_element_type3A_343, %mul3A_345 : vector<16xf32>
    %get3A_347 = arith.constant 128 : index
    %get3A_348 = tpu.vector_load %arg17[%get3A_347] {strides = array<i32>} : memref<256xf32, #tpu.memory_space<vmem>>, vector<16xf32>,
    %get3A_349 = vector.shape_cast %get3A_348 : vector<16xf32> to vector<16xf32>
    %add3A_350 = arith.addf %mul3A_346, %get3A_349 : vector<16xf32>
    %mul3A_351 = arith.mulf %add3A_350, %get3A_323 : vector<16xf32>
    %get3A_352 = arith.constant 128 : index
    %get3A_353 = tpu.vector_load %arg13[%get3A_352] {strides = array<i32>} : memref<256xf32, #tpu.memory_space<vmem>>, vector<16xf32>,
    %get3A_354 = vector.shape_cast %get3A_353 : vector<16xf32> to vector<16xf32>
    %add3A_355 = arith.addf %mul3A_351, %get3A_354 : vector<16xf32>
    %swap3A_356 = arith.constant 128 : index
    %swap3A_357 = tpu.vector_load %arg19[%swap3A_356] {strides = array<i32>} : memref<256xf32, #tpu.memory_space<vmem>>, vector<16xf32>,
    %swap3A_358 = vector.shape_cast %swap3A_357 : vector<16xf32> to vector<16xf32>
    %swap3A_359 = vector.shape_cast %add3A_355 : vector<16xf32> to vector<16xf32>
    tpu.vector_store %arg19[%swap3A_356], %swap3A_359 {strides = array<i32>} : memref<256xf32, #tpu.memory_space<vmem>>, vector<16xf32>,
    %get3A_360 = arith.constant 144 : index
    %get3A_361 = tpu.vector_load %arg14[%get3A_360] {strides = array<i32>} : memref<256xf32, #tpu.memory_space<vmem>>, vector<16xf32>,
    %get3A_362 = vector.shape_cast %get3A_361 : vector<16xf32> to vector<16xf32>
    %get3A_363 = arith.constant 144 : index
    %get3A_364 = tpu.vector_load %arg15[%get3A_363] {strides = array<i32>} : memref<256xf32, #tpu.memory_space<vmem>>, vector<16xf32>,
    %get3A_365 = vector.shape_cast %get3A_364 : vector<16xf32> to vector<16xf32>
    %get3A_366 = arith.constant 144 : index
    %get3A_367 = tpu.vector_load %arg16[%get3A_366] {strides = array<i32>} : memref<256xf32, #tpu.memory_space<vmem>>, vector<16xf32>,
    %get3A_368 = vector.shape_cast %get3A_367 : vector<16xf32> to vector<16xf32>
    %mul3A_369 = arith.mulf %get3A_365, %get3A_368 : vector<16xf32>
    %mul3A_370 = arith.mulf %mul3A_369, %get3A_362 : vector<16xf32>
    %sub3A_371 = arith.constant 1.000000e+00 : f32
    %sub3A_372 = vector.broadcast %sub3A_371 : f32 to vector<16xf32>
    %sub3A_373 = arith.subf %get3A_362, %sub3A_372 : vector<16xf32>
    %add3A_374 = arith.addf %mul3A_370, %sub3A_373 : vector<16xf32>
    %swap3A_375 = arith.constant 144 : index
    %swap3A_376 = tpu.vector_load %arg18[%swap3A_375] {strides = array<i32>} : memref<256xf32, #tpu.memory_space<vmem>>, vector<16xf32>,
    %swap3A_377 = vector.shape_cast %swap3A_376 : vector<16xf32> to vector<16xf32>
    %swap3A_378 = vector.shape_cast %add3A_374 : vector<16xf32> to vector<16xf32>
    tpu.vector_store %arg18[%swap3A_375], %swap3A_378 {strides = array<i32>} : memref<256xf32, #tpu.memory_space<vmem>>, vector<16xf32>,
    %get3A_379 = arith.constant 144 : index
    %get3A_380 = tpu.vector_load %arg11[%get3A_379] {strides = array<i32>} : memref<256xi32, #tpu.memory_space<vmem>>, vector<16xi32>,
    %get3A_381 = vector.shape_cast %get3A_380 : vector<16xi32> to vector<16xi32>
    %convert_element_type3A_382 = arith.sitofp %get3A_381 : vector<16xi32> to vector<16xf32>
    %mul3A_383 = arith.constant 8.192000e+03 : f32
    %mul3A_384 = vector.broadcast %mul3A_383 : f32 to vector<16xf32>
    %mul3A_385 = arith.mulf %convert_element_type3A_382, %mul3A_384 : vector<16xf32>
    %get3A_386 = arith.constant 144 : index
    %get3A_387 = tpu.vector_load %arg17[%get3A_386] {strides = array<i32>} : memref<256xf32, #tpu.memory_space<vmem>>, vector<16xf32>,
    %get3A_388 = vector.shape_cast %get3A_387 : vector<16xf32> to vector<16xf32>
    %add3A_389 = arith.addf %mul3A_385, %get3A_388 : vector<16xf32>
    %mul3A_390 = arith.mulf %add3A_389, %get3A_362 : vector<16xf32>
    %get3A_391 = arith.constant 144 : index
    %get3A_392 = tpu.vector_load %arg13[%get3A_391] {strides = array<i32>} : memref<256xf32, #tpu.memory_space<vmem>>, vector<16xf32>,
    %get3A_393 = vector.shape_cast %get3A_392 : vector<16xf32> to vector<16xf32>
    %add3A_394 = arith.addf %mul3A_390, %get3A_393 : vector<16xf32>
    %swap3A_395 = arith.constant 144 : index
    %swap3A_396 = tpu.vector_load %arg19[%swap3A_395] {strides = array<i32>} : memref<256xf32, #tpu.memory_space<vmem>>, vector<16xf32>,
    %swap3A_397 = vector.shape_cast %swap3A_396 : vector<16xf32> to vector<16xf32>
    %swap3A_398 = vector.shape_cast %add3A_394 : vector<16xf32> to vector<16xf32>
    tpu.vector_store %arg19[%swap3A_395], %swap3A_398 {strides = array<i32>} : memref<256xf32, #tpu.memory_space<vmem>>, vector<16xf32>,
    %get3A_399 = arith.constant 160 : index
    %get3A_400 = tpu.vector_load %arg14[%get3A_399] {strides = array<i32>} : memref<256xf32, #tpu.memory_space<vmem>>, vector<16xf32>,
    %get3A_401 = vector.shape_cast %get3A_400 : vector<16xf32> to vector<16xf32>
    %get3A_402 = arith.constant 160 : index
    %get3A_403 = tpu.vector_load %arg15[%get3A_402] {strides = array<i32>} : memref<256xf32, #tpu.memory_space<vmem>>, vector<16xf32>,
    %get3A_404 = vector.shape_cast %get3A_403 : vector<16xf32> to vector<16xf32>
    %get3A_405 = arith.constant 160 : index
    %get3A_406 = tpu.vector_load %arg16[%get3A_405] {strides = array<i32>} : memref<256xf32, #tpu.memory_space<vmem>>, vector<16xf32>,
    %get3A_407 = vector.shape_cast %get3A_406 : vector<16xf32> to vector<16xf32>
    %mul3A_408 = arith.mulf %get3A_404, %get3A_407 : vector<16xf32>
    %mul3A_409 = arith.mulf %mul3A_408, %get3A_401 : vector<16xf32>
    %sub3A_410 = arith.constant 1.000000e+00 : f32
    %sub3A_411 = vector.broadcast %sub3A_410 : f32 to vector<16xf32>
    %sub3A_412 = arith.subf %get3A_401, %sub3A_411 : vector<16xf32>
    %add3A_413 = arith.addf %mul3A_409, %sub3A_412 : vector<16xf32>
    %swap3A_414 = arith.constant 160 : index
    %swap3A_415 = tpu.vector_load %arg18[%swap3A_414] {strides = array<i32>} : memref<256xf32, #tpu.memory_space<vmem>>, vector<16xf32>,
    %swap3A_416 = vector.shape_cast %swap3A_415 : vector<16xf32> to vector<16xf32>
    %swap3A_417 = vector.shape_cast %add3A_413 : vector<16xf32> to vector<16xf32>
    tpu.vector_store %arg18[%swap3A_414], %swap3A_417 {strides = array<i32>} : memref<256xf32, #tpu.memory_space<vmem>>, vector<16xf32>,
    %get3A_418 = arith.constant 160 : index
    %get3A_419 = tpu.vector_load %arg11[%get3A_418] {strides = array<i32>} : memref<256xi32, #tpu.memory_space<vmem>>, vector<16xi32>,
    %get3A_420 = vector.shape_cast %get3A_419 : vector<16xi32> to vector<16xi32>
    %convert_element_type3A_421 = arith.sitofp %get3A_420 : vector<16xi32> to vector<16xf32>
    %mul3A_422 = arith.constant 8.192000e+03 : f32
    %mul3A_423 = vector.broadcast %mul3A_422 : f32 to vector<16xf32>
    %mul3A_424 = arith.mulf %convert_element_type3A_421, %mul3A_423 : vector<16xf32>
    %get3A_425 = arith.constant 160 : index
    %get3A_426 = tpu.vector_load %arg17[%get3A_425] {strides = array<i32>} : memref<256xf32, #tpu.memory_space<vmem>>, vector<16xf32>,
    %get3A_427 = vector.shape_cast %get3A_426 : vector<16xf32> to vector<16xf32>
    %add3A_428 = arith.addf %mul3A_424, %get3A_427 : vector<16xf32>
    %mul3A_429 = arith.mulf %add3A_428, %get3A_401 : vector<16xf32>
    %get3A_430 = arith.constant 160 : index
    %get3A_431 = tpu.vector_load %arg13[%get3A_430] {strides = array<i32>} : memref<256xf32, #tpu.memory_space<vmem>>, vector<16xf32>,
    %get3A_432 = vector.shape_cast %get3A_431 : vector<16xf32> to vector<16xf32>
    %add3A_433 = arith.addf %mul3A_429, %get3A_432 : vector<16xf32>
    %swap3A_434 = arith.constant 160 : index
    %swap3A_435 = tpu.vector_load %arg19[%swap3A_434] {strides = array<i32>} : memref<256xf32, #tpu.memory_space<vmem>>, vector<16xf32>,
    %swap3A_436 = vector.shape_cast %swap3A_435 : vector<16xf32> to vector<16xf32>
    %swap3A_437 = vector.shape_cast %add3A_433 : vector<16xf32> to vector<16xf32>
    tpu.vector_store %arg19[%swap3A_434], %swap3A_437 {strides = array<i32>} : memref<256xf32, #tpu.memory_space<vmem>>, vector<16xf32>,
    %get3A_438 = arith.constant 176 : index
    %get3A_439 = tpu.vector_load %arg14[%get3A_438] {strides = array<i32>} : memref<256xf32, #tpu.memory_space<vmem>>, vector<16xf32>,
    %get3A_440 = vector.shape_cast %get3A_439 : vector<16xf32> to vector<16xf32>
    %get3A_441 = arith.constant 176 : index
    %get3A_442 = tpu.vector_load %arg15[%get3A_441] {strides = array<i32>} : memref<256xf32, #tpu.memory_space<vmem>>, vector<16xf32>,
    %get3A_443 = vector.shape_cast %get3A_442 : vector<16xf32> to vector<16xf32>
    %get3A_444 = arith.constant 176 : index
    %get3A_445 = tpu.vector_load %arg16[%get3A_444] {strides = array<i32>} : memref<256xf32, #tpu.memory_space<vmem>>, vector<16xf32>,
    %get3A_446 = vector.shape_cast %get3A_445 : vector<16xf32> to vector<16xf32>
    %mul3A_447 = arith.mulf %get3A_443, %get3A_446 : vector<16xf32>
    %mul3A_448 = arith.mulf %mul3A_447, %get3A_440 : vector<16xf32>
    %sub3A_449 = arith.constant 1.000000e+00 : f32
    %sub3A_450 = vector.broadcast %sub3A_449 : f32 to vector<16xf32>
    %sub3A_451 = arith.subf %get3A_440, %sub3A_450 : vector<16xf32>
    %add3A_452 = arith.addf %mul3A_448, %sub3A_451 : vector<16xf32>
    %swap3A_453 = arith.constant 176 : index
    %swap3A_454 = tpu.vector_load %arg18[%swap3A_453] {strides = array<i32>} : memref<256xf32, #tpu.memory_space<vmem>>, vector<16xf32>,
    %swap3A_455 = vector.shape_cast %swap3A_454 : vector<16xf32> to vector<16xf32>
    %swap3A_456 = vector.shape_cast %add3A_452 : vector<16xf32> to vector<16xf32>
    tpu.vector_store %arg18[%swap3A_453], %swap3A_456 {strides = array<i32>} : memref<256xf32, #tpu.memory_space<vmem>>, vector<16xf32>,
    %get3A_457 = arith.constant 176 : index
    %get3A_458 = tpu.vector_load %arg11[%get3A_457] {strides = array<i32>} : memref<256xi32, #tpu.memory_space<vmem>>, vector<16xi32>,
    %get3A_459 = vector.shape_cast %get3A_458 : vector<16xi32> to vector<16xi32>
    %convert_element_type3A_460 = arith.sitofp %get3A_459 : vector<16xi32> to vector<16xf32>
    %mul3A_461 = arith.constant 8.192000e+03 : f32
    %mul3A_462 = vector.broadcast %mul3A_461 : f32 to vector<16xf32>
    %mul3A_463 = arith.mulf %convert_element_type3A_460, %mul3A_462 : vector<16xf32>
    %get3A_464 = arith.constant 176 : index
    %get3A_465 = tpu.vector_load %arg17[%get3A_464] {strides = array<i32>} : memref<256xf32, #tpu.memory_space<vmem>>, vector<16xf32>,
    %get3A_466 = vector.shape_cast %get3A_465 : vector<16xf32> to vector<16xf32>
    %add3A_467 = arith.addf %mul3A_463, %get3A_466 : vector<16xf32>
    %mul3A_468 = arith.mulf %add3A_467, %get3A_440 : vector<16xf32>
    %get3A_469 = arith.constant 176 : index
    %get3A_470 = tpu.vector_load %arg13[%get3A_469] {strides = array<i32>} : memref<256xf32, #tpu.memory_space<vmem>>, vector<16xf32>,
    %get3A_471 = vector.shape_cast %get3A_470 : vector<16xf32> to vector<16xf32>
    %add3A_472 = arith.addf %mul3A_468, %get3A_471 : vector<16xf32>
    %swap3A_473 = arith.constant 176 : index
    %swap3A_474 = tpu.vector_load %arg19[%swap3A_473] {strides = array<i32>} : memref<256xf32, #tpu.memory_space<vmem>>, vector<16xf32>,
    %swap3A_475 = vector.shape_cast %swap3A_474 : vector<16xf32> to vector<16xf32>
    %swap3A_476 = vector.shape_cast %add3A_472 : vector<16xf32> to vector<16xf32>
    tpu.vector_store %arg19[%swap3A_473], %swap3A_476 {strides = array<i32>} : memref<256xf32, #tpu.memory_space<vmem>>, vector<16xf32>,
    %get3A_477 = arith.constant 192 : index
    %get3A_478 = tpu.vector_load %arg14[%get3A_477] {strides = array<i32>} : memref<256xf32, #tpu.memory_space<vmem>>, vector<16xf32>,
    %get3A_479 = vector.shape_cast %get3A_478 : vector<16xf32> to vector<16xf32>
    %get3A_480 = arith.constant 192 : index
    %get3A_481 = tpu.vector_load %arg15[%get3A_480] {strides = array<i32>} : memref<256xf32, #tpu.memory_space<vmem>>, vector<16xf32>,
    %get3A_482 = vector.shape_cast %get3A_481 : vector<16xf32> to vector<16xf32>
    %get3A_483 = arith.constant 192 : index
    %get3A_484 = tpu.vector_load %arg16[%get3A_483] {strides = array<i32>} : memref<256xf32, #tpu.memory_space<vmem>>, vector<16xf32>,
    %get3A_485 = vector.shape_cast %get3A_484 : vector<16xf32> to vector<16xf32>
    %mul3A_486 = arith.mulf %get3A_482, %get3A_485 : vector<16xf32>
    %mul3A_487 = arith.mulf %mul3A_486, %get3A_479 : vector<16xf32>
    %sub3A_488 = arith.constant 1.000000e+00 : f32
    %sub3A_489 = vector.broadcast %sub3A_488 : f32 to vector<16xf32>
    %sub3A_490 = arith.subf %get3A_479, %sub3A_489 : vector<16xf32>
    %add3A_491 = arith.addf %mul3A_487, %sub3A_490 : vector<16xf32>
    %swap3A_492 = arith.constant 192 : index
    %swap3A_493 = tpu.vector_load %arg18[%swap3A_492] {strides = array<i32>} : memref<256xf32, #tpu.memory_space<vmem>>, vector<16xf32>,
    %swap3A_494 = vector.shape_cast %swap3A_493 : vector<16xf32> to vector<16xf32>
    %swap3A_495 = vector.shape_cast %add3A_491 : vector<16xf32> to vector<16xf32>
    tpu.vector_store %arg18[%swap3A_492], %swap3A_495 {strides = array<i32>} : memref<256xf32, #tpu.memory_space<vmem>>, vector<16xf32>,
    %get3A_496 = arith.constant 192 : index
    %get3A_497 = tpu.vector_load %arg11[%get3A_496] {strides = array<i32>} : memref<256xi32, #tpu.memory_space<vmem>>, vector<16xi32>,
    %get3A_498 = vector.shape_cast %get3A_497 : vector<16xi32> to vector<16xi32>
    %convert_element_type3A_499 = arith.sitofp %get3A_498 : vector<16xi32> to vector<16xf32>
    %mul3A_500 = arith.constant 8.192000e+03 : f32
    %mul3A_501 = vector.broadcast %mul3A_500 : f32 to vector<16xf32>
    %mul3A_502 = arith.mulf %convert_element_type3A_499, %mul3A_501 : vector<16xf32>
    %get3A_503 = arith.constant 192 : index
    %get3A_504 = tpu.vector_load %arg17[%get3A_503] {strides = array<i32>} : memref<256xf32, #tpu.memory_space<vmem>>, vector<16xf32>,
    %get3A_505 = vector.shape_cast %get3A_504 : vector<16xf32> to vector<16xf32>
    %add3A_506 = arith.addf %mul3A_502, %get3A_505 : vector<16xf32>
    %mul3A_507 = arith.mulf %add3A_506, %get3A_479 : vector<16xf32>
    %get3A_508 = arith.constant 192 : index
    %get3A_509 = tpu.vector_load %arg13[%get3A_508] {strides = array<i32>} : memref<256xf32, #tpu.memory_space<vmem>>, vector<16xf32>,
    %get3A_510 = vector.shape_cast %get3A_509 : vector<16xf32> to vector<16xf32>
    %add3A_511 = arith.addf %mul3A_507, %get3A_510 : vector<16xf32>
    %swap3A_512 = arith.constant 192 : index
    %swap3A_513 = tpu.vector_load %arg19[%swap3A_512] {strides = array<i32>} : memref<256xf32, #tpu.memory_space<vmem>>, vector<16xf32>,
    %swap3A_514 = vector.shape_cast %swap3A_513 : vector<16xf32> to vector<16xf32>
    %swap3A_515 = vector.shape_cast %add3A_511 : vector<16xf32> to vector<16xf32>
    tpu.vector_store %arg19[%swap3A_512], %swap3A_515 {strides = array<i32>} : memref<256xf32, #tpu.memory_space<vmem>>, vector<16xf32>,
    %get3A_516 = arith.constant 208 : index
    %get3A_517 = tpu.vector_load %arg14[%get3A_516] {strides = array<i32>} : memref<256xf32, #tpu.memory_space<vmem>>, vector<16xf32>,
    %get3A_518 = vector.shape_cast %get3A_517 : vector<16xf32> to vector<16xf32>
    %get3A_519 = arith.constant 208 : index
    %get3A_520 = tpu.vector_load %arg15[%get3A_519] {strides = array<i32>} : memref<256xf32, #tpu.memory_space<vmem>>, vector<16xf32>,
    %get3A_521 = vector.shape_cast %get3A_520 : vector<16xf32> to vector<16xf32>
    %get3A_522 = arith.constant 208 : index
    %get3A_523 = tpu.vector_load %arg16[%get3A_522] {strides = array<i32>} : memref<256xf32, #tpu.memory_space<vmem>>, vector<16xf32>,
    %get3A_524 = vector.shape_cast %get3A_523 : vector<16xf32> to vector<16xf32>
    %mul3A_525 = arith.mulf %get3A_521, %get3A_524 : vector<16xf32>
    %mul3A_526 = arith.mulf %mul3A_525, %get3A_518 : vector<16xf32>
    %sub3A_527 = arith.constant 1.000000e+00 : f32
    %sub3A_528 = vector.broadcast %sub3A_527 : f32 to vector<16xf32>
    %sub3A_529 = arith.subf %get3A_518, %sub3A_528 : vector<16xf32>
    %add3A_530 = arith.addf %mul3A_526, %sub3A_529 : vector<16xf32>
    %swap3A_531 = arith.constant 208 : index
    %swap3A_532 = tpu.vector_load %arg18[%swap3A_531] {strides = array<i32>} : memref<256xf32, #tpu.memory_space<vmem>>, vector<16xf32>,
    %swap3A_533 = vector.shape_cast %swap3A_532 : vector<16xf32> to vector<16xf32>
    %swap3A_534 = vector.shape_cast %add3A_530 : vector<16xf32> to vector<16xf32>
    tpu.vector_store %arg18[%swap3A_531], %swap3A_534 {strides = array<i32>} : memref<256xf32, #tpu.memory_space<vmem>>, vector<16xf32>,
    %get3A_535 = arith.constant 208 : index
    %get3A_536 = tpu.vector_load %arg11[%get3A_535] {strides = array<i32>} : memref<256xi32, #tpu.memory_space<vmem>>, vector<16xi32>,
    %get3A_537 = vector.shape_cast %get3A_536 : vector<16xi32> to vector<16xi32>
    %convert_element_type3A_538 = arith.sitofp %get3A_537 : vector<16xi32> to vector<16xf32>
    %mul3A_539 = arith.constant 8.192000e+03 : f32
    %mul3A_540 = vector.broadcast %mul3A_539 : f32 to vector<16xf32>
    %mul3A_541 = arith.mulf %convert_element_type3A_538, %mul3A_540 : vector<16xf32>
    %get3A_542 = arith.constant 208 : index
    %get3A_543 = tpu.vector_load %arg17[%get3A_542] {strides = array<i32>} : memref<256xf32, #tpu.memory_space<vmem>>, vector<16xf32>,
    %get3A_544 = vector.shape_cast %get3A_543 : vector<16xf32> to vector<16xf32>
    %add3A_545 = arith.addf %mul3A_541, %get3A_544 : vector<16xf32>
    %mul3A_546 = arith.mulf %add3A_545, %get3A_518 : vector<16xf32>
    %get3A_547 = arith.constant 208 : index
    %get3A_548 = tpu.vector_load %arg13[%get3A_547] {strides = array<i32>} : memref<256xf32, #tpu.memory_space<vmem>>, vector<16xf32>,
    %get3A_549 = vector.shape_cast %get3A_548 : vector<16xf32> to vector<16xf32>
    %add3A_550 = arith.addf %mul3A_546, %get3A_549 : vector<16xf32>
    %swap3A_551 = arith.constant 208 : index
    %swap3A_552 = tpu.vector_load %arg19[%swap3A_551] {strides = array<i32>} : memref<256xf32, #tpu.memory_space<vmem>>, vector<16xf32>,
    %swap3A_553 = vector.shape_cast %swap3A_552 : vector<16xf32> to vector<16xf32>
    %swap3A_554 = vector.shape_cast %add3A_550 : vector<16xf32> to vector<16xf32>
    tpu.vector_store %arg19[%swap3A_551], %swap3A_554 {strides = array<i32>} : memref<256xf32, #tpu.memory_space<vmem>>, vector<16xf32>,
    %get3A_555 = arith.constant 224 : index
    %get3A_556 = tpu.vector_load %arg14[%get3A_555] {strides = array<i32>} : memref<256xf32, #tpu.memory_space<vmem>>, vector<16xf32>,
    %get3A_557 = vector.shape_cast %get3A_556 : vector<16xf32> to vector<16xf32>
    %get3A_558 = arith.constant 224 : index
    %get3A_559 = tpu.vector_load %arg15[%get3A_558] {strides = array<i32>} : memref<256xf32, #tpu.memory_space<vmem>>, vector<16xf32>,
    %get3A_560 = vector.shape_cast %get3A_559 : vector<16xf32> to vector<16xf32>
    %get3A_561 = arith.constant 224 : index
    %get3A_562 = tpu.vector_load %arg16[%get3A_561] {strides = array<i32>} : memref<256xf32, #tpu.memory_space<vmem>>, vector<16xf32>,
    %get3A_563 = vector.shape_cast %get3A_562 : vector<16xf32> to vector<16xf32>
    %mul3A_564 = arith.mulf %get3A_560, %get3A_563 : vector<16xf32>
    %mul3A_565 = arith.mulf %mul3A_564, %get3A_557 : vector<16xf32>
    %sub3A_566 = arith.constant 1.000000e+00 : f32
    %sub3A_567 = vector.broadcast %sub3A_566 : f32 to vector<16xf32>
    %sub3A_568 = arith.subf %get3A_557, %sub3A_567 : vector<16xf32>
    %add3A_569 = arith.addf %mul3A_565, %sub3A_568 : vector<16xf32>
    %swap3A_570 = arith.constant 224 : index
    %swap3A_571 = tpu.vector_load %arg18[%swap3A_570] {strides = array<i32>} : memref<256xf32, #tpu.memory_space<vmem>>, vector<16xf32>,
    %swap3A_572 = vector.shape_cast %swap3A_571 : vector<16xf32> to vector<16xf32>
    %swap3A_573 = vector.shape_cast %add3A_569 : vector<16xf32> to vector<16xf32>
    tpu.vector_store %arg18[%swap3A_570], %swap3A_573 {strides = array<i32>} : memref<256xf32, #tpu.memory_space<vmem>>, vector<16xf32>,
    %get3A_574 = arith.constant 224 : index
    %get3A_575 = tpu.vector_load %arg11[%get3A_574] {strides = array<i32>} : memref<256xi32, #tpu.memory_space<vmem>>, vector<16xi32>,
    %get3A_576 = vector.shape_cast %get3A_575 : vector<16xi32> to vector<16xi32>
    %convert_element_type3A_577 = arith.sitofp %get3A_576 : vector<16xi32> to vector<16xf32>
    %mul3A_578 = arith.constant 8.192000e+03 : f32
    %mul3A_579 = vector.broadcast %mul3A_578 : f32 to vector<16xf32>
    %mul3A_580 = arith.mulf %convert_element_type3A_577, %mul3A_579 : vector<16xf32>
    %get3A_581 = arith.constant 224 : index
    %get3A_582 = tpu.vector_load %arg17[%get3A_581] {strides = array<i32>} : memref<256xf32, #tpu.memory_space<vmem>>, vector<16xf32>,
    %get3A_583 = vector.shape_cast %get3A_582 : vector<16xf32> to vector<16xf32>
    %add3A_584 = arith.addf %mul3A_580, %get3A_583 : vector<16xf32>
    %mul3A_585 = arith.mulf %add3A_584, %get3A_557 : vector<16xf32>
    %get3A_586 = arith.constant 224 : index
    %get3A_587 = tpu.vector_load %arg13[%get3A_586] {strides = array<i32>} : memref<256xf32, #tpu.memory_space<vmem>>, vector<16xf32>,
    %get3A_588 = vector.shape_cast %get3A_587 : vector<16xf32> to vector<16xf32>
    %add3A_589 = arith.addf %mul3A_585, %get3A_588 : vector<16xf32>
    %swap3A_590 = arith.constant 224 : index
    %swap3A_591 = tpu.vector_load %arg19[%swap3A_590] {strides = array<i32>} : memref<256xf32, #tpu.memory_space<vmem>>, vector<16xf32>,
    %swap3A_592 = vector.shape_cast %swap3A_591 : vector<16xf32> to vector<16xf32>
    %swap3A_593 = vector.shape_cast %add3A_589 : vector<16xf32> to vector<16xf32>
    tpu.vector_store %arg19[%swap3A_590], %swap3A_593 {strides = array<i32>} : memref<256xf32, #tpu.memory_space<vmem>>, vector<16xf32>,
    %get3A_594 = arith.constant 240 : index
    %get3A_595 = tpu.vector_load %arg14[%get3A_594] {strides = array<i32>} : memref<256xf32, #tpu.memory_space<vmem>>, vector<16xf32>,
    %get3A_596 = vector.shape_cast %get3A_595 : vector<16xf32> to vector<16xf32>
    %get3A_597 = arith.constant 240 : index
    %get3A_598 = tpu.vector_load %arg15[%get3A_597] {strides = array<i32>} : memref<256xf32, #tpu.memory_space<vmem>>, vector<16xf32>,
    %get3A_599 = vector.shape_cast %get3A_598 : vector<16xf32> to vector<16xf32>
    %get3A_600 = arith.constant 240 : index
    %get3A_601 = tpu.vector_load %arg16[%get3A_600] {strides = array<i32>} : memref<256xf32, #tpu.memory_space<vmem>>, vector<16xf32>,
    %get3A_602 = vector.shape_cast %get3A_601 : vector<16xf32> to vector<16xf32>
    %mul3A_603 = arith.mulf %get3A_599, %get3A_602 : vector<16xf32>
    %mul3A_604 = arith.mulf %mul3A_603, %get3A_596 : vector<16xf32>
    %sub3A_605 = arith.constant 1.000000e+00 : f32
    %sub3A_606 = vector.broadcast %sub3A_605 : f32 to vector<16xf32>
    %sub3A_607 = arith.subf %get3A_596, %sub3A_606 : vector<16xf32>
    %add3A_608 = arith.addf %mul3A_604, %sub3A_607 : vector<16xf32>
    %swap3A_609 = arith.constant 240 : index
    %swap3A_610 = tpu.vector_load %arg18[%swap3A_609] {strides = array<i32>} : memref<256xf32, #tpu.memory_space<vmem>>, vector<16xf32>,
    %swap3A_611 = vector.shape_cast %swap3A_610 : vector<16xf32> to vector<16xf32>
    %swap3A_612 = vector.shape_cast %add3A_608 : vector<16xf32> to vector<16xf32>
    tpu.vector_store %arg18[%swap3A_609], %swap3A_612 {strides = array<i32>} : memref<256xf32, #tpu.memory_space<vmem>>, vector<16xf32>,
    %get3A_613 = arith.constant 240 : index
    %get3A_614 = tpu.vector_load %arg11[%get3A_613] {strides = array<i32>} : memref<256xi32, #tpu.memory_space<vmem>>, vector<16xi32>,
    %get3A_615 = vector.shape_cast %get3A_614 : vector<16xi32> to vector<16xi32>
    %convert_element_type3A_616 = arith.sitofp %get3A_615 : vector<16xi32> to vector<16xf32>
    %mul3A_617 = arith.constant 8.192000e+03 : f32
    %mul3A_618 = vector.broadcast %mul3A_617 : f32 to vector<16xf32>
    %mul3A_619 = arith.mulf %convert_element_type3A_616, %mul3A_618 : vector<16xf32>
    %get3A_620 = arith.constant 240 : index
    %get3A_621 = tpu.vector_load %arg17[%get3A_620] {strides = array<i32>} : memref<256xf32, #tpu.memory_space<vmem>>, vector<16xf32>,
    %get3A_622 = vector.shape_cast %get3A_621 : vector<16xf32> to vector<16xf32>
    %add3A_623 = arith.addf %mul3A_619, %get3A_622 : vector<16xf32>
    %mul3A_624 = arith.mulf %add3A_623, %get3A_596 : vector<16xf32>
    %get3A_625 = arith.constant 240 : index
    %get3A_626 = tpu.vector_load %arg13[%get3A_625] {strides = array<i32>} : memref<256xf32, #tpu.memory_space<vmem>>, vector<16xf32>,
    %get3A_627 = vector.shape_cast %get3A_626 : vector<16xf32> to vector<16xf32>
    %add3A_628 = arith.addf %mul3A_624, %get3A_627 : vector<16xf32>
    %swap3A_629 = arith.constant 240 : index
    %swap3A_630 = tpu.vector_load %arg19[%swap3A_629] {strides = array<i32>} : memref<256xf32, #tpu.memory_space<vmem>>, vector<16xf32>,
    %swap3A_631 = vector.shape_cast %swap3A_630 : vector<16xf32> to vector<16xf32>
    %swap3A_632 = vector.shape_cast %add3A_628 : vector<16xf32> to vector<16xf32>
    tpu.vector_store %arg19[%swap3A_629], %swap3A_632 {strides = array<i32>} : memref<256xf32, #tpu.memory_space<vmem>>, vector<16xf32>,
    "tpu.region"() ({
      %run_scoped3A = tpu.sem_alloc : memref<!tpu.dma_semaphore, #tpu.memory_space<semaphore_mem>>
      %dma_start3A_633 = tpu.memref_slice %arg9[%mul3A_2] : memref<8192xf32, #tpu.memory_space<hbm>> -> memref<256xf32, #tpu.memory_space<hbm>>
      %dma_start3A_634 = tpu.memref_slice %arg9[%mul3A_2] : memref<8192xf32, #tpu.memory_space<hbm>> -> memref<256xf32, #tpu.memory_space<hbm>>
      tpu.enqueue_dma source(%arg18 : memref<256xf32, #tpu.memory_space<vmem>>) target(%dma_start3A_634 : memref<256xf32, #tpu.memory_space<hbm>>) target_semaphore(%run_scoped3A : memref<!tpu.dma_semaphore, #tpu.memory_space<semaphore_mem>>)
      %dma_wait3A_635 = tpu.memref_slice %arg9[%mul3A_2] : memref<8192xf32, #tpu.memory_space<hbm>> -> memref<256xf32, #tpu.memory_space<hbm>>
      %dma_wait3A_636 = tpu.memref_slice %arg9[%mul3A_2] : memref<8192xf32, #tpu.memory_space<hbm>> -> memref<256xf32, #tpu.memory_space<hbm>>
      tpu.wait_dma2 semaphore(%run_scoped3A : memref<!tpu.dma_semaphore, #tpu.memory_space<semaphore_mem>>) src(%arg18 : memref<256xf32, #tpu.memory_space<vmem>>) dst(%dma_wait3A_636 : memref<256xf32, #tpu.memory_space<hbm>>)
      tpu.yield
    }) : () -> ()
    "tpu.region"() ({
      %run_scoped3A = tpu.sem_alloc : memref<!tpu.dma_semaphore, #tpu.memory_space<semaphore_mem>>
      %dma_start3A_633 = tpu.memref_slice %arg10[%mul3A_2] : memref<8192xf32, #tpu.memory_space<hbm>> -> memref<256xf32, #tpu.memory_space<hbm>>
      %dma_start3A_634 = tpu.memref_slice %arg10[%mul3A_2] : memref<8192xf32, #tpu.memory_space<hbm>> -> memref<256xf32, #tpu.memory_space<hbm>>
      tpu.enqueue_dma source(%arg19 : memref<256xf32, #tpu.memory_space<vmem>>) target(%dma_start3A_634 : memref<256xf32, #tpu.memory_space<hbm>>) target_semaphore(%run_scoped3A : memref<!tpu.dma_semaphore, #tpu.memory_space<semaphore_mem>>)
      %dma_wait3A_635 = tpu.memref_slice %arg10[%mul3A_2] : memref<8192xf32, #tpu.memory_space<hbm>> -> memref<256xf32, #tpu.memory_space<hbm>>
      %dma_wait3A_636 = tpu.memref_slice %arg10[%mul3A_2] : memref<8192xf32, #tpu.memory_space<hbm>> -> memref<256xf32, #tpu.memory_space<hbm>>
      tpu.wait_dma2 semaphore(%run_scoped3A : memref<!tpu.dma_semaphore, #tpu.memory_space<semaphore_mem>>) src(%arg19 : memref<256xf32, #tpu.memory_space<vmem>>) dst(%dma_wait3A_636 : memref<256xf32, #tpu.memory_space<hbm>>)
      tpu.yield
    }) : () -> ()
    return
  }
}

module attributes {stable_mosaic.version = 14 : i64} {
  func.func @_topk_keyed_body(%arg0: memref<1x8192xf32, #tpu.memory_space<vmem>>, %arg1: memref<1x8192xf32, #tpu.memory_space<vmem>>, %arg2: memref<1x1024xf32, #tpu.memory_space<vmem>>, %arg3: memref<1x1024xi32, #tpu.memory_space<vmem>>) attributes {dimension_semantics = [], scalar_prefetch = 0 : i64, scratch_operands = 0 : i64, tpu.core_type = #tpu.core_type<tc>} {
    %iota3A = tpu.iota {dimensions = array<i32: 1>} : vector<1x1024xi32>
    %broadcast_in_dim3A = arith.constant 0.000000e+00 : f32
    %broadcast_in_dim3A_0 = vector.broadcast %broadcast_in_dim3A : f32 to vector<1x1024xf32>
    %broadcast_in_dim3A_1 = arith.constant 0.000000e+00 : f32
    %broadcast_in_dim3A_2 = vector.broadcast %broadcast_in_dim3A_1 : f32 to vector<1x1024xf32>
    %scan3A = arith.constant 0 : i32
    %scan3A_3 = arith.constant 64 : i32
    %scan3A_4 = arith.addi %scan3A, %scan3A_3 : i32
    %scan3A_5 = arith.constant 1 : i32
    %scan3A_6:2 = scf.for %scan3A_13 = %scan3A to %scan3A_4 step %scan3A_5 iter_args(%scan3A_14 = %broadcast_in_dim3A_0, %scan3A_15 = %broadcast_in_dim3A_2) -> (vector<1x1024xf32>, vector<1x1024xf32>)  : i32 {
      %mul3A = arith.constant 128 : i32
      %mul3A_16 = arith.muli %scan3A_13, %mul3A : i32
      %get3A = arith.constant 0 : index
      %get3A_17 = arith.index_cast %mul3A_16 : i32 to index
      %get3A_18 = vector.load %arg0[%get3A, %get3A_17] : memref<1x8192xf32, #tpu.memory_space<vmem>>, vector<1x128xf32>
      %broadcast_in_dim3A_19 = arith.constant 1.000000e+00 : f32
      %broadcast_in_dim3A_20 = vector.broadcast %broadcast_in_dim3A_19 : f32 to vector<1x1xf32>
      %dot_general3A = arith.constant dense<0.000000e+00> : vector<128x1xf32>
      %dot_general3A_21 = tpu.matmul %get3A_18, %broadcast_in_dim3A_20, %dot_general3A {dimension_numbers = #tpu.dot_dimension_numbers<[0], [0], [1], [1], [0, 1, 1, 1], [], []>, precision = #tpu.contract_precision<fp32>, transpose_lhs_hint = false} : vector<1x128xf32>, vector<1x1xf32>, vector<128x1xf32> -> vector<128x1xf32>
      %mul3A_22 = arith.constant 128 : i32
      %mul3A_23 = arith.muli %scan3A_13, %mul3A_22 : i32
      %get3A_24 = arith.constant 0 : index
      %get3A_25 = arith.index_cast %mul3A_23 : i32 to index
      %get3A_26 = vector.load %arg1[%get3A_24, %get3A_25] : memref<1x8192xf32, #tpu.memory_space<vmem>>, vector<1x128xf32>
      %broadcast_in_dim3A_27 = arith.constant 1.000000e+00 : f32
      %broadcast_in_dim3A_28 = vector.broadcast %broadcast_in_dim3A_27 : f32 to vector<1x1xf32>
      %dot_general3A_29 = arith.constant dense<0.000000e+00> : vector<128x1xf32>
      %dot_general3A_30 = tpu.matmul %get3A_26, %broadcast_in_dim3A_28, %dot_general3A_29 {dimension_numbers = #tpu.dot_dimension_numbers<[0], [0], [1], [1], [0, 1, 1, 1], [], []>, precision = #tpu.contract_precision<fp32>, transpose_lhs_hint = false} : vector<1x128xf32>, vector<1x1xf32>, vector<128x1xf32> -> vector<128x1xf32>
      %broadcast_in_dim3A_31 = arith.constant 0 : i32
      %broadcast_in_dim3A_32 = vector.broadcast %broadcast_in_dim3A_31 : i32 to vector<128x128xi32>
      %scan3A_33 = arith.constant 0 : i32
      %scan3A_34 = arith.constant 64 : i32
      %scan3A_35 = arith.addi %scan3A_33, %scan3A_34 : i32
      %scan3A_36 = arith.constant 8 : i32
      %scan3A_37 = scf.for %scan3A_58 = %scan3A_33 to %scan3A_35 step %scan3A_36 iter_args(%scan3A_59 = %broadcast_in_dim3A_32) -> (vector<128x128xi32>)  : i32 {
        %mul3A_60 = arith.constant 128 : i32
        %mul3A_61 = arith.muli %scan3A_58, %mul3A_60 : i32
        %get3A_62 = arith.constant 0 : index
        %get3A_63 = arith.index_cast %mul3A_61 : i32 to index
        %get3A_64 = vector.load %arg0[%get3A_62, %get3A_63] : memref<1x8192xf32, #tpu.memory_space<vmem>>, vector<1x128xf32>
        %mul3A_65 = arith.constant 128 : i32
        %mul3A_66 = arith.muli %scan3A_58, %mul3A_65 : i32
        %get3A_67 = arith.constant 0 : index
        %get3A_68 = arith.index_cast %mul3A_66 : i32 to index
        %get3A_69 = vector.load %arg1[%get3A_67, %get3A_68] : memref<1x8192xf32, #tpu.memory_space<vmem>>, vector<1x128xf32>
        %gt3A = vector.broadcast %get3A_64 : vector<1x128xf32> to vector<128x128xf32>
        %gt3A_70 = vector.broadcast %dot_general3A_21 : vector<128x1xf32> to vector<128x128xf32>
        %gt3A_71 = arith.cmpf ogt, %gt3A, %gt3A_70 : vector<128x128xf32>
        %eq3A_72 = vector.broadcast %get3A_64 : vector<1x128xf32> to vector<128x128xf32>
        %eq3A_73 = vector.broadcast %dot_general3A_21 : vector<128x1xf32> to vector<128x128xf32>
        %eq3A_74 = arith.cmpf oeq, %eq3A_72, %eq3A_73 : vector<128x128xf32>
        %lt3A = vector.broadcast %get3A_69 : vector<1x128xf32> to vector<128x128xf32>
        %lt3A_75 = vector.broadcast %dot_general3A_30 : vector<128x1xf32> to vector<128x128xf32>
        %lt3A_76 = arith.cmpf olt, %lt3A, %lt3A_75 : vector<128x128xf32>
        %and3A = arith.andi %eq3A_74, %lt3A_76 : vector<128x128xi1>
        %or3A = arith.ori %gt3A_71, %and3A : vector<128x128xi1>
        %convert_element_type3A_77 = arith.extui %or3A : vector<128x128xi1> to vector<128x128xi32>
        %add3A_78 = arith.addi %scan3A_59, %convert_element_type3A_77 : vector<128x128xi32>
        %scan3A_79 = arith.constant 1 : i32
        %scan3A_80 = arith.addi %scan3A_58, %scan3A_79 : i32
        %mul3A_81 = arith.constant 128 : i32
        %mul3A_82 = arith.muli %scan3A_80, %mul3A_81 : i32
        %get3A_83 = arith.constant 0 : index
        %get3A_84 = arith.index_cast %mul3A_82 : i32 to index
        %get3A_85 = vector.load %arg0[%get3A_83, %get3A_84] : memref<1x8192xf32, #tpu.memory_space<vmem>>, vector<1x128xf32>
        %mul3A_86 = arith.constant 128 : i32
        %mul3A_87 = arith.muli %scan3A_80, %mul3A_86 : i32
        %get3A_88 = arith.constant 0 : index
        %get3A_89 = arith.index_cast %mul3A_87 : i32 to index
        %get3A_90 = vector.load %arg1[%get3A_88, %get3A_89] : memref<1x8192xf32, #tpu.memory_space<vmem>>, vector<1x128xf32>
        %gt3A_91 = vector.broadcast %get3A_85 : vector<1x128xf32> to vector<128x128xf32>
        %gt3A_92 = vector.broadcast %dot_general3A_21 : vector<128x1xf32> to vector<128x128xf32>
        %gt3A_93 = arith.cmpf ogt, %gt3A_91, %gt3A_92 : vector<128x128xf32>
        %eq3A_94 = vector.broadcast %get3A_85 : vector<1x128xf32> to vector<128x128xf32>
        %eq3A_95 = vector.broadcast %dot_general3A_21 : vector<128x1xf32> to vector<128x128xf32>
        %eq3A_96 = arith.cmpf oeq, %eq3A_94, %eq3A_95 : vector<128x128xf32>
        %lt3A_97 = vector.broadcast %get3A_90 : vector<1x128xf32> to vector<128x128xf32>
        %lt3A_98 = vector.broadcast %dot_general3A_30 : vector<128x1xf32> to vector<128x128xf32>
        %lt3A_99 = arith.cmpf olt, %lt3A_97, %lt3A_98 : vector<128x128xf32>
        %and3A_100 = arith.andi %eq3A_96, %lt3A_99 : vector<128x128xi1>
        %or3A_101 = arith.ori %gt3A_93, %and3A_100 : vector<128x128xi1>
        %convert_element_type3A_102 = arith.extui %or3A_101 : vector<128x128xi1> to vector<128x128xi32>
        %add3A_103 = arith.addi %add3A_78, %convert_element_type3A_102 : vector<128x128xi32>
        %scan3A_104 = arith.constant 2 : i32
        %scan3A_105 = arith.addi %scan3A_58, %scan3A_104 : i32
        %mul3A_106 = arith.constant 128 : i32
        %mul3A_107 = arith.muli %scan3A_105, %mul3A_106 : i32
        %get3A_108 = arith.constant 0 : index
        %get3A_109 = arith.index_cast %mul3A_107 : i32 to index
        %get3A_110 = vector.load %arg0[%get3A_108, %get3A_109] : memref<1x8192xf32, #tpu.memory_space<vmem>>, vector<1x128xf32>
        %mul3A_111 = arith.constant 128 : i32
        %mul3A_112 = arith.muli %scan3A_105, %mul3A_111 : i32
        %get3A_113 = arith.constant 0 : index
        %get3A_114 = arith.index_cast %mul3A_112 : i32 to index
        %get3A_115 = vector.load %arg1[%get3A_113, %get3A_114] : memref<1x8192xf32, #tpu.memory_space<vmem>>, vector<1x128xf32>
        %gt3A_116 = vector.broadcast %get3A_110 : vector<1x128xf32> to vector<128x128xf32>
        %gt3A_117 = vector.broadcast %dot_general3A_21 : vector<128x1xf32> to vector<128x128xf32>
        %gt3A_118 = arith.cmpf ogt, %gt3A_116, %gt3A_117 : vector<128x128xf32>
        %eq3A_119 = vector.broadcast %get3A_110 : vector<1x128xf32> to vector<128x128xf32>
        %eq3A_120 = vector.broadcast %dot_general3A_21 : vector<128x1xf32> to vector<128x128xf32>
        %eq3A_121 = arith.cmpf oeq, %eq3A_119, %eq3A_120 : vector<128x128xf32>
        %lt3A_122 = vector.broadcast %get3A_115 : vector<1x128xf32> to vector<128x128xf32>
        %lt3A_123 = vector.broadcast %dot_general3A_30 : vector<128x1xf32> to vector<128x128xf32>
        %lt3A_124 = arith.cmpf olt, %lt3A_122, %lt3A_123 : vector<128x128xf32>
        %and3A_125 = arith.andi %eq3A_121, %lt3A_124 : vector<128x128xi1>
        %or3A_126 = arith.ori %gt3A_118, %and3A_125 : vector<128x128xi1>
        %convert_element_type3A_127 = arith.extui %or3A_126 : vector<128x128xi1> to vector<128x128xi32>
        %add3A_128 = arith.addi %add3A_103, %convert_element_type3A_127 : vector<128x128xi32>
        %scan3A_129 = arith.constant 3 : i32
        %scan3A_130 = arith.addi %scan3A_58, %scan3A_129 : i32
        %mul3A_131 = arith.constant 128 : i32
        %mul3A_132 = arith.muli %scan3A_130, %mul3A_131 : i32
        %get3A_133 = arith.constant 0 : index
        %get3A_134 = arith.index_cast %mul3A_132 : i32 to index
        %get3A_135 = vector.load %arg0[%get3A_133, %get3A_134] : memref<1x8192xf32, #tpu.memory_space<vmem>>, vector<1x128xf32>
        %mul3A_136 = arith.constant 128 : i32
        %mul3A_137 = arith.muli %scan3A_130, %mul3A_136 : i32
        %get3A_138 = arith.constant 0 : index
        %get3A_139 = arith.index_cast %mul3A_137 : i32 to index
        %get3A_140 = vector.load %arg1[%get3A_138, %get3A_139] : memref<1x8192xf32, #tpu.memory_space<vmem>>, vector<1x128xf32>
        %gt3A_141 = vector.broadcast %get3A_135 : vector<1x128xf32> to vector<128x128xf32>
        %gt3A_142 = vector.broadcast %dot_general3A_21 : vector<128x1xf32> to vector<128x128xf32>
        %gt3A_143 = arith.cmpf ogt, %gt3A_141, %gt3A_142 : vector<128x128xf32>
        %eq3A_144 = vector.broadcast %get3A_135 : vector<1x128xf32> to vector<128x128xf32>
        %eq3A_145 = vector.broadcast %dot_general3A_21 : vector<128x1xf32> to vector<128x128xf32>
        %eq3A_146 = arith.cmpf oeq, %eq3A_144, %eq3A_145 : vector<128x128xf32>
        %lt3A_147 = vector.broadcast %get3A_140 : vector<1x128xf32> to vector<128x128xf32>
        %lt3A_148 = vector.broadcast %dot_general3A_30 : vector<128x1xf32> to vector<128x128xf32>
        %lt3A_149 = arith.cmpf olt, %lt3A_147, %lt3A_148 : vector<128x128xf32>
        %and3A_150 = arith.andi %eq3A_146, %lt3A_149 : vector<128x128xi1>
        %or3A_151 = arith.ori %gt3A_143, %and3A_150 : vector<128x128xi1>
        %convert_element_type3A_152 = arith.extui %or3A_151 : vector<128x128xi1> to vector<128x128xi32>
        %add3A_153 = arith.addi %add3A_128, %convert_element_type3A_152 : vector<128x128xi32>
        %scan3A_154 = arith.constant 4 : i32
        %scan3A_155 = arith.addi %scan3A_58, %scan3A_154 : i32
        %mul3A_156 = arith.constant 128 : i32
        %mul3A_157 = arith.muli %scan3A_155, %mul3A_156 : i32
        %get3A_158 = arith.constant 0 : index
        %get3A_159 = arith.index_cast %mul3A_157 : i32 to index
        %get3A_160 = vector.load %arg0[%get3A_158, %get3A_159] : memref<1x8192xf32, #tpu.memory_space<vmem>>, vector<1x128xf32>
        %mul3A_161 = arith.constant 128 : i32
        %mul3A_162 = arith.muli %scan3A_155, %mul3A_161 : i32
        %get3A_163 = arith.constant 0 : index
        %get3A_164 = arith.index_cast %mul3A_162 : i32 to index
        %get3A_165 = vector.load %arg1[%get3A_163, %get3A_164] : memref<1x8192xf32, #tpu.memory_space<vmem>>, vector<1x128xf32>
        %gt3A_166 = vector.broadcast %get3A_160 : vector<1x128xf32> to vector<128x128xf32>
        %gt3A_167 = vector.broadcast %dot_general3A_21 : vector<128x1xf32> to vector<128x128xf32>
        %gt3A_168 = arith.cmpf ogt, %gt3A_166, %gt3A_167 : vector<128x128xf32>
        %eq3A_169 = vector.broadcast %get3A_160 : vector<1x128xf32> to vector<128x128xf32>
        %eq3A_170 = vector.broadcast %dot_general3A_21 : vector<128x1xf32> to vector<128x128xf32>
        %eq3A_171 = arith.cmpf oeq, %eq3A_169, %eq3A_170 : vector<128x128xf32>
        %lt3A_172 = vector.broadcast %get3A_165 : vector<1x128xf32> to vector<128x128xf32>
        %lt3A_173 = vector.broadcast %dot_general3A_30 : vector<128x1xf32> to vector<128x128xf32>
        %lt3A_174 = arith.cmpf olt, %lt3A_172, %lt3A_173 : vector<128x128xf32>
        %and3A_175 = arith.andi %eq3A_171, %lt3A_174 : vector<128x128xi1>
        %or3A_176 = arith.ori %gt3A_168, %and3A_175 : vector<128x128xi1>
        %convert_element_type3A_177 = arith.extui %or3A_176 : vector<128x128xi1> to vector<128x128xi32>
        %add3A_178 = arith.addi %add3A_153, %convert_element_type3A_177 : vector<128x128xi32>
        %scan3A_179 = arith.constant 5 : i32
        %scan3A_180 = arith.addi %scan3A_58, %scan3A_179 : i32
        %mul3A_181 = arith.constant 128 : i32
        %mul3A_182 = arith.muli %scan3A_180, %mul3A_181 : i32
        %get3A_183 = arith.constant 0 : index
        %get3A_184 = arith.index_cast %mul3A_182 : i32 to index
        %get3A_185 = vector.load %arg0[%get3A_183, %get3A_184] : memref<1x8192xf32, #tpu.memory_space<vmem>>, vector<1x128xf32>
        %mul3A_186 = arith.constant 128 : i32
        %mul3A_187 = arith.muli %scan3A_180, %mul3A_186 : i32
        %get3A_188 = arith.constant 0 : index
        %get3A_189 = arith.index_cast %mul3A_187 : i32 to index
        %get3A_190 = vector.load %arg1[%get3A_188, %get3A_189] : memref<1x8192xf32, #tpu.memory_space<vmem>>, vector<1x128xf32>
        %gt3A_191 = vector.broadcast %get3A_185 : vector<1x128xf32> to vector<128x128xf32>
        %gt3A_192 = vector.broadcast %dot_general3A_21 : vector<128x1xf32> to vector<128x128xf32>
        %gt3A_193 = arith.cmpf ogt, %gt3A_191, %gt3A_192 : vector<128x128xf32>
        %eq3A_194 = vector.broadcast %get3A_185 : vector<1x128xf32> to vector<128x128xf32>
        %eq3A_195 = vector.broadcast %dot_general3A_21 : vector<128x1xf32> to vector<128x128xf32>
        %eq3A_196 = arith.cmpf oeq, %eq3A_194, %eq3A_195 : vector<128x128xf32>
        %lt3A_197 = vector.broadcast %get3A_190 : vector<1x128xf32> to vector<128x128xf32>
        %lt3A_198 = vector.broadcast %dot_general3A_30 : vector<128x1xf32> to vector<128x128xf32>
        %lt3A_199 = arith.cmpf olt, %lt3A_197, %lt3A_198 : vector<128x128xf32>
        %and3A_200 = arith.andi %eq3A_196, %lt3A_199 : vector<128x128xi1>
        %or3A_201 = arith.ori %gt3A_193, %and3A_200 : vector<128x128xi1>
        %convert_element_type3A_202 = arith.extui %or3A_201 : vector<128x128xi1> to vector<128x128xi32>
        %add3A_203 = arith.addi %add3A_178, %convert_element_type3A_202 : vector<128x128xi32>
        %scan3A_204 = arith.constant 6 : i32
        %scan3A_205 = arith.addi %scan3A_58, %scan3A_204 : i32
        %mul3A_206 = arith.constant 128 : i32
        %mul3A_207 = arith.muli %scan3A_205, %mul3A_206 : i32
        %get3A_208 = arith.constant 0 : index
        %get3A_209 = arith.index_cast %mul3A_207 : i32 to index
        %get3A_210 = vector.load %arg0[%get3A_208, %get3A_209] : memref<1x8192xf32, #tpu.memory_space<vmem>>, vector<1x128xf32>
        %mul3A_211 = arith.constant 128 : i32
        %mul3A_212 = arith.muli %scan3A_205, %mul3A_211 : i32
        %get3A_213 = arith.constant 0 : index
        %get3A_214 = arith.index_cast %mul3A_212 : i32 to index
        %get3A_215 = vector.load %arg1[%get3A_213, %get3A_214] : memref<1x8192xf32, #tpu.memory_space<vmem>>, vector<1x128xf32>
        %gt3A_216 = vector.broadcast %get3A_210 : vector<1x128xf32> to vector<128x128xf32>
        %gt3A_217 = vector.broadcast %dot_general3A_21 : vector<128x1xf32> to vector<128x128xf32>
        %gt3A_218 = arith.cmpf ogt, %gt3A_216, %gt3A_217 : vector<128x128xf32>
        %eq3A_219 = vector.broadcast %get3A_210 : vector<1x128xf32> to vector<128x128xf32>
        %eq3A_220 = vector.broadcast %dot_general3A_21 : vector<128x1xf32> to vector<128x128xf32>
        %eq3A_221 = arith.cmpf oeq, %eq3A_219, %eq3A_220 : vector<128x128xf32>
        %lt3A_222 = vector.broadcast %get3A_215 : vector<1x128xf32> to vector<128x128xf32>
        %lt3A_223 = vector.broadcast %dot_general3A_30 : vector<128x1xf32> to vector<128x128xf32>
        %lt3A_224 = arith.cmpf olt, %lt3A_222, %lt3A_223 : vector<128x128xf32>
        %and3A_225 = arith.andi %eq3A_221, %lt3A_224 : vector<128x128xi1>
        %or3A_226 = arith.ori %gt3A_218, %and3A_225 : vector<128x128xi1>
        %convert_element_type3A_227 = arith.extui %or3A_226 : vector<128x128xi1> to vector<128x128xi32>
        %add3A_228 = arith.addi %add3A_203, %convert_element_type3A_227 : vector<128x128xi32>
        %scan3A_229 = arith.constant 7 : i32
        %scan3A_230 = arith.addi %scan3A_58, %scan3A_229 : i32
        %mul3A_231 = arith.constant 128 : i32
        %mul3A_232 = arith.muli %scan3A_230, %mul3A_231 : i32
        %get3A_233 = arith.constant 0 : index
        %get3A_234 = arith.index_cast %mul3A_232 : i32 to index
        %get3A_235 = vector.load %arg0[%get3A_233, %get3A_234] : memref<1x8192xf32, #tpu.memory_space<vmem>>, vector<1x128xf32>
        %mul3A_236 = arith.constant 128 : i32
        %mul3A_237 = arith.muli %scan3A_230, %mul3A_236 : i32
        %get3A_238 = arith.constant 0 : index
        %get3A_239 = arith.index_cast %mul3A_237 : i32 to index
        %get3A_240 = vector.load %arg1[%get3A_238, %get3A_239] : memref<1x8192xf32, #tpu.memory_space<vmem>>, vector<1x128xf32>
        %gt3A_241 = vector.broadcast %get3A_235 : vector<1x128xf32> to vector<128x128xf32>
        %gt3A_242 = vector.broadcast %dot_general3A_21 : vector<128x1xf32> to vector<128x128xf32>
        %gt3A_243 = arith.cmpf ogt, %gt3A_241, %gt3A_242 : vector<128x128xf32>
        %eq3A_244 = vector.broadcast %get3A_235 : vector<1x128xf32> to vector<128x128xf32>
        %eq3A_245 = vector.broadcast %dot_general3A_21 : vector<128x1xf32> to vector<128x128xf32>
        %eq3A_246 = arith.cmpf oeq, %eq3A_244, %eq3A_245 : vector<128x128xf32>
        %lt3A_247 = vector.broadcast %get3A_240 : vector<1x128xf32> to vector<128x128xf32>
        %lt3A_248 = vector.broadcast %dot_general3A_30 : vector<128x1xf32> to vector<128x128xf32>
        %lt3A_249 = arith.cmpf olt, %lt3A_247, %lt3A_248 : vector<128x128xf32>
        %and3A_250 = arith.andi %eq3A_246, %lt3A_249 : vector<128x128xi1>
        %or3A_251 = arith.ori %gt3A_243, %and3A_250 : vector<128x128xi1>
        %convert_element_type3A_252 = arith.extui %or3A_251 : vector<128x128xi1> to vector<128x128xi32>
        %add3A_253 = arith.addi %add3A_228, %convert_element_type3A_252 : vector<128x128xi32>
        scf.yield %add3A_253 : vector<128x128xi32>
      }
      %scan3A_38 = arith.constant 64 : i32
      %reduce_sum3A = arith.constant dense<0> : vector<128xi32>
      %reduce_sum3A_39 = vector.multi_reduction <add>, %scan3A_37, %reduce_sum3A [1] : vector<128x128xi32> to vector<128xi32>
      %broadcast_in_dim3A_40 = vector.shape_cast %reduce_sum3A_39 : vector<128xi32> to vector<128x1xi32>
      %eq3A = vector.broadcast %broadcast_in_dim3A_40 : vector<128x1xi32> to vector<128x1024xi32>
      %eq3A_41 = vector.broadcast %iota3A : vector<1x1024xi32> to vector<128x1024xi32>
      %eq3A_42 = arith.cmpi eq, %eq3A, %eq3A_41 : vector<128x1024xi32>
      %jit3A = arith.constant 0.000000e+00 : f32
      %broadcast_in_dim3A_43 = vector.shape_cast %dot_general3A_21 : vector<128x1xf32> to vector<128x1xf32>
      %broadcast_in_dim3A_44 = vector.broadcast %broadcast_in_dim3A_43 : vector<128x1xf32> to vector<128x1024xf32>
      %broadcast_in_dim3A_45 = vector.broadcast %jit3A : f32 to vector<128x1024xf32>
      %select_n3A = arith.select %eq3A_42, %broadcast_in_dim3A_44, %broadcast_in_dim3A_45 : vector<128x1024xi1>, vector<128x1024xf32>
      %reduce_sum3A_46 = arith.constant dense<0.000000e+00> : vector<1024xf32>
      %reduce_sum3A_47 = vector.multi_reduction <add>, %select_n3A, %reduce_sum3A_46 [0] : vector<128x1024xf32> to vector<1024xf32>
      %broadcast_in_dim3A_48 = vector.shape_cast %reduce_sum3A_47 : vector<1024xf32> to vector<1x1024xf32>
      %add3A = arith.addf %scan3A_14, %broadcast_in_dim3A_48 : vector<1x1024xf32>
      %jit3A_49 = arith.constant 0.000000e+00 : f32
      %broadcast_in_dim3A_50 = vector.shape_cast %dot_general3A_30 : vector<128x1xf32> to vector<128x1xf32>
      %broadcast_in_dim3A_51 = vector.broadcast %broadcast_in_dim3A_50 : vector<128x1xf32> to vector<128x1024xf32>
      %broadcast_in_dim3A_52 = vector.broadcast %jit3A_49 : f32 to vector<128x1024xf32>
      %select_n3A_53 = arith.select %eq3A_42, %broadcast_in_dim3A_51, %broadcast_in_dim3A_52 : vector<128x1024xi1>, vector<128x1024xf32>
      %reduce_sum3A_54 = arith.constant dense<0.000000e+00> : vector<1024xf32>
      %reduce_sum3A_55 = vector.multi_reduction <add>, %select_n3A_53, %reduce_sum3A_54 [0] : vector<128x1024xf32> to vector<1024xf32>
      %broadcast_in_dim3A_56 = vector.shape_cast %reduce_sum3A_55 : vector<1024xf32> to vector<1x1024xf32>
      %add3A_57 = arith.addf %scan3A_15, %broadcast_in_dim3A_56 : vector<1x1024xf32>
      scf.yield %add3A, %add3A_57 : vector<1x1024xf32>, vector<1x1024xf32>
    }
    %scan3A_7 = arith.constant 64 : i32
    %swap3A = arith.constant 0 : index
    %swap3A_8 = arith.constant 0 : index
    %swap3A_9 = vector.load %arg2[%swap3A, %swap3A_8] : memref<1x1024xf32, #tpu.memory_space<vmem>>, vector<1x1024xf32>
    tpu.vector_store %arg2[%swap3A, %swap3A_8], %scan3A_6#0 {strides = array<i32>} : memref<1x1024xf32, #tpu.memory_space<vmem>>, vector<1x1024xf32>,
    %convert_element_type3A = arith.fptosi %scan3A_6#1 : vector<1x1024xf32> to vector<1x1024xi32>
    %swap3A_10 = arith.constant 0 : index
    %swap3A_11 = arith.constant 0 : index
    %swap3A_12 = vector.load %arg3[%swap3A_10, %swap3A_11] : memref<1x1024xi32, #tpu.memory_space<vmem>>, vector<1x1024xi32>
    tpu.vector_store %arg3[%swap3A_10, %swap3A_11], %convert_element_type3A {strides = array<i32>} : memref<1x1024xi32, #tpu.memory_space<vmem>>, vector<1x1024xi32>,
    return
  }
}

module attributes {stable_mosaic.version = 14 : i64} {
  func.func @_topk_iota_body(%arg0: memref<1x8192xf32, #tpu.memory_space<vmem>>, %arg1: memref<1x1024xf32, #tpu.memory_space<vmem>>, %arg2: memref<1x1024xi32, #tpu.memory_space<vmem>>) attributes {dimension_semantics = [], scalar_prefetch = 0 : i64, scratch_operands = 0 : i64, tpu.core_type = #tpu.core_type<tc>} {
    %iota3A = tpu.iota {dimensions = array<i32: 1>} : vector<1x1024xi32>
    %broadcast_in_dim3A = arith.constant 0.000000e+00 : f32
    %broadcast_in_dim3A_0 = vector.broadcast %broadcast_in_dim3A : f32 to vector<1x1024xf32>
    %broadcast_in_dim3A_1 = arith.constant 0.000000e+00 : f32
    %broadcast_in_dim3A_2 = vector.broadcast %broadcast_in_dim3A_1 : f32 to vector<1x1024xf32>
    %scan3A = arith.constant 0 : i32
    %scan3A_3 = arith.constant 64 : i32
    %scan3A_4 = arith.addi %scan3A, %scan3A_3 : i32
    %scan3A_5 = arith.constant 1 : i32
    %scan3A_6:2 = scf.for %scan3A_13 = %scan3A to %scan3A_4 step %scan3A_5 iter_args(%scan3A_14 = %broadcast_in_dim3A_0, %scan3A_15 = %broadcast_in_dim3A_2) -> (vector<1x1024xf32>, vector<1x1024xf32>)  : i32 {
      %mul3A = arith.constant 128 : i32
      %mul3A_16 = arith.muli %scan3A_13, %mul3A : i32
      %get3A = arith.constant 0 : index
      %get3A_17 = arith.index_cast %mul3A_16 : i32 to index
      %get3A_18 = vector.load %arg0[%get3A, %get3A_17] : memref<1x8192xf32, #tpu.memory_space<vmem>>, vector<1x128xf32>
      %broadcast_in_dim3A_19 = arith.constant 1.000000e+00 : f32
      %broadcast_in_dim3A_20 = vector.broadcast %broadcast_in_dim3A_19 : f32 to vector<1x1xf32>
      %dot_general3A = arith.constant dense<0.000000e+00> : vector<128x1xf32>
      %dot_general3A_21 = tpu.matmul %get3A_18, %broadcast_in_dim3A_20, %dot_general3A {dimension_numbers = #tpu.dot_dimension_numbers<[0], [0], [1], [1], [0, 1, 1, 1], [], []>, precision = #tpu.contract_precision<fp32>, transpose_lhs_hint = false} : vector<1x128xf32>, vector<1x1xf32>, vector<128x1xf32> -> vector<128x1xf32>
      %iota3A_22 = tpu.iota {dimensions = array<i32: 0>} : vector<128x1xi32>
      %mul3A_23 = arith.constant 128 : i32
      %mul3A_24 = arith.muli %scan3A_13, %mul3A_23 : i32
      %add3A = vector.broadcast %mul3A_24 : i32 to vector<128x1xi32>
      %add3A_25 = arith.addi %iota3A_22, %add3A : vector<128x1xi32>
      %convert_element_type3A_26 = arith.sitofp %add3A_25 : vector<128x1xi32> to vector<128x1xf32>
      %broadcast_in_dim3A_27 = arith.constant 0 : i32
      %broadcast_in_dim3A_28 = vector.broadcast %broadcast_in_dim3A_27 : i32 to vector<128x128xi32>
      %scan3A_29 = arith.constant 0 : i32
      %scan3A_30 = arith.constant 64 : i32
      %scan3A_31 = arith.addi %scan3A_29, %scan3A_30 : i32
      %scan3A_32 = arith.constant 8 : i32
      %scan3A_33 = scf.for %scan3A_55 = %scan3A_29 to %scan3A_31 step %scan3A_32 iter_args(%scan3A_56 = %broadcast_in_dim3A_28) -> (vector<128x128xi32>)  : i32 {
        %mul3A_57 = arith.constant 128 : i32
        %mul3A_58 = arith.muli %scan3A_55, %mul3A_57 : i32
        %get3A_59 = arith.constant 0 : index
        %get3A_60 = arith.index_cast %mul3A_58 : i32 to index
        %get3A_61 = vector.load %arg0[%get3A_59, %get3A_60] : memref<1x8192xf32, #tpu.memory_space<vmem>>, vector<1x128xf32>
        %iota3A_62 = tpu.iota {dimensions = array<i32: 1>} : vector<1x128xi32>
        %mul3A_63 = arith.constant 128 : i32
        %mul3A_64 = arith.muli %scan3A_55, %mul3A_63 : i32
        %add3A_65 = vector.broadcast %mul3A_64 : i32 to vector<1x128xi32>
        %add3A_66 = arith.addi %iota3A_62, %add3A_65 : vector<1x128xi32>
        %convert_element_type3A_67 = arith.sitofp %add3A_66 : vector<1x128xi32> to vector<1x128xf32>
        %gt3A = vector.broadcast %get3A_61 : vector<1x128xf32> to vector<128x128xf32>
        %gt3A_68 = vector.broadcast %dot_general3A_21 : vector<128x1xf32> to vector<128x128xf32>
        %gt3A_69 = arith.cmpf ogt, %gt3A, %gt3A_68 : vector<128x128xf32>
        %eq3A_70 = vector.broadcast %get3A_61 : vector<1x128xf32> to vector<128x128xf32>
        %eq3A_71 = vector.broadcast %dot_general3A_21 : vector<128x1xf32> to vector<128x128xf32>
        %eq3A_72 = arith.cmpf oeq, %eq3A_70, %eq3A_71 : vector<128x128xf32>
        %lt3A = vector.broadcast %convert_element_type3A_67 : vector<1x128xf32> to vector<128x128xf32>
        %lt3A_73 = vector.broadcast %convert_element_type3A_26 : vector<128x1xf32> to vector<128x128xf32>
        %lt3A_74 = arith.cmpf olt, %lt3A, %lt3A_73 : vector<128x128xf32>
        %and3A = arith.andi %eq3A_72, %lt3A_74 : vector<128x128xi1>
        %or3A = arith.ori %gt3A_69, %and3A : vector<128x128xi1>
        %convert_element_type3A_75 = arith.extui %or3A : vector<128x128xi1> to vector<128x128xi32>
        %add3A_76 = arith.addi %scan3A_56, %convert_element_type3A_75 : vector<128x128xi32>
        %scan3A_77 = arith.constant 1 : i32
        %scan3A_78 = arith.addi %scan3A_55, %scan3A_77 : i32
        %mul3A_79 = arith.constant 128 : i32
        %mul3A_80 = arith.muli %scan3A_78, %mul3A_79 : i32
        %get3A_81 = arith.constant 0 : index
        %get3A_82 = arith.index_cast %mul3A_80 : i32 to index
        %get3A_83 = vector.load %arg0[%get3A_81, %get3A_82] : memref<1x8192xf32, #tpu.memory_space<vmem>>, vector<1x128xf32>
        %iota3A_84 = tpu.iota {dimensions = array<i32: 1>} : vector<1x128xi32>
        %mul3A_85 = arith.constant 128 : i32
        %mul3A_86 = arith.muli %scan3A_78, %mul3A_85 : i32
        %add3A_87 = vector.broadcast %mul3A_86 : i32 to vector<1x128xi32>
        %add3A_88 = arith.addi %iota3A_84, %add3A_87 : vector<1x128xi32>
        %convert_element_type3A_89 = arith.sitofp %add3A_88 : vector<1x128xi32> to vector<1x128xf32>
        %gt3A_90 = vector.broadcast %get3A_83 : vector<1x128xf32> to vector<128x128xf32>
        %gt3A_91 = vector.broadcast %dot_general3A_21 : vector<128x1xf32> to vector<128x128xf32>
        %gt3A_92 = arith.cmpf ogt, %gt3A_90, %gt3A_91 : vector<128x128xf32>
        %eq3A_93 = vector.broadcast %get3A_83 : vector<1x128xf32> to vector<128x128xf32>
        %eq3A_94 = vector.broadcast %dot_general3A_21 : vector<128x1xf32> to vector<128x128xf32>
        %eq3A_95 = arith.cmpf oeq, %eq3A_93, %eq3A_94 : vector<128x128xf32>
        %lt3A_96 = vector.broadcast %convert_element_type3A_89 : vector<1x128xf32> to vector<128x128xf32>
        %lt3A_97 = vector.broadcast %convert_element_type3A_26 : vector<128x1xf32> to vector<128x128xf32>
        %lt3A_98 = arith.cmpf olt, %lt3A_96, %lt3A_97 : vector<128x128xf32>
        %and3A_99 = arith.andi %eq3A_95, %lt3A_98 : vector<128x128xi1>
        %or3A_100 = arith.ori %gt3A_92, %and3A_99 : vector<128x128xi1>
        %convert_element_type3A_101 = arith.extui %or3A_100 : vector<128x128xi1> to vector<128x128xi32>
        %add3A_102 = arith.addi %add3A_76, %convert_element_type3A_101 : vector<128x128xi32>
        %scan3A_103 = arith.constant 2 : i32
        %scan3A_104 = arith.addi %scan3A_55, %scan3A_103 : i32
        %mul3A_105 = arith.constant 128 : i32
        %mul3A_106 = arith.muli %scan3A_104, %mul3A_105 : i32
        %get3A_107 = arith.constant 0 : index
        %get3A_108 = arith.index_cast %mul3A_106 : i32 to index
        %get3A_109 = vector.load %arg0[%get3A_107, %get3A_108] : memref<1x8192xf32, #tpu.memory_space<vmem>>, vector<1x128xf32>
        %iota3A_110 = tpu.iota {dimensions = array<i32: 1>} : vector<1x128xi32>
        %mul3A_111 = arith.constant 128 : i32
        %mul3A_112 = arith.muli %scan3A_104, %mul3A_111 : i32
        %add3A_113 = vector.broadcast %mul3A_112 : i32 to vector<1x128xi32>
        %add3A_114 = arith.addi %iota3A_110, %add3A_113 : vector<1x128xi32>
        %convert_element_type3A_115 = arith.sitofp %add3A_114 : vector<1x128xi32> to vector<1x128xf32>
        %gt3A_116 = vector.broadcast %get3A_109 : vector<1x128xf32> to vector<128x128xf32>
        %gt3A_117 = vector.broadcast %dot_general3A_21 : vector<128x1xf32> to vector<128x128xf32>
        %gt3A_118 = arith.cmpf ogt, %gt3A_116, %gt3A_117 : vector<128x128xf32>
        %eq3A_119 = vector.broadcast %get3A_109 : vector<1x128xf32> to vector<128x128xf32>
        %eq3A_120 = vector.broadcast %dot_general3A_21 : vector<128x1xf32> to vector<128x128xf32>
        %eq3A_121 = arith.cmpf oeq, %eq3A_119, %eq3A_120 : vector<128x128xf32>
        %lt3A_122 = vector.broadcast %convert_element_type3A_115 : vector<1x128xf32> to vector<128x128xf32>
        %lt3A_123 = vector.broadcast %convert_element_type3A_26 : vector<128x1xf32> to vector<128x128xf32>
        %lt3A_124 = arith.cmpf olt, %lt3A_122, %lt3A_123 : vector<128x128xf32>
        %and3A_125 = arith.andi %eq3A_121, %lt3A_124 : vector<128x128xi1>
        %or3A_126 = arith.ori %gt3A_118, %and3A_125 : vector<128x128xi1>
        %convert_element_type3A_127 = arith.extui %or3A_126 : vector<128x128xi1> to vector<128x128xi32>
        %add3A_128 = arith.addi %add3A_102, %convert_element_type3A_127 : vector<128x128xi32>
        %scan3A_129 = arith.constant 3 : i32
        %scan3A_130 = arith.addi %scan3A_55, %scan3A_129 : i32
        %mul3A_131 = arith.constant 128 : i32
        %mul3A_132 = arith.muli %scan3A_130, %mul3A_131 : i32
        %get3A_133 = arith.constant 0 : index
        %get3A_134 = arith.index_cast %mul3A_132 : i32 to index
        %get3A_135 = vector.load %arg0[%get3A_133, %get3A_134] : memref<1x8192xf32, #tpu.memory_space<vmem>>, vector<1x128xf32>
        %iota3A_136 = tpu.iota {dimensions = array<i32: 1>} : vector<1x128xi32>
        %mul3A_137 = arith.constant 128 : i32
        %mul3A_138 = arith.muli %scan3A_130, %mul3A_137 : i32
        %add3A_139 = vector.broadcast %mul3A_138 : i32 to vector<1x128xi32>
        %add3A_140 = arith.addi %iota3A_136, %add3A_139 : vector<1x128xi32>
        %convert_element_type3A_141 = arith.sitofp %add3A_140 : vector<1x128xi32> to vector<1x128xf32>
        %gt3A_142 = vector.broadcast %get3A_135 : vector<1x128xf32> to vector<128x128xf32>
        %gt3A_143 = vector.broadcast %dot_general3A_21 : vector<128x1xf32> to vector<128x128xf32>
        %gt3A_144 = arith.cmpf ogt, %gt3A_142, %gt3A_143 : vector<128x128xf32>
        %eq3A_145 = vector.broadcast %get3A_135 : vector<1x128xf32> to vector<128x128xf32>
        %eq3A_146 = vector.broadcast %dot_general3A_21 : vector<128x1xf32> to vector<128x128xf32>
        %eq3A_147 = arith.cmpf oeq, %eq3A_145, %eq3A_146 : vector<128x128xf32>
        %lt3A_148 = vector.broadcast %convert_element_type3A_141 : vector<1x128xf32> to vector<128x128xf32>
        %lt3A_149 = vector.broadcast %convert_element_type3A_26 : vector<128x1xf32> to vector<128x128xf32>
        %lt3A_150 = arith.cmpf olt, %lt3A_148, %lt3A_149 : vector<128x128xf32>
        %and3A_151 = arith.andi %eq3A_147, %lt3A_150 : vector<128x128xi1>
        %or3A_152 = arith.ori %gt3A_144, %and3A_151 : vector<128x128xi1>
        %convert_element_type3A_153 = arith.extui %or3A_152 : vector<128x128xi1> to vector<128x128xi32>
        %add3A_154 = arith.addi %add3A_128, %convert_element_type3A_153 : vector<128x128xi32>
        %scan3A_155 = arith.constant 4 : i32
        %scan3A_156 = arith.addi %scan3A_55, %scan3A_155 : i32
        %mul3A_157 = arith.constant 128 : i32
        %mul3A_158 = arith.muli %scan3A_156, %mul3A_157 : i32
        %get3A_159 = arith.constant 0 : index
        %get3A_160 = arith.index_cast %mul3A_158 : i32 to index
        %get3A_161 = vector.load %arg0[%get3A_159, %get3A_160] : memref<1x8192xf32, #tpu.memory_space<vmem>>, vector<1x128xf32>
        %iota3A_162 = tpu.iota {dimensions = array<i32: 1>} : vector<1x128xi32>
        %mul3A_163 = arith.constant 128 : i32
        %mul3A_164 = arith.muli %scan3A_156, %mul3A_163 : i32
        %add3A_165 = vector.broadcast %mul3A_164 : i32 to vector<1x128xi32>
        %add3A_166 = arith.addi %iota3A_162, %add3A_165 : vector<1x128xi32>
        %convert_element_type3A_167 = arith.sitofp %add3A_166 : vector<1x128xi32> to vector<1x128xf32>
        %gt3A_168 = vector.broadcast %get3A_161 : vector<1x128xf32> to vector<128x128xf32>
        %gt3A_169 = vector.broadcast %dot_general3A_21 : vector<128x1xf32> to vector<128x128xf32>
        %gt3A_170 = arith.cmpf ogt, %gt3A_168, %gt3A_169 : vector<128x128xf32>
        %eq3A_171 = vector.broadcast %get3A_161 : vector<1x128xf32> to vector<128x128xf32>
        %eq3A_172 = vector.broadcast %dot_general3A_21 : vector<128x1xf32> to vector<128x128xf32>
        %eq3A_173 = arith.cmpf oeq, %eq3A_171, %eq3A_172 : vector<128x128xf32>
        %lt3A_174 = vector.broadcast %convert_element_type3A_167 : vector<1x128xf32> to vector<128x128xf32>
        %lt3A_175 = vector.broadcast %convert_element_type3A_26 : vector<128x1xf32> to vector<128x128xf32>
        %lt3A_176 = arith.cmpf olt, %lt3A_174, %lt3A_175 : vector<128x128xf32>
        %and3A_177 = arith.andi %eq3A_173, %lt3A_176 : vector<128x128xi1>
        %or3A_178 = arith.ori %gt3A_170, %and3A_177 : vector<128x128xi1>
        %convert_element_type3A_179 = arith.extui %or3A_178 : vector<128x128xi1> to vector<128x128xi32>
        %add3A_180 = arith.addi %add3A_154, %convert_element_type3A_179 : vector<128x128xi32>
        %scan3A_181 = arith.constant 5 : i32
        %scan3A_182 = arith.addi %scan3A_55, %scan3A_181 : i32
        %mul3A_183 = arith.constant 128 : i32
        %mul3A_184 = arith.muli %scan3A_182, %mul3A_183 : i32
        %get3A_185 = arith.constant 0 : index
        %get3A_186 = arith.index_cast %mul3A_184 : i32 to index
        %get3A_187 = vector.load %arg0[%get3A_185, %get3A_186] : memref<1x8192xf32, #tpu.memory_space<vmem>>, vector<1x128xf32>
        %iota3A_188 = tpu.iota {dimensions = array<i32: 1>} : vector<1x128xi32>
        %mul3A_189 = arith.constant 128 : i32
        %mul3A_190 = arith.muli %scan3A_182, %mul3A_189 : i32
        %add3A_191 = vector.broadcast %mul3A_190 : i32 to vector<1x128xi32>
        %add3A_192 = arith.addi %iota3A_188, %add3A_191 : vector<1x128xi32>
        %convert_element_type3A_193 = arith.sitofp %add3A_192 : vector<1x128xi32> to vector<1x128xf32>
        %gt3A_194 = vector.broadcast %get3A_187 : vector<1x128xf32> to vector<128x128xf32>
        %gt3A_195 = vector.broadcast %dot_general3A_21 : vector<128x1xf32> to vector<128x128xf32>
        %gt3A_196 = arith.cmpf ogt, %gt3A_194, %gt3A_195 : vector<128x128xf32>
        %eq3A_197 = vector.broadcast %get3A_187 : vector<1x128xf32> to vector<128x128xf32>
        %eq3A_198 = vector.broadcast %dot_general3A_21 : vector<128x1xf32> to vector<128x128xf32>
        %eq3A_199 = arith.cmpf oeq, %eq3A_197, %eq3A_198 : vector<128x128xf32>
        %lt3A_200 = vector.broadcast %convert_element_type3A_193 : vector<1x128xf32> to vector<128x128xf32>
        %lt3A_201 = vector.broadcast %convert_element_type3A_26 : vector<128x1xf32> to vector<128x128xf32>
        %lt3A_202 = arith.cmpf olt, %lt3A_200, %lt3A_201 : vector<128x128xf32>
        %and3A_203 = arith.andi %eq3A_199, %lt3A_202 : vector<128x128xi1>
        %or3A_204 = arith.ori %gt3A_196, %and3A_203 : vector<128x128xi1>
        %convert_element_type3A_205 = arith.extui %or3A_204 : vector<128x128xi1> to vector<128x128xi32>
        %add3A_206 = arith.addi %add3A_180, %convert_element_type3A_205 : vector<128x128xi32>
        %scan3A_207 = arith.constant 6 : i32
        %scan3A_208 = arith.addi %scan3A_55, %scan3A_207 : i32
        %mul3A_209 = arith.constant 128 : i32
        %mul3A_210 = arith.muli %scan3A_208, %mul3A_209 : i32
        %get3A_211 = arith.constant 0 : index
        %get3A_212 = arith.index_cast %mul3A_210 : i32 to index
        %get3A_213 = vector.load %arg0[%get3A_211, %get3A_212] : memref<1x8192xf32, #tpu.memory_space<vmem>>, vector<1x128xf32>
        %iota3A_214 = tpu.iota {dimensions = array<i32: 1>} : vector<1x128xi32>
        %mul3A_215 = arith.constant 128 : i32
        %mul3A_216 = arith.muli %scan3A_208, %mul3A_215 : i32
        %add3A_217 = vector.broadcast %mul3A_216 : i32 to vector<1x128xi32>
        %add3A_218 = arith.addi %iota3A_214, %add3A_217 : vector<1x128xi32>
        %convert_element_type3A_219 = arith.sitofp %add3A_218 : vector<1x128xi32> to vector<1x128xf32>
        %gt3A_220 = vector.broadcast %get3A_213 : vector<1x128xf32> to vector<128x128xf32>
        %gt3A_221 = vector.broadcast %dot_general3A_21 : vector<128x1xf32> to vector<128x128xf32>
        %gt3A_222 = arith.cmpf ogt, %gt3A_220, %gt3A_221 : vector<128x128xf32>
        %eq3A_223 = vector.broadcast %get3A_213 : vector<1x128xf32> to vector<128x128xf32>
        %eq3A_224 = vector.broadcast %dot_general3A_21 : vector<128x1xf32> to vector<128x128xf32>
        %eq3A_225 = arith.cmpf oeq, %eq3A_223, %eq3A_224 : vector<128x128xf32>
        %lt3A_226 = vector.broadcast %convert_element_type3A_219 : vector<1x128xf32> to vector<128x128xf32>
        %lt3A_227 = vector.broadcast %convert_element_type3A_26 : vector<128x1xf32> to vector<128x128xf32>
        %lt3A_228 = arith.cmpf olt, %lt3A_226, %lt3A_227 : vector<128x128xf32>
        %and3A_229 = arith.andi %eq3A_225, %lt3A_228 : vector<128x128xi1>
        %or3A_230 = arith.ori %gt3A_222, %and3A_229 : vector<128x128xi1>
        %convert_element_type3A_231 = arith.extui %or3A_230 : vector<128x128xi1> to vector<128x128xi32>
        %add3A_232 = arith.addi %add3A_206, %convert_element_type3A_231 : vector<128x128xi32>
        %scan3A_233 = arith.constant 7 : i32
        %scan3A_234 = arith.addi %scan3A_55, %scan3A_233 : i32
        %mul3A_235 = arith.constant 128 : i32
        %mul3A_236 = arith.muli %scan3A_234, %mul3A_235 : i32
        %get3A_237 = arith.constant 0 : index
        %get3A_238 = arith.index_cast %mul3A_236 : i32 to index
        %get3A_239 = vector.load %arg0[%get3A_237, %get3A_238] : memref<1x8192xf32, #tpu.memory_space<vmem>>, vector<1x128xf32>
        %iota3A_240 = tpu.iota {dimensions = array<i32: 1>} : vector<1x128xi32>
        %mul3A_241 = arith.constant 128 : i32
        %mul3A_242 = arith.muli %scan3A_234, %mul3A_241 : i32
        %add3A_243 = vector.broadcast %mul3A_242 : i32 to vector<1x128xi32>
        %add3A_244 = arith.addi %iota3A_240, %add3A_243 : vector<1x128xi32>
        %convert_element_type3A_245 = arith.sitofp %add3A_244 : vector<1x128xi32> to vector<1x128xf32>
        %gt3A_246 = vector.broadcast %get3A_239 : vector<1x128xf32> to vector<128x128xf32>
        %gt3A_247 = vector.broadcast %dot_general3A_21 : vector<128x1xf32> to vector<128x128xf32>
        %gt3A_248 = arith.cmpf ogt, %gt3A_246, %gt3A_247 : vector<128x128xf32>
        %eq3A_249 = vector.broadcast %get3A_239 : vector<1x128xf32> to vector<128x128xf32>
        %eq3A_250 = vector.broadcast %dot_general3A_21 : vector<128x1xf32> to vector<128x128xf32>
        %eq3A_251 = arith.cmpf oeq, %eq3A_249, %eq3A_250 : vector<128x128xf32>
        %lt3A_252 = vector.broadcast %convert_element_type3A_245 : vector<1x128xf32> to vector<128x128xf32>
        %lt3A_253 = vector.broadcast %convert_element_type3A_26 : vector<128x1xf32> to vector<128x128xf32>
        %lt3A_254 = arith.cmpf olt, %lt3A_252, %lt3A_253 : vector<128x128xf32>
        %and3A_255 = arith.andi %eq3A_251, %lt3A_254 : vector<128x128xi1>
        %or3A_256 = arith.ori %gt3A_248, %and3A_255 : vector<128x128xi1>
        %convert_element_type3A_257 = arith.extui %or3A_256 : vector<128x128xi1> to vector<128x128xi32>
        %add3A_258 = arith.addi %add3A_232, %convert_element_type3A_257 : vector<128x128xi32>
        scf.yield %add3A_258 : vector<128x128xi32>
      }
      %scan3A_34 = arith.constant 64 : i32
      %reduce_sum3A = arith.constant dense<0> : vector<128xi32>
      %reduce_sum3A_35 = vector.multi_reduction <add>, %scan3A_33, %reduce_sum3A [1] : vector<128x128xi32> to vector<128xi32>
      %broadcast_in_dim3A_36 = vector.shape_cast %reduce_sum3A_35 : vector<128xi32> to vector<128x1xi32>
      %eq3A = vector.broadcast %broadcast_in_dim3A_36 : vector<128x1xi32> to vector<128x1024xi32>
      %eq3A_37 = vector.broadcast %iota3A : vector<1x1024xi32> to vector<128x1024xi32>
      %eq3A_38 = arith.cmpi eq, %eq3A, %eq3A_37 : vector<128x1024xi32>
      %jit3A = arith.constant 0.000000e+00 : f32
      %broadcast_in_dim3A_39 = vector.shape_cast %dot_general3A_21 : vector<128x1xf32> to vector<128x1xf32>
      %broadcast_in_dim3A_40 = vector.broadcast %broadcast_in_dim3A_39 : vector<128x1xf32> to vector<128x1024xf32>
      %broadcast_in_dim3A_41 = vector.broadcast %jit3A : f32 to vector<128x1024xf32>
      %select_n3A = arith.select %eq3A_38, %broadcast_in_dim3A_40, %broadcast_in_dim3A_41 : vector<128x1024xi1>, vector<128x1024xf32>
      %reduce_sum3A_42 = arith.constant dense<0.000000e+00> : vector<1024xf32>
      %reduce_sum3A_43 = vector.multi_reduction <add>, %select_n3A, %reduce_sum3A_42 [0] : vector<128x1024xf32> to vector<1024xf32>
      %broadcast_in_dim3A_44 = vector.shape_cast %reduce_sum3A_43 : vector<1024xf32> to vector<1x1024xf32>
      %add3A_45 = arith.addf %scan3A_14, %broadcast_in_dim3A_44 : vector<1x1024xf32>
      %jit3A_46 = arith.constant 0.000000e+00 : f32
      %broadcast_in_dim3A_47 = vector.shape_cast %convert_element_type3A_26 : vector<128x1xf32> to vector<128x1xf32>
      %broadcast_in_dim3A_48 = vector.broadcast %broadcast_in_dim3A_47 : vector<128x1xf32> to vector<128x1024xf32>
      %broadcast_in_dim3A_49 = vector.broadcast %jit3A_46 : f32 to vector<128x1024xf32>
      %select_n3A_50 = arith.select %eq3A_38, %broadcast_in_dim3A_48, %broadcast_in_dim3A_49 : vector<128x1024xi1>, vector<128x1024xf32>
      %reduce_sum3A_51 = arith.constant dense<0.000000e+00> : vector<1024xf32>
      %reduce_sum3A_52 = vector.multi_reduction <add>, %select_n3A_50, %reduce_sum3A_51 [0] : vector<128x1024xf32> to vector<1024xf32>
      %broadcast_in_dim3A_53 = vector.shape_cast %reduce_sum3A_52 : vector<1024xf32> to vector<1x1024xf32>
      %add3A_54 = arith.addf %scan3A_15, %broadcast_in_dim3A_53 : vector<1x1024xf32>
      scf.yield %add3A_45, %add3A_54 : vector<1x1024xf32>, vector<1x1024xf32>
    }
    %scan3A_7 = arith.constant 64 : i32
    %swap3A = arith.constant 0 : index
    %swap3A_8 = arith.constant 0 : index
    %swap3A_9 = vector.load %arg1[%swap3A, %swap3A_8] : memref<1x1024xf32, #tpu.memory_space<vmem>>, vector<1x1024xf32>
    tpu.vector_store %arg1[%swap3A, %swap3A_8], %scan3A_6#0 {strides = array<i32>} : memref<1x1024xf32, #tpu.memory_space<vmem>>, vector<1x1024xf32>,
    %convert_element_type3A = arith.fptosi %scan3A_6#1 : vector<1x1024xf32> to vector<1x1024xi32>
    %swap3A_10 = arith.constant 0 : index
    %swap3A_11 = arith.constant 0 : index
    %swap3A_12 = vector.load %arg2[%swap3A_10, %swap3A_11] : memref<1x1024xi32, #tpu.memory_space<vmem>>, vector<1x1024xi32>
    tpu.vector_store %arg2[%swap3A_10, %swap3A_11], %convert_element_type3A {strides = array<i32>} : memref<1x1024xi32, #tpu.memory_space<vmem>>, vector<1x1024xi32>,
    return
  }
}

module attributes {stable_mosaic.version = 14 : i64} {
  func.func @_resolve_body(%arg0: memref<1x1024xf32, #tpu.memory_space<vmem>>, %arg1: memref<1x1024xf32, #tpu.memory_space<vmem>>, %arg2: memref<1x1024xf32, #tpu.memory_space<vmem>>, %arg3: memref<1x1024xi32, #tpu.memory_space<vmem>>, %arg4: memref<1x1024xi32, #tpu.memory_space<vmem>>, %arg5: memref<1x1024xi32, #tpu.memory_space<vmem>>) attributes {dimension_semantics = [], scalar_prefetch = 0 : i64, scratch_operands = 0 : i64, tpu.core_type = #tpu.core_type<tc>} {
    %get3A = arith.constant 0 : index
    %get3A_0 = arith.constant 0 : index
    %get3A_1 = vector.load %arg2[%get3A, %get3A_0] : memref<1x1024xf32, #tpu.memory_space<vmem>>, vector<1x1024xf32>
    %mul3A = arith.constant 1.22070313E-4 : f32
    %mul3A_2 = vector.broadcast %mul3A : f32 to vector<1x1024xf32>
    %mul3A_3 = arith.mulf %get3A_1, %mul3A_2 : vector<1x1024xf32>
    %floor3A = math.floor %mul3A_3 : vector<1x1024xf32>
    %mul3A_4 = arith.constant 8.192000e+03 : f32
    %mul3A_5 = vector.broadcast %mul3A_4 : f32 to vector<1x1024xf32>
    %mul3A_6 = arith.mulf %floor3A, %mul3A_5 : vector<1x1024xf32>
    %sub3A = arith.subf %get3A_1, %mul3A_6 : vector<1x1024xf32>
    %broadcast_in_dim3A = arith.constant 0.000000e+00 : f32
    %broadcast_in_dim3A_7 = vector.broadcast %broadcast_in_dim3A : f32 to vector<1x1024xf32>
    %broadcast_in_dim3A_8 = arith.constant 0.000000e+00 : f32
    %broadcast_in_dim3A_9 = vector.broadcast %broadcast_in_dim3A_8 : f32 to vector<1x1024xf32>
    %scan3A = arith.constant 0 : i32
    %scan3A_10 = arith.constant 8 : i32
    %scan3A_11 = arith.addi %scan3A, %scan3A_10 : i32
    %scan3A_12 = arith.constant 1 : i32
    %scan3A_13:2 = scf.for %scan3A_33 = %scan3A to %scan3A_11 step %scan3A_12 iter_args(%scan3A_34 = %broadcast_in_dim3A_7, %scan3A_35 = %broadcast_in_dim3A_9) -> (vector<1x1024xf32>, vector<1x1024xf32>)  : i32 {
      %iota3A = tpu.iota {dimensions = array<i32: 0>} : vector<128x1xi32>
      %mul3A_36 = arith.constant 128 : i32
      %mul3A_37 = arith.muli %scan3A_33, %mul3A_36 : i32
      %add3A = vector.broadcast %mul3A_37 : i32 to vector<128x1xi32>
      %add3A_38 = arith.addi %iota3A, %add3A : vector<128x1xi32>
      %convert_element_type3A_39 = arith.sitofp %add3A_38 : vector<128x1xi32> to vector<128x1xf32>
      %mul3A_40 = arith.constant 128 : i32
      %mul3A_41 = arith.muli %scan3A_33, %mul3A_40 : i32
      %get3A_42 = arith.constant 0 : index
      %get3A_43 = arith.index_cast %mul3A_41 : i32 to index
      %get3A_44 = vector.load %arg1[%get3A_42, %get3A_43] : memref<1x1024xf32, #tpu.memory_space<vmem>>, vector<1x128xf32>
      %broadcast_in_dim3A_45 = arith.constant 1.000000e+00 : f32
      %broadcast_in_dim3A_46 = vector.broadcast %broadcast_in_dim3A_45 : f32 to vector<1x1xf32>
      %dot_general3A = arith.constant dense<0.000000e+00> : vector<128x1xf32>
      %dot_general3A_47 = tpu.matmul %get3A_44, %broadcast_in_dim3A_46, %dot_general3A {dimension_numbers = #tpu.dot_dimension_numbers<[0], [0], [1], [1], [0, 1, 1, 1], [], []>, precision = #tpu.contract_precision<fp32>, transpose_lhs_hint = false} : vector<1x128xf32>, vector<1x1xf32>, vector<128x1xf32> -> vector<128x1xf32>
      %mul3A_48 = arith.constant 1.22070313E-4 : f32
      %mul3A_49 = vector.broadcast %mul3A_48 : f32 to vector<128x1xf32>
      %mul3A_50 = arith.mulf %dot_general3A_47, %mul3A_49 : vector<128x1xf32>
      %floor3A_51 = math.floor %mul3A_50 : vector<128x1xf32>
      %mul3A_52 = arith.constant 8.192000e+03 : f32
      %mul3A_53 = vector.broadcast %mul3A_52 : f32 to vector<128x1xf32>
      %mul3A_54 = arith.mulf %floor3A_51, %mul3A_53 : vector<128x1xf32>
      %sub3A_55 = arith.subf %dot_general3A_47, %mul3A_54 : vector<128x1xf32>
      %eq3A = vector.broadcast %convert_element_type3A_39 : vector<128x1xf32> to vector<128x1024xf32>
      %eq3A_56 = vector.broadcast %floor3A : vector<1x1024xf32> to vector<128x1024xf32>
      %eq3A_57 = arith.cmpf oeq, %eq3A, %eq3A_56 : vector<128x1024xf32>
      %jit3A = arith.constant 0.000000e+00 : f32
      %broadcast_in_dim3A_58 = vector.shape_cast %floor3A_51 : vector<128x1xf32> to vector<128x1xf32>
      %broadcast_in_dim3A_59 = vector.broadcast %broadcast_in_dim3A_58 : vector<128x1xf32> to vector<128x1024xf32>
      %broadcast_in_dim3A_60 = vector.broadcast %jit3A : f32 to vector<128x1024xf32>
      %select_n3A = arith.select %eq3A_57, %broadcast_in_dim3A_59, %broadcast_in_dim3A_60 : vector<128x1024xi1>, vector<128x1024xf32>
      %reduce_sum3A = arith.constant dense<0.000000e+00> : vector<1024xf32>
      %reduce_sum3A_61 = vector.multi_reduction <add>, %select_n3A, %reduce_sum3A [0] : vector<128x1024xf32> to vector<1024xf32>
      %broadcast_in_dim3A_62 = vector.shape_cast %reduce_sum3A_61 : vector<1024xf32> to vector<1x1024xf32>
      %add3A_63 = arith.addf %scan3A_34, %broadcast_in_dim3A_62 : vector<1x1024xf32>
      %jit3A_64 = arith.constant 0.000000e+00 : f32
      %broadcast_in_dim3A_65 = vector.shape_cast %sub3A_55 : vector<128x1xf32> to vector<128x1xf32>
      %broadcast_in_dim3A_66 = vector.broadcast %broadcast_in_dim3A_65 : vector<128x1xf32> to vector<128x1024xf32>
      %broadcast_in_dim3A_67 = vector.broadcast %jit3A_64 : f32 to vector<128x1024xf32>
      %select_n3A_68 = arith.select %eq3A_57, %broadcast_in_dim3A_66, %broadcast_in_dim3A_67 : vector<128x1024xi1>, vector<128x1024xf32>
      %reduce_sum3A_69 = arith.constant dense<0.000000e+00> : vector<1024xf32>
      %reduce_sum3A_70 = vector.multi_reduction <add>, %select_n3A_68, %reduce_sum3A_69 [0] : vector<128x1024xf32> to vector<1024xf32>
      %broadcast_in_dim3A_71 = vector.shape_cast %reduce_sum3A_70 : vector<1024xf32> to vector<1x1024xf32>
      %add3A_72 = arith.addf %scan3A_35, %broadcast_in_dim3A_71 : vector<1x1024xf32>
      scf.yield %add3A_63, %add3A_72 : vector<1x1024xf32>, vector<1x1024xf32>
    }
    %scan3A_14 = arith.constant 8 : i32
    %broadcast_in_dim3A_15 = arith.constant 0.000000e+00 : f32
    %broadcast_in_dim3A_16 = vector.broadcast %broadcast_in_dim3A_15 : f32 to vector<1x1024xf32>
    %scan3A_17 = arith.constant 0 : i32
    %scan3A_18 = arith.constant 8 : i32
    %scan3A_19 = arith.addi %scan3A_17, %scan3A_18 : i32
    %scan3A_20 = arith.constant 1 : i32
    %scan3A_21 = scf.for %scan3A_33 = %scan3A_17 to %scan3A_19 step %scan3A_20 iter_args(%scan3A_34 = %broadcast_in_dim3A_16) -> (vector<1x1024xf32>)  : i32 {
      %iota3A = tpu.iota {dimensions = array<i32: 0>} : vector<128x1xi32>
      %mul3A_35 = arith.constant 128 : i32
      %mul3A_36 = arith.muli %scan3A_33, %mul3A_35 : i32
      %add3A = vector.broadcast %mul3A_36 : i32 to vector<128x1xi32>
      %add3A_37 = arith.addi %iota3A, %add3A : vector<128x1xi32>
      %convert_element_type3A_38 = arith.sitofp %add3A_37 : vector<128x1xi32> to vector<128x1xf32>
      %mul3A_39 = arith.constant 128 : i32
      %mul3A_40 = arith.muli %scan3A_33, %mul3A_39 : i32
      %get3A_41 = arith.constant 0 : index
      %get3A_42 = arith.index_cast %mul3A_40 : i32 to index
      %get3A_43 = vector.load %arg0[%get3A_41, %get3A_42] : memref<1x1024xf32, #tpu.memory_space<vmem>>, vector<1x128xf32>
      %broadcast_in_dim3A_44 = arith.constant 1.000000e+00 : f32
      %broadcast_in_dim3A_45 = vector.broadcast %broadcast_in_dim3A_44 : f32 to vector<1x1xf32>
      %dot_general3A = arith.constant dense<0.000000e+00> : vector<128x1xf32>
      %dot_general3A_46 = tpu.matmul %get3A_43, %broadcast_in_dim3A_45, %dot_general3A {dimension_numbers = #tpu.dot_dimension_numbers<[0], [0], [1], [1], [0, 1, 1, 1], [], []>, precision = #tpu.contract_precision<fp32>, transpose_lhs_hint = false} : vector<1x128xf32>, vector<1x1xf32>, vector<128x1xf32> -> vector<128x1xf32>
      %eq3A = vector.broadcast %convert_element_type3A_38 : vector<128x1xf32> to vector<128x1024xf32>
      %eq3A_47 = vector.broadcast %scan3A_13#0 : vector<1x1024xf32> to vector<128x1024xf32>
      %eq3A_48 = arith.cmpf oeq, %eq3A, %eq3A_47 : vector<128x1024xf32>
      %jit3A = arith.constant 0.000000e+00 : f32
      %broadcast_in_dim3A_49 = vector.shape_cast %dot_general3A_46 : vector<128x1xf32> to vector<128x1xf32>
      %broadcast_in_dim3A_50 = vector.broadcast %broadcast_in_dim3A_49 : vector<128x1xf32> to vector<128x1024xf32>
      %broadcast_in_dim3A_51 = vector.broadcast %jit3A : f32 to vector<128x1024xf32>
      %select_n3A = arith.select %eq3A_48, %broadcast_in_dim3A_50, %broadcast_in_dim3A_51 : vector<128x1024xi1>, vector<128x1024xf32>
      %reduce_sum3A = arith.constant dense<0.000000e+00> : vector<1024xf32>
      %reduce_sum3A_52 = vector.multi_reduction <add>, %select_n3A, %reduce_sum3A [0] : vector<128x1024xf32> to vector<1024xf32>
      %broadcast_in_dim3A_53 = vector.shape_cast %reduce_sum3A_52 : vector<1024xf32> to vector<1x1024xf32>
      %add3A_54 = arith.addf %scan3A_34, %broadcast_in_dim3A_53 : vector<1x1024xf32>
      scf.yield %add3A_54 : vector<1x1024xf32>
    }
    %scan3A_22 = arith.constant 8 : i32
    %convert_element_type3A = arith.fptosi %scan3A_21 : vector<1x1024xf32> to vector<1x1024xi32>
    %swap3A = arith.constant 0 : index
    %swap3A_23 = arith.constant 0 : index
    %swap3A_24 = vector.load %arg3[%swap3A, %swap3A_23] : memref<1x1024xi32, #tpu.memory_space<vmem>>, vector<1x1024xi32>
    tpu.vector_store %arg3[%swap3A, %swap3A_23], %convert_element_type3A {strides = array<i32>} : memref<1x1024xi32, #tpu.memory_space<vmem>>, vector<1x1024xi32>,
    %convert_element_type3A_25 = arith.fptosi %scan3A_13#1 : vector<1x1024xf32> to vector<1x1024xi32>
    %swap3A_26 = arith.constant 0 : index
    %swap3A_27 = arith.constant 0 : index
    %swap3A_28 = vector.load %arg4[%swap3A_26, %swap3A_27] : memref<1x1024xi32, #tpu.memory_space<vmem>>, vector<1x1024xi32>
    tpu.vector_store %arg4[%swap3A_26, %swap3A_27], %convert_element_type3A_25 {strides = array<i32>} : memref<1x1024xi32, #tpu.memory_space<vmem>>, vector<1x1024xi32>,
    %convert_element_type3A_29 = arith.fptosi %sub3A : vector<1x1024xf32> to vector<1x1024xi32>
    %swap3A_30 = arith.constant 0 : index
    %swap3A_31 = arith.constant 0 : index
    %swap3A_32 = vector.load %arg5[%swap3A_30, %swap3A_31] : memref<1x1024xi32, #tpu.memory_space<vmem>>, vector<1x1024xi32>
    tpu.vector_store %arg5[%swap3A_30, %swap3A_31], %convert_element_type3A_29 {strides = array<i32>} : memref<1x1024xi32, #tpu.memory_space<vmem>>, vector<1x1024xi32>,
    return
  }
}

module attributes {stable_mosaic.version = 14 : i64} {
  func.func @_mat_body(%arg0: i32, %arg1: memref<1x1x8xf32, #tpu.memory_space<vmem>>, %arg2: memref<1x1x8xi32, #tpu.memory_space<vmem>>, %arg3: memref<1x1x8xi32, #tpu.memory_space<vmem>>, %arg4: memref<1x1x8xi32, #tpu.memory_space<vmem>>, %arg5: memref<1x8192xf32, #tpu.memory_space<vmem>>, %arg6: memref<65536xf32, #tpu.memory_space<vmem>>, %arg7: memref<512x4x128xi32, #tpu.memory_space<vmem>>) attributes {dimension_semantics = [#tpu.dimension_semantics<arbitrary>], iteration_bounds = array<i64: 128>, scalar_prefetch = 0 : i64, scratch_operands = 0 : i64, tpu.core_type = #tpu.core_type<tc>, window_params = [{transform_indices = @transform_0, window_bounds = array<i64: 1, 1, 8>}, {transform_indices = @transform_1, window_bounds = array<i64: 1, 1, 8>}, {transform_indices = @transform_2, window_bounds = array<i64: 1, 1, 8>}, {transform_indices = @transform_3, window_bounds = array<i64: 1, 1, 8>}, {pipeline_mode = #tpu.pipeline_mode<synchronous>, transform_indices = @transform_4, window_bounds = array<i64: 1, 8192>}, {transform_indices = @transform_5, window_bounds = array<i64: 65536>}, {transform_indices = @transform_6, window_bounds = array<i64: 512, 4, 128>}]} {
    %get3A = arith.constant 0 : index
    %get3A_0 = arith.constant 0 : index
    %get3A_1 = vector.load %arg5[%get3A, %get3A_0] : memref<1x8192xf32, #tpu.memory_space<vmem>>, vector<1x8192xf32>
    %iota3A = tpu.iota {dimensions = array<i32: 0>} : vector<64x4x128xi32>
    %mul3A = arith.constant 128 : i32
    %mul3A_2 = vector.broadcast %mul3A : i32 to vector<64x4x128xi32>
    %mul3A_3 = arith.muli %iota3A, %mul3A_2 : vector<64x4x128xi32>
    %iota3A_4 = tpu.iota {dimensions = array<i32: 2>} : vector<64x4x128xi32>
    %add3A = arith.addi %mul3A_3, %iota3A_4 : vector<64x4x128xi32>
    %iota3A_5 = tpu.iota {dimensions = array<i32: 1>} : vector<64x4x128xi32>
    %get3A_6 = arith.constant 0 : index
    %get3A_7 = arith.constant 0 : index
    %get3A_8 = arith.constant 0 : index
    %get3A_9 = vector.load %arg1[%get3A_6, %get3A_7, %get3A_8] : memref<1x1x8xf32, #tpu.memory_space<vmem>>, vector<1x1x1xf32>
    %get3A_10 = vector.extract %get3A_9[0, 0, 0] : f32 from vector<1x1x1xf32>
    %mul3A_11 = vector.broadcast %get3A_10 : f32 to vector<1x8192xf32>
    %mul3A_12 = arith.mulf %mul3A_11, %get3A_1 : vector<1x8192xf32>
    %reshape3A = vector.shape_cast %mul3A_12 : vector<1x8192xf32> to vector<8192xf32>
    %swap3A = arith.constant 0 : index
    %swap3A_13 = vector.load %arg6[%swap3A] : memref<65536xf32, #tpu.memory_space<vmem>>, vector<8192xf32>
    tpu.vector_store %arg6[%swap3A], %reshape3A {strides = array<i32>} : memref<65536xf32, #tpu.memory_space<vmem>>, vector<8192xf32>,
    %get3A_14 = arith.constant 0 : index
    %get3A_15 = arith.constant 0 : index
    %get3A_16 = arith.constant 0 : index
    %get3A_17 = vector.load %arg2[%get3A_14, %get3A_15, %get3A_16] : memref<1x1x8xi32, #tpu.memory_space<vmem>>, vector<1x1x1xi32>
    %get3A_18 = vector.extract %get3A_17[0, 0, 0] : i32 from vector<1x1x1xi32>
    %get3A_19 = arith.constant 0 : index
    %get3A_20 = arith.constant 0 : index
    %get3A_21 = arith.constant 0 : index
    %get3A_22 = vector.load %arg3[%get3A_19, %get3A_20, %get3A_21] : memref<1x1x8xi32, #tpu.memory_space<vmem>>, vector<1x1x1xi32>
    %get3A_23 = vector.extract %get3A_22[0, 0, 0] : i32 from vector<1x1x1xi32>
    %get3A_24 = arith.constant 0 : index
    %get3A_25 = arith.constant 0 : index
    %get3A_26 = arith.constant 0 : index
    %get3A_27 = vector.load %arg4[%get3A_24, %get3A_25, %get3A_26] : memref<1x1x8xi32, #tpu.memory_space<vmem>>, vector<1x1x1xi32>
    %get3A_28 = vector.extract %get3A_27[0, 0, 0] : i32 from vector<1x1x1xi32>
    %eq3A = arith.constant 0 : i32
    %eq3A_29 = vector.broadcast %eq3A : i32 to vector<64x4x128xi32>
    %eq3A_30 = arith.cmpi eq, %iota3A_5, %eq3A_29 : vector<64x4x128xi32>
    %eq3A_31 = arith.constant 1 : i32
    %eq3A_32 = vector.broadcast %eq3A_31 : i32 to vector<64x4x128xi32>
    %eq3A_33 = arith.cmpi eq, %iota3A_5, %eq3A_32 : vector<64x4x128xi32>
    %eq3A_34 = arith.constant 2 : i32
    %eq3A_35 = vector.broadcast %eq3A_34 : i32 to vector<64x4x128xi32>
    %eq3A_36 = arith.cmpi eq, %iota3A_5, %eq3A_35 : vector<64x4x128xi32>
    %broadcast_in_dim3A = vector.broadcast %get3A_28 : i32 to vector<64x4x128xi32>
    %select_n3A = arith.select %eq3A_36, %broadcast_in_dim3A, %add3A : vector<64x4x128xi1>, vector<64x4x128xi32>
    %broadcast_in_dim3A_37 = vector.broadcast %get3A_23 : i32 to vector<64x4x128xi32>
    %select_n3A_38 = arith.select %eq3A_33, %broadcast_in_dim3A_37, %select_n3A : vector<64x4x128xi1>, vector<64x4x128xi32>
    %broadcast_in_dim3A_39 = vector.broadcast %get3A_18 : i32 to vector<64x4x128xi32>
    %select_n3A_40 = arith.select %eq3A_30, %broadcast_in_dim3A_39, %select_n3A_38 : vector<64x4x128xi1>, vector<64x4x128xi32>
    %swap3A_41 = arith.constant 0 : index
    %swap3A_42 = arith.constant 0 : index
    %swap3A_43 = arith.constant 0 : index
    %swap3A_44 = vector.load %arg7[%swap3A_41, %swap3A_42, %swap3A_43] : memref<512x4x128xi32, #tpu.memory_space<vmem>>, vector<64x4x128xi32>
    tpu.vector_store %arg7[%swap3A_41, %swap3A_42, %swap3A_43], %select_n3A_40 {strides = array<i32>} : memref<512x4x128xi32, #tpu.memory_space<vmem>>, vector<64x4x128xi32>,
    %get3A_45 = arith.constant 0 : index
    %get3A_46 = arith.constant 0 : index
    %get3A_47 = arith.constant 1 : index
    %get3A_48 = vector.load %arg1[%get3A_45, %get3A_46, %get3A_47] : memref<1x1x8xf32, #tpu.memory_space<vmem>>, vector<1x1x1xf32>
    %get3A_49 = vector.extract %get3A_48[0, 0, 0] : f32 from vector<1x1x1xf32>
    %mul3A_50 = vector.broadcast %get3A_49 : f32 to vector<1x8192xf32>
    %mul3A_51 = arith.mulf %mul3A_50, %get3A_1 : vector<1x8192xf32>
    %reshape3A_52 = vector.shape_cast %mul3A_51 : vector<1x8192xf32> to vector<8192xf32>
    %swap3A_53 = arith.constant 8192 : index
    %swap3A_54 = vector.load %arg6[%swap3A_53] : memref<65536xf32, #tpu.memory_space<vmem>>, vector<8192xf32>
    tpu.vector_store %arg6[%swap3A_53], %reshape3A_52 {strides = array<i32>} : memref<65536xf32, #tpu.memory_space<vmem>>, vector<8192xf32>,
    %get3A_55 = arith.constant 0 : index
    %get3A_56 = arith.constant 0 : index
    %get3A_57 = arith.constant 1 : index
    %get3A_58 = vector.load %arg2[%get3A_55, %get3A_56, %get3A_57] : memref<1x1x8xi32, #tpu.memory_space<vmem>>, vector<1x1x1xi32>
    %get3A_59 = vector.extract %get3A_58[0, 0, 0] : i32 from vector<1x1x1xi32>
    %get3A_60 = arith.constant 0 : index
    %get3A_61 = arith.constant 0 : index
    %get3A_62 = arith.constant 1 : index
    %get3A_63 = vector.load %arg3[%get3A_60, %get3A_61, %get3A_62] : memref<1x1x8xi32, #tpu.memory_space<vmem>>, vector<1x1x1xi32>
    %get3A_64 = vector.extract %get3A_63[0, 0, 0] : i32 from vector<1x1x1xi32>
    %get3A_65 = arith.constant 0 : index
    %get3A_66 = arith.constant 0 : index
    %get3A_67 = arith.constant 1 : index
    %get3A_68 = vector.load %arg4[%get3A_65, %get3A_66, %get3A_67] : memref<1x1x8xi32, #tpu.memory_space<vmem>>, vector<1x1x1xi32>
    %get3A_69 = vector.extract %get3A_68[0, 0, 0] : i32 from vector<1x1x1xi32>
    %eq3A_70 = arith.constant 0 : i32
    %eq3A_71 = vector.broadcast %eq3A_70 : i32 to vector<64x4x128xi32>
    %eq3A_72 = arith.cmpi eq, %iota3A_5, %eq3A_71 : vector<64x4x128xi32>
    %eq3A_73 = arith.constant 1 : i32
    %eq3A_74 = vector.broadcast %eq3A_73 : i32 to vector<64x4x128xi32>
    %eq3A_75 = arith.cmpi eq, %iota3A_5, %eq3A_74 : vector<64x4x128xi32>
    %eq3A_76 = arith.constant 2 : i32
    %eq3A_77 = vector.broadcast %eq3A_76 : i32 to vector<64x4x128xi32>
    %eq3A_78 = arith.cmpi eq, %iota3A_5, %eq3A_77 : vector<64x4x128xi32>
    %broadcast_in_dim3A_79 = vector.broadcast %get3A_69 : i32 to vector<64x4x128xi32>
    %select_n3A_80 = arith.select %eq3A_78, %broadcast_in_dim3A_79, %add3A : vector<64x4x128xi1>, vector<64x4x128xi32>
    %broadcast_in_dim3A_81 = vector.broadcast %get3A_64 : i32 to vector<64x4x128xi32>
    %select_n3A_82 = arith.select %eq3A_75, %broadcast_in_dim3A_81, %select_n3A_80 : vector<64x4x128xi1>, vector<64x4x128xi32>
    %broadcast_in_dim3A_83 = vector.broadcast %get3A_59 : i32 to vector<64x4x128xi32>
    %select_n3A_84 = arith.select %eq3A_72, %broadcast_in_dim3A_83, %select_n3A_82 : vector<64x4x128xi1>, vector<64x4x128xi32>
    %swap3A_85 = arith.constant 64 : index
    %swap3A_86 = arith.constant 0 : index
    %swap3A_87 = arith.constant 0 : index
    %swap3A_88 = vector.load %arg7[%swap3A_85, %swap3A_86, %swap3A_87] : memref<512x4x128xi32, #tpu.memory_space<vmem>>, vector<64x4x128xi32>
    tpu.vector_store %arg7[%swap3A_85, %swap3A_86, %swap3A_87], %select_n3A_84 {strides = array<i32>} : memref<512x4x128xi32, #tpu.memory_space<vmem>>, vector<64x4x128xi32>,
    %get3A_89 = arith.constant 0 : index
    %get3A_90 = arith.constant 0 : index
    %get3A_91 = arith.constant 2 : index
    %get3A_92 = vector.load %arg1[%get3A_89, %get3A_90, %get3A_91] : memref<1x1x8xf32, #tpu.memory_space<vmem>>, vector<1x1x1xf32>
    %get3A_93 = vector.extract %get3A_92[0, 0, 0] : f32 from vector<1x1x1xf32>
    %mul3A_94 = vector.broadcast %get3A_93 : f32 to vector<1x8192xf32>
    %mul3A_95 = arith.mulf %mul3A_94, %get3A_1 : vector<1x8192xf32>
    %reshape3A_96 = vector.shape_cast %mul3A_95 : vector<1x8192xf32> to vector<8192xf32>
    %swap3A_97 = arith.constant 16384 : index
    %swap3A_98 = vector.load %arg6[%swap3A_97] : memref<65536xf32, #tpu.memory_space<vmem>>, vector<8192xf32>
    tpu.vector_store %arg6[%swap3A_97], %reshape3A_96 {strides = array<i32>} : memref<65536xf32, #tpu.memory_space<vmem>>, vector<8192xf32>,
    %get3A_99 = arith.constant 0 : index
    %get3A_100 = arith.constant 0 : index
    %get3A_101 = arith.constant 2 : index
    %get3A_102 = vector.load %arg2[%get3A_99, %get3A_100, %get3A_101] : memref<1x1x8xi32, #tpu.memory_space<vmem>>, vector<1x1x1xi32>
    %get3A_103 = vector.extract %get3A_102[0, 0, 0] : i32 from vector<1x1x1xi32>
    %get3A_104 = arith.constant 0 : index
    %get3A_105 = arith.constant 0 : index
    %get3A_106 = arith.constant 2 : index
    %get3A_107 = vector.load %arg3[%get3A_104, %get3A_105, %get3A_106] : memref<1x1x8xi32, #tpu.memory_space<vmem>>, vector<1x1x1xi32>
    %get3A_108 = vector.extract %get3A_107[0, 0, 0] : i32 from vector<1x1x1xi32>
    %get3A_109 = arith.constant 0 : index
    %get3A_110 = arith.constant 0 : index
    %get3A_111 = arith.constant 2 : index
    %get3A_112 = vector.load %arg4[%get3A_109, %get3A_110, %get3A_111] : memref<1x1x8xi32, #tpu.memory_space<vmem>>, vector<1x1x1xi32>
    %get3A_113 = vector.extract %get3A_112[0, 0, 0] : i32 from vector<1x1x1xi32>
    %eq3A_114 = arith.constant 0 : i32
    %eq3A_115 = vector.broadcast %eq3A_114 : i32 to vector<64x4x128xi32>
    %eq3A_116 = arith.cmpi eq, %iota3A_5, %eq3A_115 : vector<64x4x128xi32>
    %eq3A_117 = arith.constant 1 : i32
    %eq3A_118 = vector.broadcast %eq3A_117 : i32 to vector<64x4x128xi32>
    %eq3A_119 = arith.cmpi eq, %iota3A_5, %eq3A_118 : vector<64x4x128xi32>
    %eq3A_120 = arith.constant 2 : i32
    %eq3A_121 = vector.broadcast %eq3A_120 : i32 to vector<64x4x128xi32>
    %eq3A_122 = arith.cmpi eq, %iota3A_5, %eq3A_121 : vector<64x4x128xi32>
    %broadcast_in_dim3A_123 = vector.broadcast %get3A_113 : i32 to vector<64x4x128xi32>
    %select_n3A_124 = arith.select %eq3A_122, %broadcast_in_dim3A_123, %add3A : vector<64x4x128xi1>, vector<64x4x128xi32>
    %broadcast_in_dim3A_125 = vector.broadcast %get3A_108 : i32 to vector<64x4x128xi32>
    %select_n3A_126 = arith.select %eq3A_119, %broadcast_in_dim3A_125, %select_n3A_124 : vector<64x4x128xi1>, vector<64x4x128xi32>
    %broadcast_in_dim3A_127 = vector.broadcast %get3A_103 : i32 to vector<64x4x128xi32>
    %select_n3A_128 = arith.select %eq3A_116, %broadcast_in_dim3A_127, %select_n3A_126 : vector<64x4x128xi1>, vector<64x4x128xi32>
    %swap3A_129 = arith.constant 128 : index
    %swap3A_130 = arith.constant 0 : index
    %swap3A_131 = arith.constant 0 : index
    %swap3A_132 = vector.load %arg7[%swap3A_129, %swap3A_130, %swap3A_131] : memref<512x4x128xi32, #tpu.memory_space<vmem>>, vector<64x4x128xi32>
    tpu.vector_store %arg7[%swap3A_129, %swap3A_130, %swap3A_131], %select_n3A_128 {strides = array<i32>} : memref<512x4x128xi32, #tpu.memory_space<vmem>>, vector<64x4x128xi32>,
    %get3A_133 = arith.constant 0 : index
    %get3A_134 = arith.constant 0 : index
    %get3A_135 = arith.constant 3 : index
    %get3A_136 = vector.load %arg1[%get3A_133, %get3A_134, %get3A_135] : memref<1x1x8xf32, #tpu.memory_space<vmem>>, vector<1x1x1xf32>
    %get3A_137 = vector.extract %get3A_136[0, 0, 0] : f32 from vector<1x1x1xf32>
    %mul3A_138 = vector.broadcast %get3A_137 : f32 to vector<1x8192xf32>
    %mul3A_139 = arith.mulf %mul3A_138, %get3A_1 : vector<1x8192xf32>
    %reshape3A_140 = vector.shape_cast %mul3A_139 : vector<1x8192xf32> to vector<8192xf32>
    %swap3A_141 = arith.constant 24576 : index
    %swap3A_142 = vector.load %arg6[%swap3A_141] : memref<65536xf32, #tpu.memory_space<vmem>>, vector<8192xf32>
    tpu.vector_store %arg6[%swap3A_141], %reshape3A_140 {strides = array<i32>} : memref<65536xf32, #tpu.memory_space<vmem>>, vector<8192xf32>,
    %get3A_143 = arith.constant 0 : index
    %get3A_144 = arith.constant 0 : index
    %get3A_145 = arith.constant 3 : index
    %get3A_146 = vector.load %arg2[%get3A_143, %get3A_144, %get3A_145] : memref<1x1x8xi32, #tpu.memory_space<vmem>>, vector<1x1x1xi32>
    %get3A_147 = vector.extract %get3A_146[0, 0, 0] : i32 from vector<1x1x1xi32>
    %get3A_148 = arith.constant 0 : index
    %get3A_149 = arith.constant 0 : index
    %get3A_150 = arith.constant 3 : index
    %get3A_151 = vector.load %arg3[%get3A_148, %get3A_149, %get3A_150] : memref<1x1x8xi32, #tpu.memory_space<vmem>>, vector<1x1x1xi32>
    %get3A_152 = vector.extract %get3A_151[0, 0, 0] : i32 from vector<1x1x1xi32>
    %get3A_153 = arith.constant 0 : index
    %get3A_154 = arith.constant 0 : index
    %get3A_155 = arith.constant 3 : index
    %get3A_156 = vector.load %arg4[%get3A_153, %get3A_154, %get3A_155] : memref<1x1x8xi32, #tpu.memory_space<vmem>>, vector<1x1x1xi32>
    %get3A_157 = vector.extract %get3A_156[0, 0, 0] : i32 from vector<1x1x1xi32>
    %eq3A_158 = arith.constant 0 : i32
    %eq3A_159 = vector.broadcast %eq3A_158 : i32 to vector<64x4x128xi32>
    %eq3A_160 = arith.cmpi eq, %iota3A_5, %eq3A_159 : vector<64x4x128xi32>
    %eq3A_161 = arith.constant 1 : i32
    %eq3A_162 = vector.broadcast %eq3A_161 : i32 to vector<64x4x128xi32>
    %eq3A_163 = arith.cmpi eq, %iota3A_5, %eq3A_162 : vector<64x4x128xi32>
    %eq3A_164 = arith.constant 2 : i32
    %eq3A_165 = vector.broadcast %eq3A_164 : i32 to vector<64x4x128xi32>
    %eq3A_166 = arith.cmpi eq, %iota3A_5, %eq3A_165 : vector<64x4x128xi32>
    %broadcast_in_dim3A_167 = vector.broadcast %get3A_157 : i32 to vector<64x4x128xi32>
    %select_n3A_168 = arith.select %eq3A_166, %broadcast_in_dim3A_167, %add3A : vector<64x4x128xi1>, vector<64x4x128xi32>
    %broadcast_in_dim3A_169 = vector.broadcast %get3A_152 : i32 to vector<64x4x128xi32>
    %select_n3A_170 = arith.select %eq3A_163, %broadcast_in_dim3A_169, %select_n3A_168 : vector<64x4x128xi1>, vector<64x4x128xi32>
    %broadcast_in_dim3A_171 = vector.broadcast %get3A_147 : i32 to vector<64x4x128xi32>
    %select_n3A_172 = arith.select %eq3A_160, %broadcast_in_dim3A_171, %select_n3A_170 : vector<64x4x128xi1>, vector<64x4x128xi32>
    %swap3A_173 = arith.constant 192 : index
    %swap3A_174 = arith.constant 0 : index
    %swap3A_175 = arith.constant 0 : index
    %swap3A_176 = vector.load %arg7[%swap3A_173, %swap3A_174, %swap3A_175] : memref<512x4x128xi32, #tpu.memory_space<vmem>>, vector<64x4x128xi32>
    tpu.vector_store %arg7[%swap3A_173, %swap3A_174, %swap3A_175], %select_n3A_172 {strides = array<i32>} : memref<512x4x128xi32, #tpu.memory_space<vmem>>, vector<64x4x128xi32>,
    %get3A_177 = arith.constant 0 : index
    %get3A_178 = arith.constant 0 : index
    %get3A_179 = arith.constant 4 : index
    %get3A_180 = vector.load %arg1[%get3A_177, %get3A_178, %get3A_179] : memref<1x1x8xf32, #tpu.memory_space<vmem>>, vector<1x1x1xf32>
    %get3A_181 = vector.extract %get3A_180[0, 0, 0] : f32 from vector<1x1x1xf32>
    %mul3A_182 = vector.broadcast %get3A_181 : f32 to vector<1x8192xf32>
    %mul3A_183 = arith.mulf %mul3A_182, %get3A_1 : vector<1x8192xf32>
    %reshape3A_184 = vector.shape_cast %mul3A_183 : vector<1x8192xf32> to vector<8192xf32>
    %swap3A_185 = arith.constant 32768 : index
    %swap3A_186 = vector.load %arg6[%swap3A_185] : memref<65536xf32, #tpu.memory_space<vmem>>, vector<8192xf32>
    tpu.vector_store %arg6[%swap3A_185], %reshape3A_184 {strides = array<i32>} : memref<65536xf32, #tpu.memory_space<vmem>>, vector<8192xf32>,
    %get3A_187 = arith.constant 0 : index
    %get3A_188 = arith.constant 0 : index
    %get3A_189 = arith.constant 4 : index
    %get3A_190 = vector.load %arg2[%get3A_187, %get3A_188, %get3A_189] : memref<1x1x8xi32, #tpu.memory_space<vmem>>, vector<1x1x1xi32>
    %get3A_191 = vector.extract %get3A_190[0, 0, 0] : i32 from vector<1x1x1xi32>
    %get3A_192 = arith.constant 0 : index
    %get3A_193 = arith.constant 0 : index
    %get3A_194 = arith.constant 4 : index
    %get3A_195 = vector.load %arg3[%get3A_192, %get3A_193, %get3A_194] : memref<1x1x8xi32, #tpu.memory_space<vmem>>, vector<1x1x1xi32>
    %get3A_196 = vector.extract %get3A_195[0, 0, 0] : i32 from vector<1x1x1xi32>
    %get3A_197 = arith.constant 0 : index
    %get3A_198 = arith.constant 0 : index
    %get3A_199 = arith.constant 4 : index
    %get3A_200 = vector.load %arg4[%get3A_197, %get3A_198, %get3A_199] : memref<1x1x8xi32, #tpu.memory_space<vmem>>, vector<1x1x1xi32>
    %get3A_201 = vector.extract %get3A_200[0, 0, 0] : i32 from vector<1x1x1xi32>
    %eq3A_202 = arith.constant 0 : i32
    %eq3A_203 = vector.broadcast %eq3A_202 : i32 to vector<64x4x128xi32>
    %eq3A_204 = arith.cmpi eq, %iota3A_5, %eq3A_203 : vector<64x4x128xi32>
    %eq3A_205 = arith.constant 1 : i32
    %eq3A_206 = vector.broadcast %eq3A_205 : i32 to vector<64x4x128xi32>
    %eq3A_207 = arith.cmpi eq, %iota3A_5, %eq3A_206 : vector<64x4x128xi32>
    %eq3A_208 = arith.constant 2 : i32
    %eq3A_209 = vector.broadcast %eq3A_208 : i32 to vector<64x4x128xi32>
    %eq3A_210 = arith.cmpi eq, %iota3A_5, %eq3A_209 : vector<64x4x128xi32>
    %broadcast_in_dim3A_211 = vector.broadcast %get3A_201 : i32 to vector<64x4x128xi32>
    %select_n3A_212 = arith.select %eq3A_210, %broadcast_in_dim3A_211, %add3A : vector<64x4x128xi1>, vector<64x4x128xi32>
    %broadcast_in_dim3A_213 = vector.broadcast %get3A_196 : i32 to vector<64x4x128xi32>
    %select_n3A_214 = arith.select %eq3A_207, %broadcast_in_dim3A_213, %select_n3A_212 : vector<64x4x128xi1>, vector<64x4x128xi32>
    %broadcast_in_dim3A_215 = vector.broadcast %get3A_191 : i32 to vector<64x4x128xi32>
    %select_n3A_216 = arith.select %eq3A_204, %broadcast_in_dim3A_215, %select_n3A_214 : vector<64x4x128xi1>, vector<64x4x128xi32>
    %swap3A_217 = arith.constant 256 : index
    %swap3A_218 = arith.constant 0 : index
    %swap3A_219 = arith.constant 0 : index
    %swap3A_220 = vector.load %arg7[%swap3A_217, %swap3A_218, %swap3A_219] : memref<512x4x128xi32, #tpu.memory_space<vmem>>, vector<64x4x128xi32>
    tpu.vector_store %arg7[%swap3A_217, %swap3A_218, %swap3A_219], %select_n3A_216 {strides = array<i32>} : memref<512x4x128xi32, #tpu.memory_space<vmem>>, vector<64x4x128xi32>,
    %get3A_221 = arith.constant 0 : index
    %get3A_222 = arith.constant 0 : index
    %get3A_223 = arith.constant 5 : index
    %get3A_224 = vector.load %arg1[%get3A_221, %get3A_222, %get3A_223] : memref<1x1x8xf32, #tpu.memory_space<vmem>>, vector<1x1x1xf32>
    %get3A_225 = vector.extract %get3A_224[0, 0, 0] : f32 from vector<1x1x1xf32>
    %mul3A_226 = vector.broadcast %get3A_225 : f32 to vector<1x8192xf32>
    %mul3A_227 = arith.mulf %mul3A_226, %get3A_1 : vector<1x8192xf32>
    %reshape3A_228 = vector.shape_cast %mul3A_227 : vector<1x8192xf32> to vector<8192xf32>
    %swap3A_229 = arith.constant 40960 : index
    %swap3A_230 = vector.load %arg6[%swap3A_229] : memref<65536xf32, #tpu.memory_space<vmem>>, vector<8192xf32>
    tpu.vector_store %arg6[%swap3A_229], %reshape3A_228 {strides = array<i32>} : memref<65536xf32, #tpu.memory_space<vmem>>, vector<8192xf32>,
    %get3A_231 = arith.constant 0 : index
    %get3A_232 = arith.constant 0 : index
    %get3A_233 = arith.constant 5 : index
    %get3A_234 = vector.load %arg2[%get3A_231, %get3A_232, %get3A_233] : memref<1x1x8xi32, #tpu.memory_space<vmem>>, vector<1x1x1xi32>
    %get3A_235 = vector.extract %get3A_234[0, 0, 0] : i32 from vector<1x1x1xi32>
    %get3A_236 = arith.constant 0 : index
    %get3A_237 = arith.constant 0 : index
    %get3A_238 = arith.constant 5 : index
    %get3A_239 = vector.load %arg3[%get3A_236, %get3A_237, %get3A_238] : memref<1x1x8xi32, #tpu.memory_space<vmem>>, vector<1x1x1xi32>
    %get3A_240 = vector.extract %get3A_239[0, 0, 0] : i32 from vector<1x1x1xi32>
    %get3A_241 = arith.constant 0 : index
    %get3A_242 = arith.constant 0 : index
    %get3A_243 = arith.constant 5 : index
    %get3A_244 = vector.load %arg4[%get3A_241, %get3A_242, %get3A_243] : memref<1x1x8xi32, #tpu.memory_space<vmem>>, vector<1x1x1xi32>
    %get3A_245 = vector.extract %get3A_244[0, 0, 0] : i32 from vector<1x1x1xi32>
    %eq3A_246 = arith.constant 0 : i32
    %eq3A_247 = vector.broadcast %eq3A_246 : i32 to vector<64x4x128xi32>
    %eq3A_248 = arith.cmpi eq, %iota3A_5, %eq3A_247 : vector<64x4x128xi32>
    %eq3A_249 = arith.constant 1 : i32
    %eq3A_250 = vector.broadcast %eq3A_249 : i32 to vector<64x4x128xi32>
    %eq3A_251 = arith.cmpi eq, %iota3A_5, %eq3A_250 : vector<64x4x128xi32>
    %eq3A_252 = arith.constant 2 : i32
    %eq3A_253 = vector.broadcast %eq3A_252 : i32 to vector<64x4x128xi32>
    %eq3A_254 = arith.cmpi eq, %iota3A_5, %eq3A_253 : vector<64x4x128xi32>
    %broadcast_in_dim3A_255 = vector.broadcast %get3A_245 : i32 to vector<64x4x128xi32>
    %select_n3A_256 = arith.select %eq3A_254, %broadcast_in_dim3A_255, %add3A : vector<64x4x128xi1>, vector<64x4x128xi32>
    %broadcast_in_dim3A_257 = vector.broadcast %get3A_240 : i32 to vector<64x4x128xi32>
    %select_n3A_258 = arith.select %eq3A_251, %broadcast_in_dim3A_257, %select_n3A_256 : vector<64x4x128xi1>, vector<64x4x128xi32>
    %broadcast_in_dim3A_259 = vector.broadcast %get3A_235 : i32 to vector<64x4x128xi32>
    %select_n3A_260 = arith.select %eq3A_248, %broadcast_in_dim3A_259, %select_n3A_258 : vector<64x4x128xi1>, vector<64x4x128xi32>
    %swap3A_261 = arith.constant 320 : index
    %swap3A_262 = arith.constant 0 : index
    %swap3A_263 = arith.constant 0 : index
    %swap3A_264 = vector.load %arg7[%swap3A_261, %swap3A_262, %swap3A_263] : memref<512x4x128xi32, #tpu.memory_space<vmem>>, vector<64x4x128xi32>
    tpu.vector_store %arg7[%swap3A_261, %swap3A_262, %swap3A_263], %select_n3A_260 {strides = array<i32>} : memref<512x4x128xi32, #tpu.memory_space<vmem>>, vector<64x4x128xi32>,
    %get3A_265 = arith.constant 0 : index
    %get3A_266 = arith.constant 0 : index
    %get3A_267 = arith.constant 6 : index
    %get3A_268 = vector.load %arg1[%get3A_265, %get3A_266, %get3A_267] : memref<1x1x8xf32, #tpu.memory_space<vmem>>, vector<1x1x1xf32>
    %get3A_269 = vector.extract %get3A_268[0, 0, 0] : f32 from vector<1x1x1xf32>
    %mul3A_270 = vector.broadcast %get3A_269 : f32 to vector<1x8192xf32>
    %mul3A_271 = arith.mulf %mul3A_270, %get3A_1 : vector<1x8192xf32>
    %reshape3A_272 = vector.shape_cast %mul3A_271 : vector<1x8192xf32> to vector<8192xf32>
    %swap3A_273 = arith.constant 49152 : index
    %swap3A_274 = vector.load %arg6[%swap3A_273] : memref<65536xf32, #tpu.memory_space<vmem>>, vector<8192xf32>
    tpu.vector_store %arg6[%swap3A_273], %reshape3A_272 {strides = array<i32>} : memref<65536xf32, #tpu.memory_space<vmem>>, vector<8192xf32>,
    %get3A_275 = arith.constant 0 : index
    %get3A_276 = arith.constant 0 : index
    %get3A_277 = arith.constant 6 : index
    %get3A_278 = vector.load %arg2[%get3A_275, %get3A_276, %get3A_277] : memref<1x1x8xi32, #tpu.memory_space<vmem>>, vector<1x1x1xi32>
    %get3A_279 = vector.extract %get3A_278[0, 0, 0] : i32 from vector<1x1x1xi32>
    %get3A_280 = arith.constant 0 : index
    %get3A_281 = arith.constant 0 : index
    %get3A_282 = arith.constant 6 : index
    %get3A_283 = vector.load %arg3[%get3A_280, %get3A_281, %get3A_282] : memref<1x1x8xi32, #tpu.memory_space<vmem>>, vector<1x1x1xi32>
    %get3A_284 = vector.extract %get3A_283[0, 0, 0] : i32 from vector<1x1x1xi32>
    %get3A_285 = arith.constant 0 : index
    %get3A_286 = arith.constant 0 : index
    %get3A_287 = arith.constant 6 : index
    %get3A_288 = vector.load %arg4[%get3A_285, %get3A_286, %get3A_287] : memref<1x1x8xi32, #tpu.memory_space<vmem>>, vector<1x1x1xi32>
    %get3A_289 = vector.extract %get3A_288[0, 0, 0] : i32 from vector<1x1x1xi32>
    %eq3A_290 = arith.constant 0 : i32
    %eq3A_291 = vector.broadcast %eq3A_290 : i32 to vector<64x4x128xi32>
    %eq3A_292 = arith.cmpi eq, %iota3A_5, %eq3A_291 : vector<64x4x128xi32>
    %eq3A_293 = arith.constant 1 : i32
    %eq3A_294 = vector.broadcast %eq3A_293 : i32 to vector<64x4x128xi32>
    %eq3A_295 = arith.cmpi eq, %iota3A_5, %eq3A_294 : vector<64x4x128xi32>
    %eq3A_296 = arith.constant 2 : i32
    %eq3A_297 = vector.broadcast %eq3A_296 : i32 to vector<64x4x128xi32>
    %eq3A_298 = arith.cmpi eq, %iota3A_5, %eq3A_297 : vector<64x4x128xi32>
    %broadcast_in_dim3A_299 = vector.broadcast %get3A_289 : i32 to vector<64x4x128xi32>
    %select_n3A_300 = arith.select %eq3A_298, %broadcast_in_dim3A_299, %add3A : vector<64x4x128xi1>, vector<64x4x128xi32>
    %broadcast_in_dim3A_301 = vector.broadcast %get3A_284 : i32 to vector<64x4x128xi32>
    %select_n3A_302 = arith.select %eq3A_295, %broadcast_in_dim3A_301, %select_n3A_300 : vector<64x4x128xi1>, vector<64x4x128xi32>
    %broadcast_in_dim3A_303 = vector.broadcast %get3A_279 : i32 to vector<64x4x128xi32>
    %select_n3A_304 = arith.select %eq3A_292, %broadcast_in_dim3A_303, %select_n3A_302 : vector<64x4x128xi1>, vector<64x4x128xi32>
    %swap3A_305 = arith.constant 384 : index
    %swap3A_306 = arith.constant 0 : index
    %swap3A_307 = arith.constant 0 : index
    %swap3A_308 = vector.load %arg7[%swap3A_305, %swap3A_306, %swap3A_307] : memref<512x4x128xi32, #tpu.memory_space<vmem>>, vector<64x4x128xi32>
    tpu.vector_store %arg7[%swap3A_305, %swap3A_306, %swap3A_307], %select_n3A_304 {strides = array<i32>} : memref<512x4x128xi32, #tpu.memory_space<vmem>>, vector<64x4x128xi32>,
    %get3A_309 = arith.constant 0 : index
    %get3A_310 = arith.constant 0 : index
    %get3A_311 = arith.constant 7 : index
    %get3A_312 = vector.load %arg1[%get3A_309, %get3A_310, %get3A_311] : memref<1x1x8xf32, #tpu.memory_space<vmem>>, vector<1x1x1xf32>
    %get3A_313 = vector.extract %get3A_312[0, 0, 0] : f32 from vector<1x1x1xf32>
    %mul3A_314 = vector.broadcast %get3A_313 : f32 to vector<1x8192xf32>
    %mul3A_315 = arith.mulf %mul3A_314, %get3A_1 : vector<1x8192xf32>
    %reshape3A_316 = vector.shape_cast %mul3A_315 : vector<1x8192xf32> to vector<8192xf32>
    %swap3A_317 = arith.constant 57344 : index
    %swap3A_318 = vector.load %arg6[%swap3A_317] : memref<65536xf32, #tpu.memory_space<vmem>>, vector<8192xf32>
    tpu.vector_store %arg6[%swap3A_317], %reshape3A_316 {strides = array<i32>} : memref<65536xf32, #tpu.memory_space<vmem>>, vector<8192xf32>,
    %get3A_319 = arith.constant 0 : index
    %get3A_320 = arith.constant 0 : index
    %get3A_321 = arith.constant 7 : index
    %get3A_322 = vector.load %arg2[%get3A_319, %get3A_320, %get3A_321] : memref<1x1x8xi32, #tpu.memory_space<vmem>>, vector<1x1x1xi32>
    %get3A_323 = vector.extract %get3A_322[0, 0, 0] : i32 from vector<1x1x1xi32>
    %get3A_324 = arith.constant 0 : index
    %get3A_325 = arith.constant 0 : index
    %get3A_326 = arith.constant 7 : index
    %get3A_327 = vector.load %arg3[%get3A_324, %get3A_325, %get3A_326] : memref<1x1x8xi32, #tpu.memory_space<vmem>>, vector<1x1x1xi32>
    %get3A_328 = vector.extract %get3A_327[0, 0, 0] : i32 from vector<1x1x1xi32>
    %get3A_329 = arith.constant 0 : index
    %get3A_330 = arith.constant 0 : index
    %get3A_331 = arith.constant 7 : index
    %get3A_332 = vector.load %arg4[%get3A_329, %get3A_330, %get3A_331] : memref<1x1x8xi32, #tpu.memory_space<vmem>>, vector<1x1x1xi32>
    %get3A_333 = vector.extract %get3A_332[0, 0, 0] : i32 from vector<1x1x1xi32>
    %eq3A_334 = arith.constant 0 : i32
    %eq3A_335 = vector.broadcast %eq3A_334 : i32 to vector<64x4x128xi32>
    %eq3A_336 = arith.cmpi eq, %iota3A_5, %eq3A_335 : vector<64x4x128xi32>
    %eq3A_337 = arith.constant 1 : i32
    %eq3A_338 = vector.broadcast %eq3A_337 : i32 to vector<64x4x128xi32>
    %eq3A_339 = arith.cmpi eq, %iota3A_5, %eq3A_338 : vector<64x4x128xi32>
    %eq3A_340 = arith.constant 2 : i32
    %eq3A_341 = vector.broadcast %eq3A_340 : i32 to vector<64x4x128xi32>
    %eq3A_342 = arith.cmpi eq, %iota3A_5, %eq3A_341 : vector<64x4x128xi32>
    %broadcast_in_dim3A_343 = vector.broadcast %get3A_333 : i32 to vector<64x4x128xi32>
    %select_n3A_344 = arith.select %eq3A_342, %broadcast_in_dim3A_343, %add3A : vector<64x4x128xi1>, vector<64x4x128xi32>
    %broadcast_in_dim3A_345 = vector.broadcast %get3A_328 : i32 to vector<64x4x128xi32>
    %select_n3A_346 = arith.select %eq3A_339, %broadcast_in_dim3A_345, %select_n3A_344 : vector<64x4x128xi1>, vector<64x4x128xi32>
    %broadcast_in_dim3A_347 = vector.broadcast %get3A_323 : i32 to vector<64x4x128xi32>
    %select_n3A_348 = arith.select %eq3A_336, %broadcast_in_dim3A_347, %select_n3A_346 : vector<64x4x128xi1>, vector<64x4x128xi32>
    %swap3A_349 = arith.constant 448 : index
    %swap3A_350 = arith.constant 0 : index
    %swap3A_351 = arith.constant 0 : index
    %swap3A_352 = vector.load %arg7[%swap3A_349, %swap3A_350, %swap3A_351] : memref<512x4x128xi32, #tpu.memory_space<vmem>>, vector<64x4x128xi32>
    tpu.vector_store %arg7[%swap3A_349, %swap3A_350, %swap3A_351], %select_n3A_348 {strides = array<i32>} : memref<512x4x128xi32, #tpu.memory_space<vmem>>, vector<64x4x128xi32>,
    return
  }
  func.func @transform_0(%arg0: i32) -> (i32, i32, i32) {
    %c0_i32 = arith.constant 0 : i32
    %c0_i32_0 = arith.constant 0 : i32
    %c0_i32_1 = arith.constant 0 : i32
    return %arg0, %c0_i32, %c0_i32_0 : i32, i32, i32
  }
  func.func @transform_1(%arg0: i32) -> (i32, i32, i32) {
    %c0_i32 = arith.constant 0 : i32
    %c0_i32_0 = arith.constant 0 : i32
    %c0_i32_1 = arith.constant 0 : i32
    return %arg0, %c0_i32, %c0_i32_0 : i32, i32, i32
  }
  func.func @transform_2(%arg0: i32) -> (i32, i32, i32) {
    %c0_i32 = arith.constant 0 : i32
    %c0_i32_0 = arith.constant 0 : i32
    %c0_i32_1 = arith.constant 0 : i32
    return %arg0, %c0_i32, %c0_i32_0 : i32, i32, i32
  }
  func.func @transform_3(%arg0: i32) -> (i32, i32, i32) {
    %c0_i32 = arith.constant 0 : i32
    %c0_i32_0 = arith.constant 0 : i32
    %c0_i32_1 = arith.constant 0 : i32
    return %arg0, %c0_i32, %c0_i32_0 : i32, i32, i32
  }
  func.func @transform_4(%arg0: i32) -> (i32, i32) {
    %c0_i32 = arith.constant 0 : i32
    %c0_i32_0 = arith.constant 0 : i32
    %c0_i32_1 = arith.constant 0 : i32
    return %c0_i32, %c0_i32_0 : i32, i32
  }
  func.func @transform_5(%arg0: i32) -> i32 {
    %c0_i32 = arith.constant 0 : i32
    return %arg0 : i32
  }
  func.func @transform_6(%arg0: i32) -> (i32, i32, i32) {
    %c0_i32 = arith.constant 0 : i32
    %c0_i32_0 = arith.constant 0 : i32
    %c0_i32_1 = arith.constant 0 : i32
    return %arg0, %c0_i32, %c0_i32_0 : i32, i32, i32
  }
}

</mosaic_0001>

<sc_bundles>
// kernel: kernel.11.cloned.1.call-start
scs
__scs_entry_jumppad:
0x0: {  	(pc) =	sbr.rel $0x88, $3  }
0x1: {  	(tag) =	ssettag $0x0;
	lr =	simm.s32 $0x1  }
0x2: {  	[smem:$0x3F9D] =	sst lr;
	_ =	strace $0xD0000000  }
0x3: {  	_ = 	snop  }
0x4: {  	_ = 	snop  }
0x5: {  	_ = 	snop  }
0x6: {  	_ = 	snop  }
0x7: {  	_ = 	snop  }
__scs_overlays_trampoline_lowered:
0x8: {  	[smem:$0x3FAC] =	sst s0  }
0x9: {  	[smem:$0x3FAD] =	sst s1  }
0xa: {  	[smem:$0x3FAE] =	sst s2  }
0xb: {  	[smem:$0x3FAF] =	sst s3  }
0xc: {  	[smem:$0x3FB0] =	sst s4  }
0xd: {  	[smem:$0x3FB1] =	sst s5  }
0xe: {  	[smem:$0x3FB2] =	sst s6  }
0xf: {  	[smem:$0x3FB3] =	sst s7  }
0x10: {  	[smem:$0x3FB4] =	sst s8  }
0x11: {  	[smem:$0x3FB5] =	sst s9;
	s0 =	simm.s32 @!p0 $0x0  }
0x12: {  	s1 =	sld [smem:$0x3F9B];
	s0 =	simm.s32 @p0 $0x1  }
0x13: {  	[smem:$0x3FB6] =	sst s0;
	s0 =	simm.s32 @!p1 $0x0  }
0x14: {  	s2 =	sld [smem:$0x3F9A];
	s0 =	simm.s32 @p1 $0x1  }
0x15: {  	[smem:$0x3FB7] =	sst s0;
	s0 =	simm.s32 @!p2 $0x0  }
0x16: {  	s3 =	sld [smem:$0x3FDB];
	s0 =	simm.s32 @p2 $0x1  }
0x17: {  	s4 =	simm.s32 $0x1BF5;
	[smem:$0x3FB9] =	sst s0  }
0x18: {  	s0 =	sld [smem:$0x3F9C];
	_ =	swait.ge [sflag:s4], $0x0  }
0x19: {  	s7 =	sld [smem:$0x3F9D]  }
0x1a: {  	s8 =	sadd.s32 $0xFFFFE003, lr  }
0x1b: {  	s9 =	sadd.s32 $0xFFFFFEF7, lr;
	s5 =	simm.s32 $0xFFFFFFFF;
	p2 =	slt.u32 s8, $0xFFFFF086  }
0x1c: {  	p1 =	slt.u32 s9, $0xF7A;
	s5 =	simm.s32 @!p2 $0x0  }
0x1d: {  	s5 =	simm.s32 @p1 $0x1;
	p0 =	seq.s32 s7, s2  }
0x1e: {  	s7 =	smul.u32 @!p0 $0xF7A, s2;
	p2 =	seq.s32 @!p0 s5, $0x0  }
0x1f: {  	s9 =	smul.u32 $0xF7A, s1;
	s8 =	simm.s32 @!p0 $0x1BF5;
	p2 =	por !p2, p0  }
0x20: {  	[sflag:s8] =	ssyncset.s32 @!p0 $0xFFFFF086;
	s6 =	sadd.s32 @!p0 s3, s7;
	s7 =	simm.s32 @!p0 $0x108  }
0x21: {  	s3 =	sadd.s32 s3, s9;
	s6 =	sadd.s32 @!p0 $0x88, s6;
	s7 =	simm.s32 @p2 $0x1082  }
0x22: {  	[simem:s7], [sflag:s8] =	dma.local @!p0 [hbm:s6], $0xF7A  }
0x23: {  	s9 =	sor.u32 $0xD0000000, s2;
	s6 =	simm.s32 $0x108;
	_ =	swait.ge @!p0 [sflag:s8], $0x0  }
0x24: {  	s3 =	sadd.s32 $0x88, s3;
	s6 =	simm.s32 @!p1 $0x1082;
	[sflag:s4] =	ssyncset.s32 $0xFFFFF086  }
0x25: {  	[simem:s6], [sflag:s4] =	dma.local [hbm:s3], $0xF7A  }
0x26: {  	[smem:$0x3F9D] =	sst s1;
	(tag) =	ssettag s2;
	_ =	strace s9  }
0x27: {  	s1 =	sld [smem:$0x3FAD]  }
0x28: {  	s2 =	sld [smem:$0x3FAE]  }
0x29: {  	s4 =	sld [smem:$0x3FB0]  }
0x2a: {  	p0 =	seq.s32 s5, $0x0;
	s5 =	sld [smem:$0x3FB1]  }
0x2b: {  	s6 =	sld [smem:$0x3FB2]  }
0x2c: {  	s7 =	sld [smem:$0x3FB3]  }
0x2d: {  	s3 =	simm.s32 $0x108;
	s8 =	sld [smem:$0x3FB4]  }
0x2e: {  	s3 =	simm.s32 @!p0 $0x1082;
	s9 =	sld [smem:$0x3FB5]  }
0x2f: {  	lr =	sadd.s32 s0, s3;
	s0 =	sld [smem:$0x3FAC]  }
0x30: {  	s3 =	sld [smem:$0x3FAF]  }
0x31: {  	[smem:$0x3FB8] =	sst s10  }
0x32: {  	s10 =	sld [smem:$0x3FB6];
	_ =	sdelay $0x3  }
0x33: {  	p0 =	seq.s32 s10, $0x1;
	s10 =	sld [smem:$0x3FB8];
	_ =	sdelay $0x3  }
0x34: {  	[smem:$0x3FB8] =	sst s10  }
0x35: {  	s10 =	sld [smem:$0x3FB7];
	_ =	sdelay $0x3  }
0x36: {  	p1 =	seq.s32 s10, $0x1;
	s10 =	sld [smem:$0x3FB8];
	_ =	sdelay $0x3  }
0x37: {  	[smem:$0x3FB8] =	sst s10  }
0x38: {  	s10 =	sld [smem:$0x3FB9]  }
0x39: {  	_ = 	snop;
	(pc) =	sbr.ind lr, $3  }
0x3a: {  	_ = 	snop  }
0x3b: {  	_ = 	snop  }
0x3c: {  	p2 =	seq.s32 s10, $0x1;
	s10 =	sld [smem:$0x3FB8]  }
0x3d: {  	_ =	shalt  }
0x3e: {  	_ =	shalt  }
0x3f: {  	_ =	shalt  }
0x40: {  	_ =	shalt  }
0x41: {  	_ =	shalt  }
0x42: {  	_ =	shalt  }
0x43: {  	_ =	shalt  }
0x44: {  	_ =	shalt  }
0x45: {  	_ =	shalt  }
0x46: {  	_ =	shalt  }
0x47: {  	_ =	shalt  }
0x48: {  	_ =	shalt  }
0x49: {  	_ =	shalt  }
0x4a: {  	_ =	shalt  }
0x4b: {  	_ =	shalt  }
0x4c: {  	_ =	shalt  }
0x4d: {  	_ =	shalt  }
0x4e: {  	_ =	shalt  }
0x4f: {  	_ =	shalt  }
0x50: {  	_ =	shalt  }
0x51: {  	_ =	shalt  }
0x52: {  	_ =	shalt  }
0x53: {  	_ =	shalt  }
0x54: {  	_ =	shalt  }
0x55: {  	_ =	shalt  }
0x56: {  	_ =	shalt  }
0x57: {  	_ =	shalt  }
0x58: {  	_ =	shalt  }
0x59: {  	_ =	shalt  }
0x5a: {  	_ =	shalt  }
0x5b: {  	_ =	shalt  }
0x5c: {  	_ =	shalt  }
0x5d: {  	_ =	shalt  }
0x5e: {  	_ =	shalt  }
0x5f: {  	_ =	shalt  }
0x60: {  	_ =	shalt  }
0x61: {  	_ =	shalt  }
0x62: {  	_ =	shalt  }
0x63: {  	_ =	shalt  }
0x64: {  	_ =	shalt  }
0x65: {  	_ =	shalt  }
0x66: {  	_ =	shalt  }
0x67: {  	_ =	shalt  }
0x68: {  	_ =	shalt  }
0x69: {  	_ =	shalt  }
0x6a: {  	_ =	shalt  }
0x6b: {  	_ =	shalt  }
0x6c: {  	_ =	shalt  }
0x6d: {  	_ =	shalt  }
0x6e: {  	_ =	shalt  }
0x6f: {  	_ =	shalt  }
0x70: {  	_ =	shalt  }
0x71: {  	_ =	shalt  }
0x72: {  	_ =	shalt  }
0x73: {  	_ =	shalt  }
0x74: {  	_ =	shalt  }
0x75: {  	_ =	shalt  }
0x76: {  	_ =	shalt  }
0x77: {  	_ =	shalt  }
0x78: {  	_ =	shalt  }
0x79: {  	_ =	shalt  }
0x7a: {  	_ =	shalt  }
0x7b: {  	_ =	shalt  }
0x7c: {  	_ =	shalt  }
0x7d: {  	_ =	shalt  }
0x7e: {  	_ =	shalt  }
0x7f: {  	_ =	shalt  }
0x80: {  	_ =	shalt  }
0x81: {  	_ =	shalt  }
0x82: {  	_ =	shalt  }
0x83: {  	_ =	shalt  }
0x84: {  	_ =	shalt  }
0x85: {  	_ =	shalt  }
0x86: {  	_ =	shalt  }
0x87: {  	_ =	shalt  }
.Lfunc_end0:
.L_simem_size_0:
called_computation_lowered:
.L_overlay_start_0:
0x88: {  	s2 =	sld [smem:$0x3FD9]  }
0x89: {  	s3 =	sld [smem:$0x3FFE];
	_ =	sdelay $0x1  }
0x8a: {  	s1 =	srdreg.scid  }
0x8b: {  	s0 =	sand.u32 $0x1, s1  }
0x8c: {  	s14 =	sshll.u32 s0, $0xA;
	s2 =	sadd.s32 s3, s2  }
0x8d: {  	s2 =	sadd.s32 s2, s14  }
0x8e: {  	[smem:$0x3FC4] =	sst s2  }
0x8f: {  	_ = 	snop  }
0x90: {  	s2 =	sld [smem:$0x3FD0];
	_ =	sdelay $0x2  }
0x91: {  	s15 =	simm.s32 $0xA;
	s4 =	simm.s32 $0x10  }
0x92: {  	[smem:s4], [sflag:s15] =	dma.local [hbm:s2], $0x1  }
0x93: {  	_ =	swait.eq [sflag:s15], $0x1  }
0x94: {  	[sflag:s15] =	ssyncset.done $0x0  }
0x95: {  	s16 =	sld [smem:$0x10];
	[sflag:s15] =	ssyncadd.s32 $0xFFFFFFFF  }
0x96: {  	s17 =	sld [smem:$0x11];
	(tm) =	ssettm $0x1  }
0x97: {  	s18 =	sld [smem:$0x3FFB];
	_ =	sdelay $0x3  }
0x98: {  	_ =	strace s18  }
0x99: {  	s4 =	sld [smem:$0x3FFC];
	_ =	sdelay $0x3  }
0x9a: {  	_ =	strace s4  }
0x9b: {  	s4 =	sld [smem:$0x3FFD];
	_ =	sdelay $0x3  }
0x9c: {  	_ =	strace s4  }
0x9d: {  	_ =	strace $0x8FFFFFFF  }
0x9e: {  	s19 =	sld [smem:$0x3FDB];
	_ =	sdelay $0x1  }
0x9f: {  	s5 =	simm.s32 $_scs_section_size  }
0xa0: {  	s6 =	simm.s32 $_size__tile_overlayer_lowered;
	s7 =	simm.s32 $_tile_overlayer_lowered  }
0xa1: {  	s22 =	simm.s32 $0x1BFF;
	s21 =	sshll.u32 s7, $0x1;
	s4 =	sadd.s32 s5, s19  }
0xa2: {  	s8 =	simm.s32 $0x0;
	s20 =	sshll.u32 s6, $0x1;
	s6 =	sadd.s32 s21, s4  }
0xa3: {  	[timem:s8], [sflag:s22] =	dma.local [hbm:s6], s20  }
0xa4: {  	_ =	swait.ge [sflag:s22], s20  }
0xa5: {  	s5 =	ssub.s32 $0x0, s20;
	[sflag:s22] =	ssyncset.done $0x0  }
0xa6: {  	[sflag:s22] =	ssyncadd.s32 s5;
	_ =	sdelay $0x1  }
0xa7: {  	s23 =	simm.s32 $0x1B8B  }
0xa8: {  	_ =	swait.ge [sflag:s23], $0x1  }
0xa9: {  	[sflag:s23] =	ssyncset.done $0x0  }
0xaa: {  	s25 =	simm.s32 $0x1B8E;
	s24 =	sld [smem:$0x3FFE];
	[sflag:s23] =	ssyncadd.s32 $0xFFFFFFFF  }
0xab: {  	s26 =	simm.s32 $execute0_lowered;
	[smem:$0x3FD2] =	sst s25  }
0xac: {  	s6 =	sshll.u32 s26, $0x1;
	_ =	strace $0x80000046;
	[dreg:$0x1] =	wrdreg $0xFFFFFFFF  }
0xad: {  	s28 =	simm.s32 $_size_execute0_lowered;
	s4 =	sadd.s32 s4, s6;
	[dreg:$0x0] =	wrdreg $0x0  }
0xae: {  	s6 =	sshll.u32 s28, $0x1;
	[dreg:$0x2] =	wrdreg s4  }
0xaf: {  	[dreg:$0x3] =	wrdreg s6  }
0xb0: {  	[dreg:$0x4] =	wrdreg $0xC0  }
0xb1: {  	_ =	task [dreg:s8], $0x5FFFF  }
0xb2: {  	[dreg:$0x1] =	wrdreg $0xFFFFFFFF  }
0xb3: {  	[dreg:$0x0] =	wrdreg $0x60  }
0xb4: {  	[dreg:$0x2] =	wrdreg s24  }
0xb5: {  	[dreg:$0x3] =	wrdreg s16  }
0xb6: {  	[dreg:$0x4] =	wrdreg s17  }
0xb7: {  	[dreg:$0x5] =	wrdreg $0x9  }
0xb8: {  	_ =	task.clear_ibuf [dreg:s8], $0x6FFFF;
	_ =	strace $0x90000046  }
0xb9: {  	s29 =	simm.s32 $0x9;
	_ =	strace $0x80000048  }
0xba: {  	_ =	swait.ge [sflag:s29], $0x1  }
0xbb: {  	[sflag:s29] =	ssyncadd.s32 $0xFFFFFFFF  }
0xbc: {  	_ =	strace $0x90000048  }
0xbd: {  	_ =	sfence  }
0xbe: {  	s30 =	sld [smem:$0x0];
	_ =	sdelay $0x2  }
0xbf: {  	s31 =	sshll.u32 s1, $0xD;
	s1 =	sshrl.u32 s1, $0x2  }
0xc0: {  	s3 =	sand.u32 $0x4000, s31;
	s1 =	sadd.s32 s1, s30  }
0xc1: {  	s0 =	sor.u32 s3, s0;
	s1 =	sshll.u32 s1, $0x11  }
0xc2: {  	s0 =	sor.u32 s1, s0  }
0xc3: {  	s0 =	sadd.s32 $0x8F2B, s0  }
0xc4: {  	[sflag:s0] =	ssyncadd.remote.s32 $0x1  }
0xc5: {  	_ =	sfence.sel $0xFFFF  }
0xc6: {  	[dreg:$0x0] =	wrdreg $0xFFFFFFFF;
	(pc) =	sbr.abs _section_cstart, $3  }
0xc7: {  	[dreg:$0x1] =	wrdreg $0xFFFFFFFF  }
0xc8: {  	_ =	task.clear_ibuf [dreg:s8], $0x2FFFF;
	_ =	strace $0x9FFFFFFF  }
0xc9: {  	(tm) =	ssettm $0x7FFFFFFF  }
tec
execute0_lowered:
.L_overlay_start_1:
0x0: {  	(tag) =	ssettag $0x1  }
0x1: {  	s6 =	rddreg [dreg:$0x0]  }
0x2: {  	s7 =	rddreg [dreg:$0x1]  }
0x3: {  	s8 =	rddreg [dreg:$0x2]  }
0x4: {  	s0 =	rddreg [dreg:$0x3]  }
0x5: {  	s2 =	simm.s32 $0x0;
	s3 =	srdreg.scid;
	s1 =	stileid.u32  }
0x6: {  	s13 =	simm.s32 $0x2;
	s14 =	simm.s32 $0x100;
	s15 =	simm.s32 $0x200  }
0x7: {  	s16 =	simm.s32 $0x300;
	s17 =	simm.s32 $0x400;
	s18 =	simm.s32 $0x1  }
0x8: {  	s19 =	simm.s32 $0x500;
	s20 =	simm.s32 $0x600;
	s21 =	simm.s32 $0x700  }
0x9: {  	s22 =	simm.s32 $0x800;
	[smem:$0x7FF] =	sst s2;
	s5 =	sand.u32 $0x1, s3  }
0xa: {  	s3 =	sadd.s32 $0x2000, s6;
	s9 =	sshll.u32 s1, $0x6;
	s4 =	sadd.s32 $0x2200, s6  }
0xb: {  	_ =	strace $0x80000047;
	s10 =	sshll.u32 s5, $0x5;
	s30 =	ssub.s32 $0x2, s5  }
0xc: {  	s5 =	sadd.s32 $0x2400, s6;
	s9 =	sor.u32 s10, s9;
	s31 =	sshrl.u32 s30, $0x1  }
0xd: {  	s11 =	sadd.s32 s9, s6;
	s12 =	ssub.s32 s30, s31;
	s6 =	sadd.s32 s7, s9  }
0xe: {  	s7 =	sadd.s32 s8, s9;
	s8 =	sadd.s32 $0x2E00, s11;
	s9 =	sadd.s32 $0x2600, s11  }
0xf: {  	s10 =	sadd.s32 $0x3E00, s11;
	s11 =	sadd.s32 $0x4200, s11;
	s12 =	smax.u32 s12, $0x1  }
.LBB2_1:
0x10: {  	[tilespmem:s2], [sflag:$0x2] =	stream.linear.gather [hbm4b:s6+s2], $0x100, $0x38;
	[tilespmem:$0x900] =	vst v63  }
0x11: {  	_ =	swait.ge [sflag:s13], $0x100  }
0x12: {  	[sflag:s13] =	ssyncset.done $0x0  }
0x13: {  	[sflag:s13] =	ssyncadd.s32 $0xFFFFFF00  }
0x14: {  	[tilespmem:s14], [sflag:$0x2] =	stream.linear.gather [hbm4b:s7+s2], $0x100, $0x38;
	[tilespmem:$0x900] =	vst v63  }
0x15: {  	_ =	swait.ge [sflag:s13], $0x100  }
0x16: {  	[sflag:s13] =	ssyncset.done $0x0  }
0x17: {  	[sflag:s13] =	ssyncadd.s32 $0xFFFFFF00  }
0x18: {  	[tilespmem:s15], [sflag:$0x2] =	stream.linear.gather [hbm4b:s8+s2], $0x100, $0x38;
	[tilespmem:$0x900] =	vst v63  }
0x19: {  	_ =	swait.ge [sflag:s13], $0x100  }
0x1a: {  	[sflag:s13] =	ssyncset.done $0x0  }
0x1b: {  	[sflag:s13] =	ssyncadd.s32 $0xFFFFFF00  }
0x1c: {  	[tilespmem:s16], [sflag:$0x2] =	stream.linear.gather [hbm4b:s9+s2], $0x100, $0x38;
	[tilespmem:$0x900] =	vst v63  }
0x1d: {  	_ =	swait.ge [sflag:s13], $0x100  }
0x1e: {  	[sflag:s13] =	ssyncset.done $0x0  }
0x1f: {  	[sflag:s13] =	ssyncadd.s32 $0xFFFFFF00  }
0x20: {  	[tilespmem:s17], [sflag:$0x1] =	stream.indirect.gather [hbm4b:s3+s14], $0x1, s2, s14, $0xb8;
	[tilespmem:$0x900] =	vst v63  }
0x21: {  	_ =	swait.ge [sflag:s18], $0x100  }
0x22: {  	[sflag:s18] =	ssyncset.done $0x0  }
0x23: {  	[sflag:s18] =	ssyncadd.s32 $0xFFFFFF00  }
0x24: {  	[tilespmem:s19], [sflag:$0x1] =	stream.indirect.gather [hbm4b:s4+s14], $0x1, s14, s14, $0xb8;
	[tilespmem:$0x900] =	vst v63  }
0x25: {  	_ =	swait.ge [sflag:s18], $0x100  }
0x26: {  	[sflag:s18] =	ssyncset.done $0x0  }
0x27: {  	[sflag:s18] =	ssyncadd.s32 $0xFFFFFF00  }
0x28: {  	[tilespmem:s20], [sflag:$0x1] =	stream.indirect.gather [hbm4b:s5+s14], $0x1, s14, s14, $0xb8;
	[tilespmem:$0x900] =	vst v63  }
0x29: {  	_ =	swait.ge [sflag:s18], $0x100  }
0x2a: {  	[sflag:s18] =	ssyncset.done $0x0  }
0x2b: {  	[sflag:s18] =	ssyncadd.s32 $0xFFFFFF00  }
0x2c: {  	v0 =	vld [tilespmem:$0x300]  }
0x2d: {  	v1 =	vld [tilespmem:$0x400]  }
0x2e: {  	v2 =	vld [tilespmem:$0x500]  }
0x2f: {  	v3 =	vld [tilespmem:$0x0]  }
0x30: {  	v4 =	vld [tilespmem:$0x600]  }
0x31: {  	v5 =	vld [tilespmem:$0x200]  }
0x32: {  	v6 =	vld [tilespmem:$0x310]  }
0x33: {  	v7 =	vld [tilespmem:$0x410]  }
0x34: {  	v8 =	vld [tilespmem:$0x510]  }
0x35: {  	v9 =	vld [tilespmem:$0x10]  }
0x36: {  	v10 =	vld [tilespmem:$0x610]  }
0x37: {  	v11 =	vld [tilespmem:$0x210]  }
0x38: {  	v12 =	vld [tilespmem:$0x320]  }
0x39: {  	v13 =	vld [tilespmem:$0x420]  }
0x3a: {  	v14 =	vld [tilespmem:$0x520]  }
0x3b: {  	v15 =	vld [tilespmem:$0x20]  }
0x3c: {  	v16 =	vld [tilespmem:$0x620]  }
0x3d: {  	v17 =	vld [tilespmem:$0x220]  }
0x3e: {  	v18 =	vld [tilespmem:$0x330]  }
0x3f: {  	v19 =	vld [tilespmem:$0x430]  }
0x40: {  	v20 =	vld [tilespmem:$0x530]  }
0x41: {  	v21 =	vld [tilespmem:$0x30]  }
0x42: {  	v22 =	vld [tilespmem:$0x630]  }
0x43: {  	v23 =	vld [tilespmem:$0x230]  }
0x44: {  	v24 =	vld [tilespmem:$0x340]  }
0x45: {  	v25 =	vld [tilespmem:$0x440]  }
0x46: {  	v26 =	vld [tilespmem:$0x540]  }
0x47: {  	v27 =	vld [tilespmem:$0x40]  }
0x48: {  	v28 =	vld [tilespmem:$0x640]  }
0x49: {  	v29 =	vld [tilespmem:$0x240]  }
0x4a: {  	v30 =	vld [tilespmem:$0x350]  }
0x4b: {  	v31 =	vld [tilespmem:$0x450]  }
0x4c: {  	v32 =	vld [tilespmem:$0x550]  }
0x4d: {  	v33 =	vld [tilespmem:$0x50]  }
0x4e: {  	v34 =	vld [tilespmem:$0x650]  }
0x4f: {  	v35 =	vld [tilespmem:$0x250]  }
0x50: {  	v36 =	vld [tilespmem:$0x360]  }
0x51: {  	v37 =	vld [tilespmem:$0x460]  }
0x52: {  	v38 =	vld [tilespmem:$0x560]  }
0x53: {  	v39 =	vld [tilespmem:$0x60]  }
0x54: {  	v40 =	vld [tilespmem:$0x660]  }
0x55: {  	v41 =	vld [tilespmem:$0x260]  }
0x56: {  	v42 =	vld [tilespmem:$0x370]  }
0x57: {  	v43 =	vld [tilespmem:$0x470]  }
0x58: {  	v44 =	vld [tilespmem:$0x570]  }
0x59: {  	v45 =	vld [tilespmem:$0x70]  }
0x5a: {  	v46 =	vld [tilespmem:$0x670]  }
0x5b: {  	v47 =	vld [tilespmem:$0x270]  }
0x5c: {  	v48 =	vld [tilespmem:$0x380]  }
0x5d: {  	v49 =	vld [tilespmem:$0x480]  }
0x5e: {  	v50 =	vld [tilespmem:$0x580];
	v3 =	vcvt.s32.f32 v3;
	v1 =	vmul.f32 v2, v1  }
0x5f: {  	v51 =	vld [tilespmem:$0x80];
	v55 =	vcvt.s32.f32 v9;
	v56 =	vmul.f32 v8, v7  }
0x60: {  	v9 =	vld [tilespmem:$0x680];
	v58 =	vcvt.s32.f32 v15;
	v59 =	vmul.f32 v14, v13  }
0x61: {  	v7 =	vld [tilespmem:$0x280];
	v21 =	vcvt.s32.f32 v21;
	v62 =	vmul.f32 v20, v19  }
0x62: {  	v8 =	vld [tilespmem:$0x390];
	v27 =	vcvt.s32.f32 v27;
	v54 =	vmul.f32 v26, v25  }
0x63: {  	v15 =	vld [tilespmem:$0x590];
	v3 =	vmul.f32 $8.192000000e+03, v3;
	v1 =	vmul.f32 v1, v0  }
0x64: {  	v52 =	vadd.f32 $-1.000000000e+00, v0;
	v13 =	vld [tilespmem:$0x90];
	v2 =	vmul.f32 $8.192000000e+03, v55;
	v57 =	vmul.f32 v56, v6  }
0x65: {  	v53 =	vadd.f32 $-1.000000000e+00, v6;
	v20 =	vld [tilespmem:$0x4A0];
	v60 =	vmul.f32 $8.192000000e+03, v58;
	v63 =	vmul.f32 $8.192000000e+03, v21  }
0x66: {  	v61 =	vadd.f32 $-1.000000000e+00, v12;
	v25 =	vld [tilespmem:$0xA0];
	v19 =	vmul.f32 $8.192000000e+03, v27;
	v55 =	vcvt.s32.f32 v33  }
0x67: {  	v26 =	vld [tilespmem:$0xF0];
	v56 =	vmul.f32 v54, v24;
	v3 =	vadd.f32 v3, v4;
	v2 =	vadd.f32 v2, v10  }
0x68: {  	v21 =	vld [tilespmem:$0x5A0];
	v58 =	vmul.f32 v32, v31;
	v1 =	vadd.f32 v1, v52;
	v14 =	vadd.f32 v63, v22  }
0x69: {  	v27 =	vld [tilespmem:$0x5B0];
	v19 =	vadd.f32 v19, v28;
	v63 =	vcvt.s32.f32 v45;
	v45 =	vadd.f32 $-1.000000000e+00, v36  }
0x6a: {  	v31 =	vld [tilespmem:$0xB0];
	v13 =	vcvt.s32.f32 v13;
	v0 =	vmul.f32 v3, v0;
	v3 =	vadd.f32 v57, v53  }
0x6b: {  	v33 =	vld [tilespmem:$0x6B0];
	v2 =	vmul.f32 v2, v6;
	v6 =	vadd.f32 v60, v16;
	v53 =	vadd.f32 $-1.000000000e+00, v18  }
0x6c: {  	v32 =	vld [tilespmem:$0x3C0];
	v14 =	vmul.f32 v14, v18;
	v57 =	vadd.f32 $-1.000000000e+00, v24;
	v19 =	vmul.f32 v19, v24  }
0x6d: {  	v4 =	vld [tilespmem:$0x490];
	v60 =	vmul.f32 v58, v30;
	v58 =	vadd.f32 $-1.000000000e+00, v42;
	v0 =	vadd.f32 v0, v5  }
0x6e: {  	v10 =	vld [tilespmem:$0x690];
	v5 =	vmul.f32 v59, v12;
	v2 =	vadd.f32 v2, v11;
	v6 =	vmul.f32 v6, v12  }
0x6f: {  	v52 =	vld [tilespmem:$0x290];
	v11 =	vmul.f32 v62, v18;
	v12 =	vmul.f32 $8.192000000e+03, v55;
	v14 =	vadd.f32 v14, v23  }
0x70: {  	v22 =	vld [tilespmem:$0x2A0];
	v59 =	vcvt.s32.f32 v39;
	v18 =	vadd.f32 v56, v57;
	v19 =	vadd.f32 v19, v29  }
0x71: {  	v28 =	vld [tilespmem:$0x3B0];
	v62 =	vadd.f32 $-1.000000000e+00, v30;
	v57 =	vcvt.s32.f32 v51;
	v39 =	vmul.f32 $8.192000000e+03, v13  }
0x72: {  	v16 =	vld [tilespmem:$0x3A0];
	v4 =	vmul.f32 v15, v4;
	v5 =	vadd.f32 v5, v61;
	v6 =	vadd.f32 v6, v17  }
0x73: {  	v24 =	vld [tilespmem:$0x4B0];
	v11 =	vadd.f32 v11, v53;
	v61 =	vmul.f32 v38, v37;
	v23 =	vmul.f32 $8.192000000e+03, v59  }
0x74: {  	[tilespmem:$0x700] =	vst v1;
	v13 =	vld [tilespmem:$0x2C0];
	v12 =	vadd.f32 v12, v34;
	v53 =	vmul.f32 v44, v43;
	v59 =	vmul.f32 v50, v49  }
0x75: {  	[tilespmem:$0x710] =	vst v3;
	v15 =	vld [tilespmem:$0x3D0];
	v1 =	vadd.f32 v60, v62;
	v49 =	vmul.f32 v21, v20;
	v50 =	vcvt.s32.f32 v31  }
0x76: {  	v17 =	vld [tilespmem:$0x6A0];
	[tilespmem:$0x800] =	vst v0;
	v12 =	vmul.f32 v12, v30;
	v29 =	vmul.f32 v61, v36;
	v23 =	vadd.f32 v23, v40  }
0x77: {  	v37 =	vld [tilespmem:$0x2B0];
	[tilespmem:$0x810] =	vst v2;
	v30 =	vmul.f32 $8.192000000e+03, v63;
	v55 =	vmul.f32 v53, v42;
	v40 =	vadd.f32 $-1.000000000e+00, v48  }
0x78: {  	v60 =	vld [tilespmem:$0xC0];
	v63 =	vmul.f32 $8.192000000e+03, v57;
	[tilespmem:$0x820] =	vst v6;
	v6 =	vadd.f32 v39, v10;
	v57 =	vadd.f32 $-1.000000000e+00, v16  }
0x79: {  	v34 =	vld [tilespmem:$0x5C0];
	[tilespmem:$0x830] =	vst v14;
	v38 =	vmul.f32 v59, v48;
	v59 =	vadd.f32 $-1.000000000e+00, v28;
	v54 =	vadd.f32 v12, v35  }
0x7a: {  	v43 =	vld [tilespmem:$0x4D0];
	[tilespmem:$0x740] =	vst v18;
	v4 =	vmul.f32 v4, v8;
	v12 =	vadd.f32 v29, v45;
	v56 =	vadd.f32 v30, v46  }
0x7b: {  	v44 =	vld [tilespmem:$0x5D0];
	[tilespmem:$0x840] =	vst v19;
	v23 =	vmul.f32 v23, v36;
	v2 =	vadd.f32 v55, v58;
	v9 =	vadd.f32 v63, v9  }
0x7c: {  	[tilespmem:$0x720] =	vst v5;
	v29 =	vld [tilespmem:$0x4C0];
	v3 =	vadd.f32 v38, v40;
	v45 =	vadd.f32 $-1.000000000e+00, v8;
	v6 =	vmul.f32 v6, v8  }
0x7d: {  	[tilespmem:$0x730] =	vst v11;
	v30 =	vld [tilespmem:$0x6C0];
	v55 =	vmul.f32 v27, v24;
	v40 =	vadd.f32 $-1.000000000e+00, v15;
	v60 =	vcvt.s32.f32 v60  }
0x7e: {  	[tilespmem:$0x750] =	vst v1;
	v58 =	vld [tilespmem:$0x4E0];
	v61 =	vadd.f32 v23, v41;
	v62 =	vmul.f32 v56, v42;
	v42 =	vcvt.s32.f32 v25  }
0x7f: {  	v35 =	vld [tilespmem:$0x4F0];
	v9 =	vmul.f32 v9, v48;
	[tilespmem:$0x850] =	vst v54;
	v53 =	vadd.f32 v4, v45;
	v6 =	vadd.f32 v6, v52  }
0x80: {  	v38 =	vld [tilespmem:$0x5F0];
	[tilespmem:$0x760] =	vst v12;
	v8 =	vmul.f32 v55, v28;
	v25 =	vmul.f32 $8.192000000e+03, v60;
	v41 =	vadd.f32 v62, v47  }
0x81: {  	v56 =	vld [tilespmem:$0x3E0];
	[tilespmem:$0x770] =	vst v2;
	v46 =	vmul.f32 $8.192000000e+03, v42;
	v48 =	vadd.f32 v9, v7;
	v9 =	vmul.f32 $8.192000000e+03, v50  }
0x82: {  	[tilespmem:$0x780] =	vst v3;
	v47 =	vld [tilespmem:$0xD0];
	v2 =	vadd.f32 v8, v59;
	v62 =	vmul.f32 v34, v29;
	v34 =	vmul.f32 v44, v43  }
0x83: {  	v7 =	vmul.f32 v49, v16;
	[tilespmem:$0x860] =	vst v61;
	v61 =	vld [tilespmem:$0xE0];
	v54 =	vadd.f32 v46, v17;
	v9 =	vadd.f32 v9, v33  }
0x84: {  	v63 =	vld [tilespmem:$0x5E0];
	[tilespmem:$0x790] =	vst v53;
	v33 =	vadd.f32 v25, v30;
	v27 =	vmul.f32 v62, v32;
	v39 =	vmul.f32 v34, v15  }
0x85: {  	[tilespmem:$0x890] =	vst v6;
	v44 =	vld [tilespmem:$0x3F0];
	v5 =	vadd.f32 v7, v57;
	v4 =	vmul.f32 v54, v16;
	v24 =	vmul.f32 v9, v28  }
0x86: {  	v51 =	vld [tilespmem:$0x6D0];
	[tilespmem:$0x870] =	vst v41;
	v53 =	vadd.f32 $-1.000000000e+00, v56;
	v3 =	vmul.f32 v33, v32;
	v9 =	vcvt.s32.f32 v26  }
0x87: {  	v29 =	vld [tilespmem:$0x6E0];
	[tilespmem:$0x880] =	vst v48;
	v28 =	vadd.f32 $-1.000000000e+00, v32;
	v54 =	vmul.f32 v38, v35;
	v10 =	vcvt.s32.f32 v47  }
0x88: {  	v41 =	vld [tilespmem:$0x6F0];
	[tilespmem:$0x7B0] =	vst v2;
	v46 =	vadd.f32 v39, v40;
	v31 =	vadd.f32 v24, v37;
	v37 =	vcvt.s32.f32 v61  }
0x89: {  	[tilespmem:$0x7A0] =	vst v5;
	v47 =	vmul.f32 v63, v58;
	v4 =	vadd.f32 v4, v22;
	v36 =	vmul.f32 $8.192000000e+03, v10  }
0x8a: {  	v17 =	vld [tilespmem:$0x2D0];
	v1 =	vadd.f32 v27, v28;
	v58 =	vmul.f32 v54, v44;
	[tilespmem:$0x7D0] =	vst v46;
	v43 =	vmul.f32 $8.192000000e+03, v37  }
0x8b: {  	v48 =	vld [tilespmem:$0x2E0];
	v59 =	vadd.f32 $-1.000000000e+00, v44;
	[tilespmem:$0x8A0] =	vst v4;
	v42 =	vadd.f32 v36, v51;
	v51 =	vmul.f32 $8.192000000e+03, v9  }
0x8c: {  	v55 =	vld [tilespmem:$0x2F0];
	v45 =	vadd.f32 v3, v13;
	v52 =	vmul.f32 v47, v56;
	[tilespmem:$0x8B0] =	vst v31;
	v50 =	vadd.f32 v43, v29  }
0x8d: {  	[tilespmem:$0x7C0] =	vst v1;
	v62 =	vadd.f32 v58, v59;
	v49 =	vmul.f32 v42, v15;
	v57 =	vadd.f32 v51, v41  }
0x8e: {  	[tilespmem:$0x8C0] =	vst v45;
	v1 =	vadd.f32 v52, v53;
	v56 =	vmul.f32 v50, v56  }
0x8f: {  	[tilespmem:$0x7F0] =	vst v62;
	v0 =	vadd.f32 v49, v17;
	v61 =	vmul.f32 v57, v44  }
0x90: {  	[tilespmem:$0x7E0] =	vst v1;
	v60 =	vadd.f32 v56, v48  }
0x91: {  	[tilespmem:$0x8D0] =	vst v0;
	v63 =	vadd.f32 v61, v55  }
0x92: {  	[tilespmem:$0x8E0] =	vst v60  }
0x93: {  	[tilespmem:$0x8F0] =	vst v63  }
0x94: {  	[hbm4b:s10+s2] =	stream.linear.scatter [tilespmem:s21], [sflag:$0x2], $0x100, $0x38;
	[tilespmem:$0x900] =	vst v63  }
0x95: {  	_ =	swait.ge [sflag:s13], $0x100  }
0x96: {  	p0 =	sne.s32 s12, $0x1;
	[sflag:s13] =	ssyncset.done $0x0  }
.Ltmp0:
0x97: {  	[sflag:s13] =	ssyncadd.s32 $0xFFFFFF00;
	(pc) =	sbr.rel @p0 .LBB2_1-.Ltmp0, $4  }
0x98: {  	[hbm4b:s11+s2] =	stream.linear.scatter [tilespmem:s22], [sflag:$0x2], $0x100, $0x38;
	[tilespmem:$0x900] =	vst v63  }
0x99: {  	_ =	swait.ge [sflag:s13], $0x100  }
0x9a: {  	[sflag:s13] =	ssyncset.done $0x0  }
0x9b: {  	s12 =	sadd.s32 $0xFFFFFFFF, s12;
	[sflag:s13] =	ssyncadd.s32 $0xFFFFFF00  }
0x9c: {  	_ =	sfence.sel $0x180000  }
0x9d: {  	[bflag:$0x0] =	sbarrier.arrive $0xFFFF  }
0x9e: {  	p0 =	sne.s32 s1, $0x0;
	_ =	strace $0x90000047  }
0x9f: {  	s0 =	sadd.s32 @!p0 $0x100000, s0;
	[bflag:$0x2] =	sbarrier.arrive $0xFFFF  }
0xa0: {  	[sflag:s0] =	ssyncadd.tile.s32 @!p0 $0x1;
	_ =	shalt  }
.Lfunc_end2:
_tile_overlayer_lowered:
.L_overlay_start_2:
0xa1: {  	(tag) =	ssettag $0x2  }
0xa2: {  	s0 =	rddreg [dreg:$0x0];
	s2 =	stileid.u32  }
0xa3: {  	s1 =	rddreg [dreg:$0x1];
	p0 =	sne.s32 s2, $0x0  }
0xa4: {  	s3 =	rddreg [dreg:$0x2];
	[bflag:$0x3] =	sbarrier.arrive $0xFFFF;
	s2 =	simm.s32 @!p0 $0x1C02  }
0xa5: {  	[timem:s3], [sflag:s2] =	dma.local @!p0 [hbm:s0], s1  }
0xa6: {  	s0 =	simm.s32 @!p0 $0x2  }
0xa7: {  	_ =	swait.ge @!p0 [sflag:s0], s1  }
0xa8: {  	s1 =	ssub.s32 @!p0 $0x0, s1;
	[sflag:s0] =	ssyncset.done @!p0 $0x0  }
0xa9: {  	[sflag:s0] =	ssyncadd.s32 @!p0 s1  }
0xaa: {  	[bflag:$0x3] =	sbarrier.arrive $0xFFFF  }
0xab: {  	_ =	shalt  }

// kernel: kernel.14.cloned.1.call-start
scs
__scs_entry_jumppad:
0x0: {  	(pc) =	sbr.rel $0x88, $3  }
0x1: {  	(tag) =	ssettag $0x0;
	lr =	simm.s32 $0x1  }
0x2: {  	[smem:$0x3F9D] =	sst lr;
	_ =	strace $0xD0000000  }
0x3: {  	_ = 	snop  }
0x4: {  	_ = 	snop  }
0x5: {  	_ = 	snop  }
0x6: {  	_ = 	snop  }
0x7: {  	_ = 	snop  }
__scs_overlays_trampoline_lowered:
0x8: {  	[smem:$0x3FAC] =	sst s0  }
0x9: {  	[smem:$0x3FAD] =	sst s1  }
0xa: {  	[smem:$0x3FAE] =	sst s2  }
0xb: {  	[smem:$0x3FAF] =	sst s3  }
0xc: {  	[smem:$0x3FB0] =	sst s4  }
0xd: {  	[smem:$0x3FB1] =	sst s5  }
0xe: {  	[smem:$0x3FB2] =	sst s6  }
0xf: {  	[smem:$0x3FB3] =	sst s7  }
0x10: {  	[smem:$0x3FB4] =	sst s8  }
0x11: {  	[smem:$0x3FB5] =	sst s9;
	s0 =	simm.s32 @!p0 $0x0  }
0x12: {  	s1 =	sld [smem:$0x3F9B];
	s0 =	simm.s32 @p0 $0x1  }
0x13: {  	[smem:$0x3FB6] =	sst s0;
	s0 =	simm.s32 @!p1 $0x0  }
0x14: {  	s2 =	sld [smem:$0x3F9A];
	s0 =	simm.s32 @p1 $0x1  }
0x15: {  	[smem:$0x3FB7] =	sst s0;
	s0 =	simm.s32 @!p2 $0x0  }
0x16: {  	s3 =	sld [smem:$0x3FDB];
	s0 =	simm.s32 @p2 $0x1  }
0x17: {  	s4 =	simm.s32 $0x1BF5;
	[smem:$0x3FB9] =	sst s0  }
0x18: {  	s0 =	sld [smem:$0x3F9C];
	_ =	swait.ge [sflag:s4], $0x0  }
0x19: {  	s7 =	sld [smem:$0x3F9D]  }
0x1a: {  	s8 =	sadd.s32 $0xFFFFE003, lr  }
0x1b: {  	s9 =	sadd.s32 $0xFFFFFEF7, lr;
	s5 =	simm.s32 $0xFFFFFFFF;
	p2 =	slt.u32 s8, $0xFFFFF086  }
0x1c: {  	p1 =	slt.u32 s9, $0xF7A;
	s5 =	simm.s32 @!p2 $0x0  }
0x1d: {  	s5 =	simm.s32 @p1 $0x1;
	p0 =	seq.s32 s7, s2  }
0x1e: {  	s7 =	smul.u32 @!p0 $0xF7A, s2;
	p2 =	seq.s32 @!p0 s5, $0x0  }
0x1f: {  	s9 =	smul.u32 $0xF7A, s1;
	s8 =	simm.s32 @!p0 $0x1BF5;
	p2 =	por !p2, p0  }
0x20: {  	[sflag:s8] =	ssyncset.s32 @!p0 $0xFFFFF086;
	s6 =	sadd.s32 @!p0 s3, s7;
	s7 =	simm.s32 @!p0 $0x108  }
0x21: {  	s3 =	sadd.s32 s3, s9;
	s6 =	sadd.s32 @!p0 $0x88, s6;
	s7 =	simm.s32 @p2 $0x1082  }
0x22: {  	[simem:s7], [sflag:s8] =	dma.local @!p0 [hbm:s6], $0xF7A  }
0x23: {  	s9 =	sor.u32 $0xD0000000, s2;
	s6 =	simm.s32 $0x108;
	_ =	swait.ge @!p0 [sflag:s8], $0x0  }
0x24: {  	s3 =	sadd.s32 $0x88, s3;
	s6 =	simm.s32 @!p1 $0x1082;
	[sflag:s4] =	ssyncset.s32 $0xFFFFF086  }
0x25: {  	[simem:s6], [sflag:s4] =	dma.local [hbm:s3], $0xF7A  }
0x26: {  	[smem:$0x3F9D] =	sst s1;
	(tag) =	ssettag s2;
	_ =	strace s9  }
0x27: {  	s1 =	sld [smem:$0x3FAD]  }
0x28: {  	s2 =	sld [smem:$0x3FAE]  }
0x29: {  	s4 =	sld [smem:$0x3FB0]  }
0x2a: {  	p0 =	seq.s32 s5, $0x0;
	s5 =	sld [smem:$0x3FB1]  }
0x2b: {  	s6 =	sld [smem:$0x3FB2]  }
0x2c: {  	s7 =	sld [smem:$0x3FB3]  }
0x2d: {  	s3 =	simm.s32 $0x108;
	s8 =	sld [smem:$0x3FB4]  }
0x2e: {  	s3 =	simm.s32 @!p0 $0x1082;
	s9 =	sld [smem:$0x3FB5]  }
0x2f: {  	lr =	sadd.s32 s0, s3;
	s0 =	sld [smem:$0x3FAC]  }
0x30: {  	s3 =	sld [smem:$0x3FAF]  }
0x31: {  	[smem:$0x3FB8] =	sst s10  }
0x32: {  	s10 =	sld [smem:$0x3FB6];
	_ =	sdelay $0x3  }
0x33: {  	p0 =	seq.s32 s10, $0x1;
	s10 =	sld [smem:$0x3FB8];
	_ =	sdelay $0x3  }
0x34: {  	[smem:$0x3FB8] =	sst s10  }
0x35: {  	s10 =	sld [smem:$0x3FB7];
	_ =	sdelay $0x3  }
0x36: {  	p1 =	seq.s32 s10, $0x1;
	s10 =	sld [smem:$0x3FB8];
	_ =	sdelay $0x3  }
0x37: {  	[smem:$0x3FB8] =	sst s10  }
0x38: {  	s10 =	sld [smem:$0x3FB9]  }
0x39: {  	_ = 	snop;
	(pc) =	sbr.ind lr, $3  }
0x3a: {  	_ = 	snop  }
0x3b: {  	_ = 	snop  }
0x3c: {  	p2 =	seq.s32 s10, $0x1;
	s10 =	sld [smem:$0x3FB8]  }
0x3d: {  	_ =	shalt  }
0x3e: {  	_ =	shalt  }
0x3f: {  	_ =	shalt  }
0x40: {  	_ =	shalt  }
0x41: {  	_ =	shalt  }
0x42: {  	_ =	shalt  }
0x43: {  	_ =	shalt  }
0x44: {  	_ =	shalt  }
0x45: {  	_ =	shalt  }
0x46: {  	_ =	shalt  }
0x47: {  	_ =	shalt  }
0x48: {  	_ =	shalt  }
0x49: {  	_ =	shalt  }
0x4a: {  	_ =	shalt  }
0x4b: {  	_ =	shalt  }
0x4c: {  	_ =	shalt  }
0x4d: {  	_ =	shalt  }
0x4e: {  	_ =	shalt  }
0x4f: {  	_ =	shalt  }
0x50: {  	_ =	shalt  }
0x51: {  	_ =	shalt  }
0x52: {  	_ =	shalt  }
0x53: {  	_ =	shalt  }
0x54: {  	_ =	shalt  }
0x55: {  	_ =	shalt  }
0x56: {  	_ =	shalt  }
0x57: {  	_ =	shalt  }
0x58: {  	_ =	shalt  }
0x59: {  	_ =	shalt  }
0x5a: {  	_ =	shalt  }
0x5b: {  	_ =	shalt  }
0x5c: {  	_ =	shalt  }
0x5d: {  	_ =	shalt  }
0x5e: {  	_ =	shalt  }
0x5f: {  	_ =	shalt  }
0x60: {  	_ =	shalt  }
0x61: {  	_ =	shalt  }
0x62: {  	_ =	shalt  }
0x63: {  	_ =	shalt  }
0x64: {  	_ =	shalt  }
0x65: {  	_ =	shalt  }
0x66: {  	_ =	shalt  }
0x67: {  	_ =	shalt  }
0x68: {  	_ =	shalt  }
0x69: {  	_ =	shalt  }
0x6a: {  	_ =	shalt  }
0x6b: {  	_ =	shalt  }
0x6c: {  	_ =	shalt  }
0x6d: {  	_ =	shalt  }
0x6e: {  	_ =	shalt  }
0x6f: {  	_ =	shalt  }
0x70: {  	_ =	shalt  }
0x71: {  	_ =	shalt  }
0x72: {  	_ =	shalt  }
0x73: {  	_ =	shalt  }
0x74: {  	_ =	shalt  }
0x75: {  	_ =	shalt  }
0x76: {  	_ =	shalt  }
0x77: {  	_ =	shalt  }
0x78: {  	_ =	shalt  }
0x79: {  	_ =	shalt  }
0x7a: {  	_ =	shalt  }
0x7b: {  	_ =	shalt  }
0x7c: {  	_ =	shalt  }
0x7d: {  	_ =	shalt  }
0x7e: {  	_ =	shalt  }
0x7f: {  	_ =	shalt  }
0x80: {  	_ =	shalt  }
0x81: {  	_ =	shalt  }
0x82: {  	_ =	shalt  }
0x83: {  	_ =	shalt  }
0x84: {  	_ =	shalt  }
0x85: {  	_ =	shalt  }
0x86: {  	_ =	shalt  }
0x87: {  	_ =	shalt  }
.Lfunc_end0:
.L_simem_size_0:
called_computation.1_lowered:
.L_overlay_start_0:
0x88: {  	s2 =	sld [smem:$0x3FD9]  }
0x89: {  	s3 =	sld [smem:$0x3FFE];
	_ =	sdelay $0x1  }
0x8a: {  	s1 =	srdreg.scid  }
0x8b: {  	s0 =	sand.u32 $0x1, s1  }
0x8c: {  	s14 =	sshll.u32 s0, $0xA;
	s2 =	sadd.s32 s3, s2  }
0x8d: {  	s2 =	sadd.s32 s2, s14  }
0x8e: {  	[smem:$0x3FC4] =	sst s2  }
0x8f: {  	_ = 	snop  }
0x90: {  	s2 =	sld [smem:$0x3FD0];
	_ =	sdelay $0x2  }
0x91: {  	s15 =	simm.s32 $0xA;
	s4 =	simm.s32 $0x10  }
0x92: {  	[smem:s4], [sflag:s15] =	dma.local [hbm:s2], $0x1  }
0x93: {  	_ =	swait.eq [sflag:s15], $0x1  }
0x94: {  	[sflag:s15] =	ssyncset.done $0x0  }
0x95: {  	s16 =	sld [smem:$0x10];
	[sflag:s15] =	ssyncadd.s32 $0xFFFFFFFF  }
0x96: {  	s17 =	sld [smem:$0x11];
	(tm) =	ssettm $0x1  }
0x97: {  	s18 =	sld [smem:$0x3FFB];
	_ =	sdelay $0x3  }
0x98: {  	_ =	strace s18  }
0x99: {  	s4 =	sld [smem:$0x3FFC];
	_ =	sdelay $0x3  }
0x9a: {  	_ =	strace s4  }
0x9b: {  	s4 =	sld [smem:$0x3FFD];
	_ =	sdelay $0x3  }
0x9c: {  	_ =	strace s4  }
0x9d: {  	_ =	strace $0x8FFFFFFF  }
0x9e: {  	s19 =	sld [smem:$0x3FDB];
	_ =	sdelay $0x1  }
0x9f: {  	s5 =	simm.s32 $_scs_section_size  }
0xa0: {  	s6 =	simm.s32 $_size__tile_overlayer_lowered;
	s7 =	simm.s32 $_tile_overlayer_lowered  }
0xa1: {  	s22 =	simm.s32 $0x1BFF;
	s21 =	sshll.u32 s7, $0x1;
	s4 =	sadd.s32 s5, s19  }
0xa2: {  	s8 =	simm.s32 $0x0;
	s20 =	sshll.u32 s6, $0x1;
	s6 =	sadd.s32 s21, s4  }
0xa3: {  	[timem:s8], [sflag:s22] =	dma.local [hbm:s6], s20  }
0xa4: {  	_ =	swait.ge [sflag:s22], s20  }
0xa5: {  	s5 =	ssub.s32 $0x0, s20;
	[sflag:s22] =	ssyncset.done $0x0  }
0xa6: {  	[sflag:s22] =	ssyncadd.s32 s5;
	_ =	sdelay $0x1  }
0xa7: {  	s23 =	simm.s32 $0x1B8B  }
0xa8: {  	_ =	swait.ge [sflag:s23], $0x1  }
0xa9: {  	[sflag:s23] =	ssyncset.done $0x0  }
0xaa: {  	s25 =	simm.s32 $0x1B8E;
	s24 =	sld [smem:$0x3FFE];
	[sflag:s23] =	ssyncadd.s32 $0xFFFFFFFF  }
0xab: {  	s26 =	simm.s32 $execute0_lowered;
	[smem:$0x3FD2] =	sst s25  }
0xac: {  	s6 =	sshll.u32 s26, $0x1;
	_ =	strace $0x80000049;
	[dreg:$0x1] =	wrdreg $0xFFFFFFFF  }
0xad: {  	s28 =	simm.s32 $_size_execute0_lowered;
	s4 =	sadd.s32 s4, s6;
	[dreg:$0x0] =	wrdreg $0x0  }
0xae: {  	s6 =	sshll.u32 s28, $0x1;
	[dreg:$0x2] =	wrdreg s4  }
0xaf: {  	[dreg:$0x3] =	wrdreg s6  }
0xb0: {  	[dreg:$0x4] =	wrdreg $0xC0  }
0xb1: {  	_ =	task [dreg:s8], $0x5FFFF  }
0xb2: {  	[dreg:$0x1] =	wrdreg $0xFFFFFFFF  }
0xb3: {  	[dreg:$0x0] =	wrdreg $0x60  }
0xb4: {  	[dreg:$0x2] =	wrdreg s24  }
0xb5: {  	[dreg:$0x3] =	wrdreg s16  }
0xb6: {  	[dreg:$0x4] =	wrdreg s17  }
0xb7: {  	[dreg:$0x5] =	wrdreg $0x9  }
0xb8: {  	_ =	task.clear_ibuf [dreg:s8], $0x6FFFF;
	_ =	strace $0x90000049  }
0xb9: {  	s29 =	simm.s32 $0x9;
	_ =	strace $0x8000004B  }
0xba: {  	_ =	swait.ge [sflag:s29], $0x1  }
0xbb: {  	[sflag:s29] =	ssyncadd.s32 $0xFFFFFFFF  }
0xbc: {  	_ =	strace $0x9000004B  }
0xbd: {  	_ =	sfence  }
0xbe: {  	s30 =	sld [smem:$0x0];
	_ =	sdelay $0x2  }
0xbf: {  	s31 =	sshll.u32 s1, $0xD;
	s1 =	sshrl.u32 s1, $0x2  }
0xc0: {  	s3 =	sand.u32 $0x4000, s31;
	s1 =	sadd.s32 s1, s30  }
0xc1: {  	s0 =	sor.u32 s3, s0;
	s1 =	sshll.u32 s1, $0x11  }
0xc2: {  	s0 =	sor.u32 s1, s0  }
0xc3: {  	s0 =	sadd.s32 $0x8F2B, s0  }
0xc4: {  	[sflag:s0] =	ssyncadd.remote.s32 $0x1  }
0xc5: {  	_ =	sfence.sel $0xFFFF  }
0xc6: {  	[dreg:$0x0] =	wrdreg $0xFFFFFFFF;
	(pc) =	sbr.abs _section_cstart, $3  }
0xc7: {  	[dreg:$0x1] =	wrdreg $0xFFFFFFFF  }
0xc8: {  	_ =	task.clear_ibuf [dreg:s8], $0x2FFFF;
	_ =	strace $0x9FFFFFFF  }
0xc9: {  	(tm) =	ssettm $0x7FFFFFFF  }
tec
execute0_lowered:
.L_overlay_start_1:
0x0: {  	(tag) =	ssettag $0x1  }
0x1: {  	s6 =	rddreg [dreg:$0x0]  }
0x2: {  	s10 =	rddreg [dreg:$0x1]  }
0x3: {  	s11 =	rddreg [dreg:$0x2]  }
0x4: {  	s0 =	rddreg [dreg:$0x3]  }
0x5: {  	s2 =	simm.s32 $0x0;
	s3 =	srdreg.scid;
	s1 =	stileid.u32  }
0x6: {  	s14 =	simm.s32 $0x100;
	s15 =	simm.s32 $0x200;
	s16 =	simm.s32 $0x300  }
0x7: {  	s17 =	simm.s32 $0x400;
	s18 =	simm.s32 $0x1;
	s19 =	simm.s32 $0x500  }
0x8: {  	s20 =	simm.s32 $0x600;
	s21 =	simm.s32 $0x700;
	s22 =	simm.s32 $0x800  }
0x9: {  	[smem:$0x7FF] =	sst s2;
	s5 =	sand.u32 $0x1, s3;
	s3 =	sadd.s32 $0x2E00, s6  }
0xa: {  	s7 =	sshll.u32 s1, $0x6;
	s4 =	sadd.s32 $0x4600, s6;
	s8 =	sshll.u32 s5, $0x5  }
0xb: {  	_ =	strace $0x8000004A;
	s30 =	ssub.s32 $0x2, s5;
	s12 =	sor.u32 s8, s7  }
0xc: {  	s5 =	sadd.s32 $0x4800, s6;
	s31 =	sshrl.u32 s30, $0x1;
	s9 =	sadd.s32 s12, s6  }
0xd: {  	s13 =	ssub.s32 s30, s31;
	s10 =	sadd.s32 s10, s12;
	s11 =	sadd.s32 s11, s12  }
0xe: {  	s6 =	sadd.s32 $0x3A00, s9;
	s7 =	sadd.s32 $0x3600, s9;
	s8 =	sadd.s32 $0x3200, s9  }
0xf: {  	s9 =	sadd.s32 $0x2A00, s9;
	s12 =	smax.u32 s13, $0x1;
	s13 =	simm.s32 $0x2  }
.LBB2_1:
0x10: {  	[tilespmem:s2], [sflag:$0x2] =	stream.linear.gather [hbm4b:s6+s2], $0x100, $0x38;
	[tilespmem:$0x900] =	vst v63  }
0x11: {  	_ =	swait.ge [sflag:s13], $0x100  }
0x12: {  	[sflag:s13] =	ssyncset.done $0x0  }
0x13: {  	[sflag:s13] =	ssyncadd.s32 $0xFFFFFF00  }
0x14: {  	[tilespmem:s14], [sflag:$0x2] =	stream.linear.gather [hbm4b:s7+s2], $0x100, $0x38;
	[tilespmem:$0x900] =	vst v63  }
0x15: {  	_ =	swait.ge [sflag:s13], $0x100  }
0x16: {  	[sflag:s13] =	ssyncset.done $0x0  }
0x17: {  	[sflag:s13] =	ssyncadd.s32 $0xFFFFFF00  }
0x18: {  	[tilespmem:s15], [sflag:$0x2] =	stream.linear.gather [hbm4b:s8+s2], $0x100, $0x38;
	[tilespmem:$0x900] =	vst v63  }
0x19: {  	_ =	swait.ge [sflag:s13], $0x100  }
0x1a: {  	[sflag:s13] =	ssyncset.done $0x0  }
0x1b: {  	[sflag:s13] =	ssyncadd.s32 $0xFFFFFF00  }
0x1c: {  	[tilespmem:s16], [sflag:$0x2] =	stream.linear.gather [hbm4b:s9+s2], $0x100, $0x38;
	[tilespmem:$0x900] =	vst v63  }
0x1d: {  	_ =	swait.ge [sflag:s13], $0x100  }
0x1e: {  	[sflag:s13] =	ssyncset.done $0x0  }
0x1f: {  	[sflag:s13] =	ssyncadd.s32 $0xFFFFFF00  }
0x20: {  	[tilespmem:s17], [sflag:$0x1] =	stream.indirect.gather [hbm4b:s3+s14], $0x1, s2, s14, $0xb8;
	[tilespmem:$0x900] =	vst v63  }
0x21: {  	_ =	swait.ge [sflag:s18], $0x100  }
0x22: {  	[sflag:s18] =	ssyncset.done $0x0  }
0x23: {  	[sflag:s18] =	ssyncadd.s32 $0xFFFFFF00  }
0x24: {  	[tilespmem:s19], [sflag:$0x1] =	stream.indirect.gather [hbm4b:s4+s14], $0x1, s14, s14, $0xb8;
	[tilespmem:$0x900] =	vst v63  }
0x25: {  	_ =	swait.ge [sflag:s18], $0x100  }
0x26: {  	[sflag:s18] =	ssyncset.done $0x0  }
0x27: {  	[sflag:s18] =	ssyncadd.s32 $0xFFFFFF00  }
0x28: {  	[tilespmem:s20], [sflag:$0x1] =	stream.indirect.gather [hbm4b:s5+s14], $0x1, s14, s14, $0xb8;
	[tilespmem:$0x900] =	vst v63  }
0x29: {  	_ =	swait.ge [sflag:s18], $0x100  }
0x2a: {  	[sflag:s18] =	ssyncset.done $0x0  }
0x2b: {  	[sflag:s18] =	ssyncadd.s32 $0xFFFFFF00  }
0x2c: {  	v0 =	vld [tilespmem:$0x300]  }
0x2d: {  	v1 =	vld [tilespmem:$0x400]  }
0x2e: {  	v2 =	vld [tilespmem:$0x500]  }
0x2f: {  	v3 =	vld [tilespmem:$0x0]  }
0x30: {  	v4 =	vld [tilespmem:$0x600]  }
0x31: {  	v5 =	vld [tilespmem:$0x200]  }
0x32: {  	v6 =	vld [tilespmem:$0x310]  }
0x33: {  	v7 =	vld [tilespmem:$0x410]  }
0x34: {  	v8 =	vld [tilespmem:$0x510]  }
0x35: {  	v9 =	vld [tilespmem:$0x10]  }
0x36: {  	v10 =	vld [tilespmem:$0x610]  }
0x37: {  	v11 =	vld [tilespmem:$0x210]  }
0x38: {  	v12 =	vld [tilespmem:$0x320]  }
0x39: {  	v13 =	vld [tilespmem:$0x420]  }
0x3a: {  	v14 =	vld [tilespmem:$0x520]  }
0x3b: {  	v15 =	vld [tilespmem:$0x20]  }
0x3c: {  	v16 =	vld [tilespmem:$0x620]  }
0x3d: {  	v17 =	vld [tilespmem:$0x220]  }
0x3e: {  	v18 =	vld [tilespmem:$0x330]  }
0x3f: {  	v19 =	vld [tilespmem:$0x430]  }
0x40: {  	v20 =	vld [tilespmem:$0x530]  }
0x41: {  	v21 =	vld [tilespmem:$0x30]  }
0x42: {  	v22 =	vld [tilespmem:$0x630]  }
0x43: {  	v23 =	vld [tilespmem:$0x230]  }
0x44: {  	v24 =	vld [tilespmem:$0x340]  }
0x45: {  	v25 =	vld [tilespmem:$0x440]  }
0x46: {  	v26 =	vld [tilespmem:$0x540]  }
0x47: {  	v27 =	vld [tilespmem:$0x40]  }
0x48: {  	v28 =	vld [tilespmem:$0x640]  }
0x49: {  	v29 =	vld [tilespmem:$0x240]  }
0x4a: {  	v30 =	vld [tilespmem:$0x350]  }
0x4b: {  	v31 =	vld [tilespmem:$0x450]  }
0x4c: {  	v32 =	vld [tilespmem:$0x550]  }
0x4d: {  	v33 =	vld [tilespmem:$0x50]  }
0x4e: {  	v34 =	vld [tilespmem:$0x650]  }
0x4f: {  	v35 =	vld [tilespmem:$0x250]  }
0x50: {  	v36 =	vld [tilespmem:$0x360]  }
0x51: {  	v37 =	vld [tilespmem:$0x460]  }
0x52: {  	v38 =	vld [tilespmem:$0x560]  }
0x53: {  	v39 =	vld [tilespmem:$0x60]  }
0x54: {  	v40 =	vld [tilespmem:$0x660]  }
0x55: {  	v41 =	vld [tilespmem:$0x260]  }
0x56: {  	v42 =	vld [tilespmem:$0x370]  }
0x57: {  	v43 =	vld [tilespmem:$0x470]  }
0x58: {  	v44 =	vld [tilespmem:$0x570]  }
0x59: {  	v45 =	vld [tilespmem:$0x70]  }
0x5a: {  	v46 =	vld [tilespmem:$0x670]  }
0x5b: {  	v47 =	vld [tilespmem:$0x270]  }
0x5c: {  	v48 =	vld [tilespmem:$0x380]  }
0x5d: {  	v49 =	vld [tilespmem:$0x480]  }
0x5e: {  	v50 =	vld [tilespmem:$0x580];
	v3 =	vcvt.s32.f32 v3;
	v1 =	vmul.f32 v2, v1  }
0x5f: {  	v51 =	vld [tilespmem:$0x80];
	v55 =	vcvt.s32.f32 v9;
	v56 =	vmul.f32 v8, v7  }
0x60: {  	v9 =	vld [tilespmem:$0x680];
	v58 =	vcvt.s32.f32 v15;
	v59 =	vmul.f32 v14, v13  }
0x61: {  	v7 =	vld [tilespmem:$0x280];
	v21 =	vcvt.s32.f32 v21;
	v62 =	vmul.f32 v20, v19  }
0x62: {  	v8 =	vld [tilespmem:$0x390];
	v27 =	vcvt.s32.f32 v27;
	v54 =	vmul.f32 v26, v25  }
0x63: {  	v15 =	vld [tilespmem:$0x590];
	v3 =	vmul.f32 $8.192000000e+03, v3;
	v1 =	vmul.f32 v1, v0  }
0x64: {  	v52 =	vadd.f32 $-1.000000000e+00, v0;
	v13 =	vld [tilespmem:$0x90];
	v2 =	vmul.f32 $8.192000000e+03, v55;
	v57 =	vmul.f32 v56, v6  }
0x65: {  	v53 =	vadd.f32 $-1.000000000e+00, v6;
	v20 =	vld [tilespmem:$0x4A0];
	v60 =	vmul.f32 $8.192000000e+03, v58;
	v63 =	vmul.f32 $8.192000000e+03, v21  }
0x66: {  	v61 =	vadd.f32 $-1.000000000e+00, v12;
	v25 =	vld [tilespmem:$0xA0];
	v19 =	vmul.f32 $8.192000000e+03, v27;
	v55 =	vcvt.s32.f32 v33  }
0x67: {  	v26 =	vld [tilespmem:$0xF0];
	v56 =	vmul.f32 v54, v24;
	v3 =	vadd.f32 v3, v4;
	v2 =	vadd.f32 v2, v10  }
0x68: {  	v21 =	vld [tilespmem:$0x5A0];
	v58 =	vmul.f32 v32, v31;
	v1 =	vadd.f32 v1, v52;
	v14 =	vadd.f32 v63, v22  }
0x69: {  	v27 =	vld [tilespmem:$0x5B0];
	v19 =	vadd.f32 v19, v28;
	v63 =	vcvt.s32.f32 v45;
	v45 =	vadd.f32 $-1.000000000e+00, v36  }
0x6a: {  	v31 =	vld [tilespmem:$0xB0];
	v13 =	vcvt.s32.f32 v13;
	v0 =	vmul.f32 v3, v0;
	v3 =	vadd.f32 v57, v53  }
0x6b: {  	v33 =	vld [tilespmem:$0x6B0];
	v2 =	vmul.f32 v2, v6;
	v6 =	vadd.f32 v60, v16;
	v53 =	vadd.f32 $-1.000000000e+00, v18  }
0x6c: {  	v32 =	vld [tilespmem:$0x3C0];
	v14 =	vmul.f32 v14, v18;
	v57 =	vadd.f32 $-1.000000000e+00, v24;
	v19 =	vmul.f32 v19, v24  }
0x6d: {  	v4 =	vld [tilespmem:$0x490];
	v60 =	vmul.f32 v58, v30;
	v58 =	vadd.f32 $-1.000000000e+00, v42;
	v0 =	vadd.f32 v0, v5  }
0x6e: {  	v10 =	vld [tilespmem:$0x690];
	v5 =	vmul.f32 v59, v12;
	v2 =	vadd.f32 v2, v11;
	v6 =	vmul.f32 v6, v12  }
0x6f: {  	v52 =	vld [tilespmem:$0x290];
	v11 =	vmul.f32 v62, v18;
	v12 =	vmul.f32 $8.192000000e+03, v55;
	v14 =	vadd.f32 v14, v23  }
0x70: {  	v22 =	vld [tilespmem:$0x2A0];
	v59 =	vcvt.s32.f32 v39;
	v18 =	vadd.f32 v56, v57;
	v19 =	vadd.f32 v19, v29  }
0x71: {  	v28 =	vld [tilespmem:$0x3B0];
	v62 =	vadd.f32 $-1.000000000e+00, v30;
	v57 =	vcvt.s32.f32 v51;
	v39 =	vmul.f32 $8.192000000e+03, v13  }
0x72: {  	v16 =	vld [tilespmem:$0x3A0];
	v4 =	vmul.f32 v15, v4;
	v5 =	vadd.f32 v5, v61;
	v6 =	vadd.f32 v6, v17  }
0x73: {  	v24 =	vld [tilespmem:$0x4B0];
	v11 =	vadd.f32 v11, v53;
	v61 =	vmul.f32 v38, v37;
	v23 =	vmul.f32 $8.192000000e+03, v59  }
0x74: {  	[tilespmem:$0x700] =	vst v1;
	v13 =	vld [tilespmem:$0x2C0];
	v12 =	vadd.f32 v12, v34;
	v53 =	vmul.f32 v44, v43;
	v59 =	vmul.f32 v50, v49  }
0x75: {  	[tilespmem:$0x710] =	vst v3;
	v15 =	vld [tilespmem:$0x3D0];
	v1 =	vadd.f32 v60, v62;
	v49 =	vmul.f32 v21, v20;
	v50 =	vcvt.s32.f32 v31  }
0x76: {  	v17 =	vld [tilespmem:$0x6A0];
	[tilespmem:$0x800] =	vst v0;
	v12 =	vmul.f32 v12, v30;
	v29 =	vmul.f32 v61, v36;
	v23 =	vadd.f32 v23, v40  }
0x77: {  	v37 =	vld [tilespmem:$0x2B0];
	[tilespmem:$0x810] =	vst v2;
	v30 =	vmul.f32 $8.192000000e+03, v63;
	v55 =	vmul.f32 v53, v42;
	v40 =	vadd.f32 $-1.000000000e+00, v48  }
0x78: {  	v60 =	vld [tilespmem:$0xC0];
	v63 =	vmul.f32 $8.192000000e+03, v57;
	[tilespmem:$0x820] =	vst v6;
	v6 =	vadd.f32 v39, v10;
	v57 =	vadd.f32 $-1.000000000e+00, v16  }
0x79: {  	v34 =	vld [tilespmem:$0x5C0];
	[tilespmem:$0x830] =	vst v14;
	v38 =	vmul.f32 v59, v48;
	v59 =	vadd.f32 $-1.000000000e+00, v28;
	v54 =	vadd.f32 v12, v35  }
0x7a: {  	v43 =	vld [tilespmem:$0x4D0];
	[tilespmem:$0x740] =	vst v18;
	v4 =	vmul.f32 v4, v8;
	v12 =	vadd.f32 v29, v45;
	v56 =	vadd.f32 v30, v46  }
0x7b: {  	v44 =	vld [tilespmem:$0x5D0];
	[tilespmem:$0x840] =	vst v19;
	v23 =	vmul.f32 v23, v36;
	v2 =	vadd.f32 v55, v58;
	v9 =	vadd.f32 v63, v9  }
0x7c: {  	[tilespmem:$0x720] =	vst v5;
	v29 =	vld [tilespmem:$0x4C0];
	v3 =	vadd.f32 v38, v40;
	v45 =	vadd.f32 $-1.000000000e+00, v8;
	v6 =	vmul.f32 v6, v8  }
0x7d: {  	[tilespmem:$0x730] =	vst v11;
	v30 =	vld [tilespmem:$0x6C0];
	v55 =	vmul.f32 v27, v24;
	v40 =	vadd.f32 $-1.000000000e+00, v15;
	v60 =	vcvt.s32.f32 v60  }
0x7e: {  	[tilespmem:$0x750] =	vst v1;
	v58 =	vld [tilespmem:$0x4E0];
	v61 =	vadd.f32 v23, v41;
	v62 =	vmul.f32 v56, v42;
	v42 =	vcvt.s32.f32 v25  }
0x7f: {  	v35 =	vld [tilespmem:$0x4F0];
	v9 =	vmul.f32 v9, v48;
	[tilespmem:$0x850] =	vst v54;
	v53 =	vadd.f32 v4, v45;
	v6 =	vadd.f32 v6, v52  }
0x80: {  	v38 =	vld [tilespmem:$0x5F0];
	[tilespmem:$0x760] =	vst v12;
	v8 =	vmul.f32 v55, v28;
	v25 =	vmul.f32 $8.192000000e+03, v60;
	v41 =	vadd.f32 v62, v47  }
0x81: {  	v56 =	vld [tilespmem:$0x3E0];
	[tilespmem:$0x770] =	vst v2;
	v46 =	vmul.f32 $8.192000000e+03, v42;
	v48 =	vadd.f32 v9, v7;
	v9 =	vmul.f32 $8.192000000e+03, v50  }
0x82: {  	[tilespmem:$0x780] =	vst v3;
	v47 =	vld [tilespmem:$0xD0];
	v2 =	vadd.f32 v8, v59;
	v62 =	vmul.f32 v34, v29;
	v34 =	vmul.f32 v44, v43  }
0x83: {  	v7 =	vmul.f32 v49, v16;
	[tilespmem:$0x860] =	vst v61;
	v61 =	vld [tilespmem:$0xE0];
	v54 =	vadd.f32 v46, v17;
	v9 =	vadd.f32 v9, v33  }
0x84: {  	v63 =	vld [tilespmem:$0x5E0];
	[tilespmem:$0x790] =	vst v53;
	v33 =	vadd.f32 v25, v30;
	v27 =	vmul.f32 v62, v32;
	v39 =	vmul.f32 v34, v15  }
0x85: {  	[tilespmem:$0x890] =	vst v6;
	v44 =	vld [tilespmem:$0x3F0];
	v5 =	vadd.f32 v7, v57;
	v4 =	vmul.f32 v54, v16;
	v24 =	vmul.f32 v9, v28  }
0x86: {  	v51 =	vld [tilespmem:$0x6D0];
	[tilespmem:$0x870] =	vst v41;
	v53 =	vadd.f32 $-1.000000000e+00, v56;
	v3 =	vmul.f32 v33, v32;
	v9 =	vcvt.s32.f32 v26  }
0x87: {  	v29 =	vld [tilespmem:$0x6E0];
	[tilespmem:$0x880] =	vst v48;
	v28 =	vadd.f32 $-1.000000000e+00, v32;
	v54 =	vmul.f32 v38, v35;
	v10 =	vcvt.s32.f32 v47  }
0x88: {  	v41 =	vld [tilespmem:$0x6F0];
	[tilespmem:$0x7B0] =	vst v2;
	v46 =	vadd.f32 v39, v40;
	v31 =	vadd.f32 v24, v37;
	v37 =	vcvt.s32.f32 v61  }
0x89: {  	[tilespmem:$0x7A0] =	vst v5;
	v47 =	vmul.f32 v63, v58;
	v4 =	vadd.f32 v4, v22;
	v36 =	vmul.f32 $8.192000000e+03, v10  }
0x8a: {  	v17 =	vld [tilespmem:$0x2D0];
	v1 =	vadd.f32 v27, v28;
	v58 =	vmul.f32 v54, v44;
	[tilespmem:$0x7D0] =	vst v46;
	v43 =	vmul.f32 $8.192000000e+03, v37  }
0x8b: {  	v48 =	vld [tilespmem:$0x2E0];
	v59 =	vadd.f32 $-1.000000000e+00, v44;
	[tilespmem:$0x8A0] =	vst v4;
	v42 =	vadd.f32 v36, v51;
	v51 =	vmul.f32 $8.192000000e+03, v9  }
0x8c: {  	v55 =	vld [tilespmem:$0x2F0];
	v45 =	vadd.f32 v3, v13;
	v52 =	vmul.f32 v47, v56;
	[tilespmem:$0x8B0] =	vst v31;
	v50 =	vadd.f32 v43, v29  }
0x8d: {  	[tilespmem:$0x7C0] =	vst v1;
	v62 =	vadd.f32 v58, v59;
	v49 =	vmul.f32 v42, v15;
	v57 =	vadd.f32 v51, v41  }
0x8e: {  	[tilespmem:$0x8C0] =	vst v45;
	v1 =	vadd.f32 v52, v53;
	v56 =	vmul.f32 v50, v56  }
0x8f: {  	[tilespmem:$0x7F0] =	vst v62;
	v0 =	vadd.f32 v49, v17;
	v61 =	vmul.f32 v57, v44  }
0x90: {  	[tilespmem:$0x7E0] =	vst v1;
	v60 =	vadd.f32 v56, v48  }
0x91: {  	[tilespmem:$0x8D0] =	vst v0;
	v63 =	vadd.f32 v61, v55  }
0x92: {  	[tilespmem:$0x8E0] =	vst v60  }
0x93: {  	[tilespmem:$0x8F0] =	vst v63  }
0x94: {  	[hbm4b:s10+s2] =	stream.linear.scatter [tilespmem:s21], [sflag:$0x2], $0x100, $0x38;
	[tilespmem:$0x900] =	vst v63  }
0x95: {  	_ =	swait.ge [sflag:s13], $0x100  }
0x96: {  	p0 =	sne.s32 s12, $0x1;
	[sflag:s13] =	ssyncset.done $0x0  }
.Ltmp0:
0x97: {  	[sflag:s13] =	ssyncadd.s32 $0xFFFFFF00;
	(pc) =	sbr.rel @p0 .LBB2_1-.Ltmp0, $4  }
0x98: {  	[hbm4b:s11+s2] =	stream.linear.scatter [tilespmem:s22], [sflag:$0x2], $0x100, $0x38;
	[tilespmem:$0x900] =	vst v63  }
0x99: {  	_ =	swait.ge [sflag:s13], $0x100  }
0x9a: {  	[sflag:s13] =	ssyncset.done $0x0  }
0x9b: {  	s12 =	sadd.s32 $0xFFFFFFFF, s12;
	[sflag:s13] =	ssyncadd.s32 $0xFFFFFF00  }
0x9c: {  	_ =	sfence.sel $0x180000  }
0x9d: {  	[bflag:$0x0] =	sbarrier.arrive $0xFFFF  }
0x9e: {  	p0 =	sne.s32 s1, $0x0;
	_ =	strace $0x9000004A  }
0x9f: {  	s0 =	sadd.s32 @!p0 $0x100000, s0;
	[bflag:$0x2] =	sbarrier.arrive $0xFFFF  }
0xa0: {  	[sflag:s0] =	ssyncadd.tile.s32 @!p0 $0x1;
	_ =	shalt  }
.Lfunc_end2:
_tile_overlayer_lowered:
.L_overlay_start_2:
0xa1: {  	(tag) =	ssettag $0x2  }
0xa2: {  	s0 =	rddreg [dreg:$0x0];
	s2 =	stileid.u32  }
0xa3: {  	s1 =	rddreg [dreg:$0x1];
	p0 =	sne.s32 s2, $0x0  }
0xa4: {  	s3 =	rddreg [dreg:$0x2];
	[bflag:$0x3] =	sbarrier.arrive $0xFFFF;
	s2 =	simm.s32 @!p0 $0x1C02  }
0xa5: {  	[timem:s3], [sflag:s2] =	dma.local @!p0 [hbm:s0], s1  }
0xa6: {  	s0 =	simm.s32 @!p0 $0x2  }
0xa7: {  	_ =	swait.ge @!p0 [sflag:s0], s1  }
0xa8: {  	s1 =	ssub.s32 @!p0 $0x0, s1;
	[sflag:s0] =	ssyncset.done @!p0 $0x0  }
0xa9: {  	[sflag:s0] =	ssyncadd.s32 @!p0 s1  }
0xaa: {  	[bflag:$0x3] =	sbarrier.arrive $0xFFFF  }
0xab: {  	_ =	shalt  }

</sc_bundles>
